<compile_context>
chip_gen: v7x
topology: tpu7x:2x2x1
jax: 0.10.2.dev20260603
libtpu: 0.0.44.dev20260713+nightly
codegen_flags: <defaults>
</compile_context>

<pallas_src>
import functools

import jax
import jax.numpy as jnp
from jax import lax
from jax.experimental import pallas as pl
from jax.experimental.pallas import tpu as pltpu
from jax.experimental.pallas import tpu_sc as plsc

_IDX_CHUNK = 128
_BLK = 7168
_TBLK = 8192
_DIV_SHIFT = 11
_DIV_MAGIC = 9363
_DIV_POST = 16


def _fold_body(embT_ref, featT_ref, w_ref, b_ref, o_ref):
    dim = w_ref.shape[1]
    eye = (lax.broadcasted_iota(jnp.int32, (dim, dim), 0)
           == lax.broadcasted_iota(jnp.int32, (dim, dim), 1)
           ).astype(jnp.float32)
    rhs = jnp.concatenate((eye, w_ref[...]), axis=0)
    dn = (((0,), (0,)), ((), ()))
    lhs_lo = jnp.concatenate(
        (embT_ref[:, :_BLK], featT_ref[:, :_BLK]), axis=0)
    lhs_hi = jnp.concatenate(
        (embT_ref[:, _BLK:], featT_ref[:, _BLK:]), axis=0)
    bias = b_ref[...]
    o_ref[:, :dim] = lax.dot_general(
        lhs_lo, rhs, dn, preferred_element_type=jnp.float32) + bias
    o_ref[:, dim:] = lax.dot_general(
        lhs_hi, rhs, dn, preferred_element_type=jnp.float32) + bias


@functools.lru_cache(maxsize=None)
def _build_fold(num_ids, dim, fdim):
    nblk = (num_ids + 2 * _BLK - 1) // (2 * _BLK)
    rows = nblk * _BLK
    return pl.pallas_call(
        _fold_body,
        grid=(nblk,),
        in_specs=[
            pl.BlockSpec((dim, 2 * _BLK), lambda i: (0, i)),
            pl.BlockSpec((fdim, 2 * _BLK), lambda i: (0, i)),
            pl.BlockSpec((fdim, dim), lambda i: (0, 0)),
            pl.BlockSpec((1, dim), lambda i: (0, 0)),
        ],
        out_specs=pl.BlockSpec((_BLK, 2 * dim), lambda i: (i, 0)),
        out_shape=jax.ShapeDtypeStruct((rows, 2 * dim), jnp.float32),
    )


@functools.lru_cache(maxsize=None)
def _build_gather(batch, rows2, dim):
    info = plsc.get_sparse_core_info()
    nw = info.num_cores * info.num_subcores
    nc = info.num_cores
    bpw = batch // nw
    ch = bpw // _IDX_CHUNK
    halfb = batch // 2

    mesh = plsc.VectorSubcoreMesh(core_axis_name="c", subcore_axis_name="s")

    @functools.partial(
        pl.kernel,
        mesh=mesh,
        compiler_params=pltpu.CompilerParams(use_tc_tiling_on_sc=False),
        out_type=jax.ShapeDtypeStruct((halfb, 2 * dim), jnp.float32),
        scratch_types=[
            pltpu.VMEM((ch, _IDX_CHUNK), jnp.int32),
            pltpu.VMEM((bpw, dim), jnp.float32),
            pltpu.SemaphoreType.DMA,
        ],
    )
    def gather(idx_hbm, tbl_hbm, out_hbm, idx_v, rows_v, sem):
        wid = lax.axis_index("s") * nc + lax.axis_index("c")
        pltpu.sync_copy(idx_hbm.at[pl.ds(wid * ch, ch)], idx_v)
        for r in range(ch):
            for k in range(_IDX_CHUNK // 16):
                v = idx_v[r, pl.ds(k * 16, 16)]
                y = v >> _DIV_SHIFT
                t = ((y << 13) + (y << 10) + (y << 7)
                     + (y << 4) + (y << 1) + y)
                blk7 = t >> _DIV_POST
                blk7 = (blk7 << 3) - blk7
                off = v - (blk7 << _DIV_SHIFT)
                hi = off >= _BLK
                off2 = jnp.where(hi, off - _BLK, off)
                vp = (((blk7 << (_DIV_SHIFT - 1)) + off2) << 1) + jnp.where(hi, 1, 0)
                idx_v[r, pl.ds(k * 16, 16)] = vp
        copies = []
        for c in range(ch):
            copies.append(pltpu.async_copy(
                tbl_hbm.at[idx_v.at[c]],
                rows_v.at[pl.ds(c * _IDX_CHUNK, _IDX_CHUNK)], sem))
        for cp in copies:
            cp.wait()
        h = wid // (nw // 2)
        p0 = (wid % (nw // 2)) * bpw
        pltpu.sync_copy(rows_v,
                        out_hbm.at[pl.ds(p0, bpw), pl.ds(h * dim, dim)])

    return gather


@functools.lru_cache(maxsize=None)
def _build_tr(batch, dim):
    halfb = batch // 2
    nb = halfb // _TBLK

    def tr_body(g_ref, o_ref):
        h = pl.program_id(1)
        x = g_ref[...]
        xh = jnp.where(h == 0, x[:, :dim], x[:, dim:])
        o_ref[...] = xh.T

    return pl.pallas_call(
        tr_body,
        grid=(nb, 2),
        in_specs=[pl.BlockSpec((_TBLK, 2 * dim), lambda j, h: (j, 0))],
        out_specs=pl.BlockSpec((dim, _TBLK), lambda j, h: (0, h * nb + j)),
        out_shape=jax.ShapeDtypeStruct((dim, batch), jnp.float32),
    )


@jax.jit
def kernel(inputs, emb_table, feature_table, W, b):
    batch = inputs.shape[0]
    num_ids, dim = emb_table.shape
    fdim = feature_table.shape[1]

    packed = _build_fold(num_ids, dim, fdim)(
        emb_table.T, feature_table.T, W, b.reshape(1, dim))
    tbl = packed.reshape(2 * packed.shape[0], dim)

    idx = inputs.astype(jnp.int32).reshape(batch // _IDX_CHUNK, _IDX_CHUNK)
    g = _build_gather(batch, tbl.shape[0], dim)(idx, tbl)
    return _build_tr(batch, dim)(g).T

# --- scband reference (transcript-rebuilt; emitter-appended) ---
"""Pipeline reference for scband-shallow-encoder-78735340470385 (READ-ONLY COPY).

The authoritative reference and input builder live on the scoring server;
editing this copy changes nothing except your own understanding.
"""

import jax, jax.numpy as jnp
import numpy as np

NUM_IDS = 100000
DIM = 64
FEATURE_DIM = 64
BATCH = 16384

def setup_inputs(seed: int = 0) -> dict:
    key = jax.random.key(seed)
    k1, k2, k3, k4 = jax.random.split(key, 4)
    indices = jax.random.randint(k1, (BATCH,), 0, NUM_IDS)
    # learned id-embedding table (Embedding layer parameters)
    emb_table = jax.random.normal(k2, (NUM_IDS, DIM), dtype=jnp.float32) * 0.02
    # dense node-feature store fetched by euler_ops.get_dense_feature
    feature_table = jax.random.normal(k3, (NUM_IDS, FEATURE_DIM), dtype=jnp.float32)
    # Dense(dim) parameters
    W = jax.random.normal(k4, (FEATURE_DIM, DIM), dtype=jnp.float32) * (1.0 / np.sqrt(FEATURE_DIM))
    b = jnp.zeros((DIM,), dtype=jnp.float32)
    return {"inputs": indices, "emb_table": emb_table, "feature_table": feature_table, "W": W, "b": b}

def reference(inputs, emb_table, feature_table, W, b):
    # id embedding path (use_id branch): gather from embedding table
    id_emb = jnp.take(emb_table, inputs, axis=0)
    # feature path (use_feature branch): fetch dense feature by node id, then Dense(dim)
    feat = jnp.take(feature_table, inputs, axis=0)
    dense_out = feat @ W + b
    # tf.add_n over the two embedding branches
    return id_emb + dense_out

if __name__ == "__main__":
    import jax
    _d = setup_inputs()
    print(jax.jit(kernel)(*tuple(_d.values())))

</pallas_src>

<mosaic_0001>
#map = affine_map<(d0, d1) -> (0, 0)>
module attributes {stable_mosaic.version = 14 : i64} {
  func.func @gather(%arg0: i32, %arg1: i32, %arg2: memref<128x128xi32, #tpu.memory_space<hbm>>, %arg3: memref<100352x64xf32, #tpu.memory_space<hbm>>, %arg4: memref<8192x128xf32, #tpu.memory_space<hbm>>, %arg5: memref<4x128xi32, #tpu.memory_space<vmem>>, %arg6: memref<512x64xf32, #tpu.memory_space<vmem>>, %arg7: memref<!tpu.dma_semaphore, #tpu.memory_space<semaphore_mem>>) attributes {dimension_semantics = [#tpu.dimension_semantics<core_parallel>, #tpu.dimension_semantics<subcore_parallel>], iteration_bounds = array<i64: 2, 16>, scalar_prefetch = 0 : i64, scratch_operands = 3 : i64, tpu.core_type = #tpu.core_type<sc_vector_subcore>, window_params = [{transform_indices = #map}, {transform_indices = #map}, {transform_indices = #map}]} {
    %mul3A = arith.constant 2 : i32
    %mul3A_0 = arith.muli %arg1, %mul3A : i32
    %add3A = arith.addi %mul3A_0, %arg0 : i32
    %mul3A_1 = arith.constant 4 : i32
    %mul3A_2 = arith.muli %add3A, %mul3A_1 : i32
    "tpu.region"() ({
      %run_scoped3A = tpu.sem_alloc : memref<!tpu.dma_semaphore, #tpu.memory_space<semaphore_mem>>
      %dma_start3A_2189 = arith.constant 0 : i32
      %dma_start3A_2190 = tpu.memref_slice %arg2[%mul3A_2, %dma_start3A_2189] : memref<128x128xi32, #tpu.memory_space<hbm>> -> memref<4x128xi32, #tpu.memory_space<hbm>>
      %dma_start3A_2191 = arith.constant 0 : i32
      %dma_start3A_2192 = tpu.memref_slice %arg2[%mul3A_2, %dma_start3A_2191] : memref<128x128xi32, #tpu.memory_space<hbm>> -> memref<4x128xi32, #tpu.memory_space<hbm>>
      tpu.enqueue_dma source(%dma_start3A_2192 : memref<4x128xi32, #tpu.memory_space<hbm>>) target(%arg5 : memref<4x128xi32, #tpu.memory_space<vmem>>) target_semaphore(%run_scoped3A : memref<!tpu.dma_semaphore, #tpu.memory_space<semaphore_mem>>)
      %dma_wait3A_2193 = arith.constant 0 : i32
      %dma_wait3A_2194 = tpu.memref_slice %arg2[%mul3A_2, %dma_wait3A_2193] : memref<128x128xi32, #tpu.memory_space<hbm>> -> memref<4x128xi32, #tpu.memory_space<hbm>>
      %dma_wait3A_2195 = arith.constant 0 : i32
      %dma_wait3A_2196 = tpu.memref_slice %arg2[%mul3A_2, %dma_wait3A_2195] : memref<128x128xi32, #tpu.memory_space<hbm>> -> memref<4x128xi32, #tpu.memory_space<hbm>>
      tpu.wait_dma2 semaphore(%run_scoped3A : memref<!tpu.dma_semaphore, #tpu.memory_space<semaphore_mem>>) src(%dma_wait3A_2196 : memref<4x128xi32, #tpu.memory_space<hbm>>) dst(%arg5 : memref<4x128xi32, #tpu.memory_space<vmem>>)
      tpu.yield
    }) : () -> ()
    %get3A = arith.constant 0 : i32
    %get3A_3 = arith.index_cast %get3A : i32 to index
    %get3A_4 = arith.constant 0 : index
    %get3A_5 = tpu.vector_load %arg5[%get3A_3, %get3A_4] {strides = array<i32>} : memref<4x128xi32, #tpu.memory_space<vmem>>, vector<1x16xi32>,
    %get3A_6 = vector.shape_cast %get3A_5 : vector<1x16xi32> to vector<16xi32>
    %shift_right_arithmetic3A = arith.constant 11 : i32
    %shift_right_arithmetic3A_7 = vector.broadcast %shift_right_arithmetic3A : i32 to vector<16xi32>
    %shift_right_arithmetic3A_8 = arith.shrsi %get3A_6, %shift_right_arithmetic3A_7 : vector<16xi32>
    %shift_left3A = arith.constant 13 : i32
    %shift_left3A_9 = vector.broadcast %shift_left3A : i32 to vector<16xi32>
    %shift_left3A_10 = arith.shli %shift_right_arithmetic3A_8, %shift_left3A_9 : vector<16xi32>
    %shift_left3A_11 = arith.constant 10 : i32
    %shift_left3A_12 = vector.broadcast %shift_left3A_11 : i32 to vector<16xi32>
    %shift_left3A_13 = arith.shli %shift_right_arithmetic3A_8, %shift_left3A_12 : vector<16xi32>
    %add3A_14 = arith.addi %shift_left3A_10, %shift_left3A_13 : vector<16xi32>
    %shift_left3A_15 = arith.constant 7 : i32
    %shift_left3A_16 = vector.broadcast %shift_left3A_15 : i32 to vector<16xi32>
    %shift_left3A_17 = arith.shli %shift_right_arithmetic3A_8, %shift_left3A_16 : vector<16xi32>
    %add3A_18 = arith.addi %add3A_14, %shift_left3A_17 : vector<16xi32>
    %shift_left3A_19 = arith.constant 4 : i32
    %shift_left3A_20 = vector.broadcast %shift_left3A_19 : i32 to vector<16xi32>
    %shift_left3A_21 = arith.shli %shift_right_arithmetic3A_8, %shift_left3A_20 : vector<16xi32>
    %add3A_22 = arith.addi %add3A_18, %shift_left3A_21 : vector<16xi32>
    %shift_left3A_23 = arith.constant 1 : i32
    %shift_left3A_24 = vector.broadcast %shift_left3A_23 : i32 to vector<16xi32>
    %shift_left3A_25 = arith.shli %shift_right_arithmetic3A_8, %shift_left3A_24 : vector<16xi32>
    %add3A_26 = arith.addi %add3A_22, %shift_left3A_25 : vector<16xi32>
    %add3A_27 = arith.addi %add3A_26, %shift_right_arithmetic3A_8 : vector<16xi32>
    %shift_right_arithmetic3A_28 = arith.constant 16 : i32
    %shift_right_arithmetic3A_29 = vector.broadcast %shift_right_arithmetic3A_28 : i32 to vector<16xi32>
    %shift_right_arithmetic3A_30 = arith.shrsi %add3A_27, %shift_right_arithmetic3A_29 : vector<16xi32>
    %shift_left3A_31 = arith.constant 3 : i32
    %shift_left3A_32 = vector.broadcast %shift_left3A_31 : i32 to vector<16xi32>
    %shift_left3A_33 = arith.shli %shift_right_arithmetic3A_30, %shift_left3A_32 : vector<16xi32>
    %sub3A = arith.subi %shift_left3A_33, %shift_right_arithmetic3A_30 : vector<16xi32>
    %shift_left3A_34 = arith.constant 11 : i32
    %shift_left3A_35 = vector.broadcast %shift_left3A_34 : i32 to vector<16xi32>
    %shift_left3A_36 = arith.shli %sub3A, %shift_left3A_35 : vector<16xi32>
    %sub3A_37 = arith.subi %get3A_6, %shift_left3A_36 : vector<16xi32>
    %ge3A = arith.constant 7168 : i32
    %ge3A_38 = vector.broadcast %ge3A : i32 to vector<16xi32>
    %ge3A_39 = arith.cmpi sge, %sub3A_37, %ge3A_38 : vector<16xi32>
    %sub3A_40 = arith.constant 7168 : i32
    %sub3A_41 = vector.broadcast %sub3A_40 : i32 to vector<16xi32>
    %sub3A_42 = arith.subi %sub3A_37, %sub3A_41 : vector<16xi32>
    %select_n3A = arith.select %ge3A_39, %sub3A_42, %sub3A_37 : vector<16xi1>, vector<16xi32>
    %shift_left3A_43 = arith.constant 10 : i32
    %shift_left3A_44 = vector.broadcast %shift_left3A_43 : i32 to vector<16xi32>
    %shift_left3A_45 = arith.shli %sub3A, %shift_left3A_44 : vector<16xi32>
    %add3A_46 = arith.addi %shift_left3A_45, %select_n3A : vector<16xi32>
    %shift_left3A_47 = arith.constant 1 : i32
    %shift_left3A_48 = vector.broadcast %shift_left3A_47 : i32 to vector<16xi32>
    %shift_left3A_49 = arith.shli %add3A_46, %shift_left3A_48 : vector<16xi32>
    %jit3A = arith.constant 1 : i32
    %jit3A_50 = arith.constant 0 : i32
    %broadcast_in_dim3A = vector.broadcast %jit3A : i32 to vector<16xi32>
    %broadcast_in_dim3A_51 = vector.broadcast %jit3A_50 : i32 to vector<16xi32>
    %select_n3A_52 = arith.select %ge3A_39, %broadcast_in_dim3A, %broadcast_in_dim3A_51 : vector<16xi1>, vector<16xi32>
    %add3A_53 = arith.addi %shift_left3A_49, %select_n3A_52 : vector<16xi32>
    %swap3A = arith.constant 0 : i32
    %swap3A_54 = arith.index_cast %swap3A : i32 to index
    %swap3A_55 = arith.constant 0 : index
    %swap3A_56 = tpu.vector_load %arg5[%swap3A_54, %swap3A_55] {strides = array<i32>} : memref<4x128xi32, #tpu.memory_space<vmem>>, vector<1x16xi32>,
    %swap3A_57 = vector.shape_cast %swap3A_56 : vector<1x16xi32> to vector<16xi32>
    %swap3A_58 = vector.shape_cast %add3A_53 : vector<16xi32> to vector<1x16xi32>
    tpu.vector_store %arg5[%swap3A_54, %swap3A_55], %swap3A_58 {strides = array<i32>} : memref<4x128xi32, #tpu.memory_space<vmem>>, vector<1x16xi32>,
    %get3A_59 = arith.constant 0 : i32
    %get3A_60 = arith.index_cast %get3A_59 : i32 to index
    %get3A_61 = arith.constant 16 : index
    %get3A_62 = tpu.vector_load %arg5[%get3A_60, %get3A_61] {strides = array<i32>} : memref<4x128xi32, #tpu.memory_space<vmem>>, vector<1x16xi32>,
    %get3A_63 = vector.shape_cast %get3A_62 : vector<1x16xi32> to vector<16xi32>
    %shift_right_arithmetic3A_64 = arith.constant 11 : i32
    %shift_right_arithmetic3A_65 = vector.broadcast %shift_right_arithmetic3A_64 : i32 to vector<16xi32>
    %shift_right_arithmetic3A_66 = arith.shrsi %get3A_63, %shift_right_arithmetic3A_65 : vector<16xi32>
    %shift_left3A_67 = arith.constant 13 : i32
    %shift_left3A_68 = vector.broadcast %shift_left3A_67 : i32 to vector<16xi32>
    %shift_left3A_69 = arith.shli %shift_right_arithmetic3A_66, %shift_left3A_68 : vector<16xi32>
    %shift_left3A_70 = arith.constant 10 : i32
    %shift_left3A_71 = vector.broadcast %shift_left3A_70 : i32 to vector<16xi32>
    %shift_left3A_72 = arith.shli %shift_right_arithmetic3A_66, %shift_left3A_71 : vector<16xi32>
    %add3A_73 = arith.addi %shift_left3A_69, %shift_left3A_72 : vector<16xi32>
    %shift_left3A_74 = arith.constant 7 : i32
    %shift_left3A_75 = vector.broadcast %shift_left3A_74 : i32 to vector<16xi32>
    %shift_left3A_76 = arith.shli %shift_right_arithmetic3A_66, %shift_left3A_75 : vector<16xi32>
    %add3A_77 = arith.addi %add3A_73, %shift_left3A_76 : vector<16xi32>
    %shift_left3A_78 = arith.constant 4 : i32
    %shift_left3A_79 = vector.broadcast %shift_left3A_78 : i32 to vector<16xi32>
    %shift_left3A_80 = arith.shli %shift_right_arithmetic3A_66, %shift_left3A_79 : vector<16xi32>
    %add3A_81 = arith.addi %add3A_77, %shift_left3A_80 : vector<16xi32>
    %shift_left3A_82 = arith.constant 1 : i32
    %shift_left3A_83 = vector.broadcast %shift_left3A_82 : i32 to vector<16xi32>
    %shift_left3A_84 = arith.shli %shift_right_arithmetic3A_66, %shift_left3A_83 : vector<16xi32>
    %add3A_85 = arith.addi %add3A_81, %shift_left3A_84 : vector<16xi32>
    %add3A_86 = arith.addi %add3A_85, %shift_right_arithmetic3A_66 : vector<16xi32>
    %shift_right_arithmetic3A_87 = arith.constant 16 : i32
    %shift_right_arithmetic3A_88 = vector.broadcast %shift_right_arithmetic3A_87 : i32 to vector<16xi32>
    %shift_right_arithmetic3A_89 = arith.shrsi %add3A_86, %shift_right_arithmetic3A_88 : vector<16xi32>
    %shift_left3A_90 = arith.constant 3 : i32
    %shift_left3A_91 = vector.broadcast %shift_left3A_90 : i32 to vector<16xi32>
    %shift_left3A_92 = arith.shli %shift_right_arithmetic3A_89, %shift_left3A_91 : vector<16xi32>
    %sub3A_93 = arith.subi %shift_left3A_92, %shift_right_arithmetic3A_89 : vector<16xi32>
    %shift_left3A_94 = arith.constant 11 : i32
    %shift_left3A_95 = vector.broadcast %shift_left3A_94 : i32 to vector<16xi32>
    %shift_left3A_96 = arith.shli %sub3A_93, %shift_left3A_95 : vector<16xi32>
    %sub3A_97 = arith.subi %get3A_63, %shift_left3A_96 : vector<16xi32>
    %ge3A_98 = arith.constant 7168 : i32
    %ge3A_99 = vector.broadcast %ge3A_98 : i32 to vector<16xi32>
    %ge3A_100 = arith.cmpi sge, %sub3A_97, %ge3A_99 : vector<16xi32>
    %sub3A_101 = arith.constant 7168 : i32
    %sub3A_102 = vector.broadcast %sub3A_101 : i32 to vector<16xi32>
    %sub3A_103 = arith.subi %sub3A_97, %sub3A_102 : vector<16xi32>
    %select_n3A_104 = arith.select %ge3A_100, %sub3A_103, %sub3A_97 : vector<16xi1>, vector<16xi32>
    %shift_left3A_105 = arith.constant 10 : i32
    %shift_left3A_106 = vector.broadcast %shift_left3A_105 : i32 to vector<16xi32>
    %shift_left3A_107 = arith.shli %sub3A_93, %shift_left3A_106 : vector<16xi32>
    %add3A_108 = arith.addi %shift_left3A_107, %select_n3A_104 : vector<16xi32>
    %shift_left3A_109 = arith.constant 1 : i32
    %shift_left3A_110 = vector.broadcast %shift_left3A_109 : i32 to vector<16xi32>
    %shift_left3A_111 = arith.shli %add3A_108, %shift_left3A_110 : vector<16xi32>
    %jit3A_112 = arith.constant 1 : i32
    %jit3A_113 = arith.constant 0 : i32
    %broadcast_in_dim3A_114 = vector.broadcast %jit3A_112 : i32 to vector<16xi32>
    %broadcast_in_dim3A_115 = vector.broadcast %jit3A_113 : i32 to vector<16xi32>
    %select_n3A_116 = arith.select %ge3A_100, %broadcast_in_dim3A_114, %broadcast_in_dim3A_115 : vector<16xi1>, vector<16xi32>
    %add3A_117 = arith.addi %shift_left3A_111, %select_n3A_116 : vector<16xi32>
    %swap3A_118 = arith.constant 0 : i32
    %swap3A_119 = arith.index_cast %swap3A_118 : i32 to index
    %swap3A_120 = arith.constant 16 : index
    %swap3A_121 = tpu.vector_load %arg5[%swap3A_119, %swap3A_120] {strides = array<i32>} : memref<4x128xi32, #tpu.memory_space<vmem>>, vector<1x16xi32>,
    %swap3A_122 = vector.shape_cast %swap3A_121 : vector<1x16xi32> to vector<16xi32>
    %swap3A_123 = vector.shape_cast %add3A_117 : vector<16xi32> to vector<1x16xi32>
    tpu.vector_store %arg5[%swap3A_119, %swap3A_120], %swap3A_123 {strides = array<i32>} : memref<4x128xi32, #tpu.memory_space<vmem>>, vector<1x16xi32>,
    %get3A_124 = arith.constant 0 : i32
    %get3A_125 = arith.index_cast %get3A_124 : i32 to index
    %get3A_126 = arith.constant 32 : index
    %get3A_127 = tpu.vector_load %arg5[%get3A_125, %get3A_126] {strides = array<i32>} : memref<4x128xi32, #tpu.memory_space<vmem>>, vector<1x16xi32>,
    %get3A_128 = vector.shape_cast %get3A_127 : vector<1x16xi32> to vector<16xi32>
    %shift_right_arithmetic3A_129 = arith.constant 11 : i32
    %shift_right_arithmetic3A_130 = vector.broadcast %shift_right_arithmetic3A_129 : i32 to vector<16xi32>
    %shift_right_arithmetic3A_131 = arith.shrsi %get3A_128, %shift_right_arithmetic3A_130 : vector<16xi32>
    %shift_left3A_132 = arith.constant 13 : i32
    %shift_left3A_133 = vector.broadcast %shift_left3A_132 : i32 to vector<16xi32>
    %shift_left3A_134 = arith.shli %shift_right_arithmetic3A_131, %shift_left3A_133 : vector<16xi32>
    %shift_left3A_135 = arith.constant 10 : i32
    %shift_left3A_136 = vector.broadcast %shift_left3A_135 : i32 to vector<16xi32>
    %shift_left3A_137 = arith.shli %shift_right_arithmetic3A_131, %shift_left3A_136 : vector<16xi32>
    %add3A_138 = arith.addi %shift_left3A_134, %shift_left3A_137 : vector<16xi32>
    %shift_left3A_139 = arith.constant 7 : i32
    %shift_left3A_140 = vector.broadcast %shift_left3A_139 : i32 to vector<16xi32>
    %shift_left3A_141 = arith.shli %shift_right_arithmetic3A_131, %shift_left3A_140 : vector<16xi32>
    %add3A_142 = arith.addi %add3A_138, %shift_left3A_141 : vector<16xi32>
    %shift_left3A_143 = arith.constant 4 : i32
    %shift_left3A_144 = vector.broadcast %shift_left3A_143 : i32 to vector<16xi32>
    %shift_left3A_145 = arith.shli %shift_right_arithmetic3A_131, %shift_left3A_144 : vector<16xi32>
    %add3A_146 = arith.addi %add3A_142, %shift_left3A_145 : vector<16xi32>
    %shift_left3A_147 = arith.constant 1 : i32
    %shift_left3A_148 = vector.broadcast %shift_left3A_147 : i32 to vector<16xi32>
    %shift_left3A_149 = arith.shli %shift_right_arithmetic3A_131, %shift_left3A_148 : vector<16xi32>
    %add3A_150 = arith.addi %add3A_146, %shift_left3A_149 : vector<16xi32>
    %add3A_151 = arith.addi %add3A_150, %shift_right_arithmetic3A_131 : vector<16xi32>
    %shift_right_arithmetic3A_152 = arith.constant 16 : i32
    %shift_right_arithmetic3A_153 = vector.broadcast %shift_right_arithmetic3A_152 : i32 to vector<16xi32>
    %shift_right_arithmetic3A_154 = arith.shrsi %add3A_151, %shift_right_arithmetic3A_153 : vector<16xi32>
    %shift_left3A_155 = arith.constant 3 : i32
    %shift_left3A_156 = vector.broadcast %shift_left3A_155 : i32 to vector<16xi32>
    %shift_left3A_157 = arith.shli %shift_right_arithmetic3A_154, %shift_left3A_156 : vector<16xi32>
    %sub3A_158 = arith.subi %shift_left3A_157, %shift_right_arithmetic3A_154 : vector<16xi32>
    %shift_left3A_159 = arith.constant 11 : i32
    %shift_left3A_160 = vector.broadcast %shift_left3A_159 : i32 to vector<16xi32>
    %shift_left3A_161 = arith.shli %sub3A_158, %shift_left3A_160 : vector<16xi32>
    %sub3A_162 = arith.subi %get3A_128, %shift_left3A_161 : vector<16xi32>
    %ge3A_163 = arith.constant 7168 : i32
    %ge3A_164 = vector.broadcast %ge3A_163 : i32 to vector<16xi32>
    %ge3A_165 = arith.cmpi sge, %sub3A_162, %ge3A_164 : vector<16xi32>
    %sub3A_166 = arith.constant 7168 : i32
    %sub3A_167 = vector.broadcast %sub3A_166 : i32 to vector<16xi32>
    %sub3A_168 = arith.subi %sub3A_162, %sub3A_167 : vector<16xi32>
    %select_n3A_169 = arith.select %ge3A_165, %sub3A_168, %sub3A_162 : vector<16xi1>, vector<16xi32>
    %shift_left3A_170 = arith.constant 10 : i32
    %shift_left3A_171 = vector.broadcast %shift_left3A_170 : i32 to vector<16xi32>
    %shift_left3A_172 = arith.shli %sub3A_158, %shift_left3A_171 : vector<16xi32>
    %add3A_173 = arith.addi %shift_left3A_172, %select_n3A_169 : vector<16xi32>
    %shift_left3A_174 = arith.constant 1 : i32
    %shift_left3A_175 = vector.broadcast %shift_left3A_174 : i32 to vector<16xi32>
    %shift_left3A_176 = arith.shli %add3A_173, %shift_left3A_175 : vector<16xi32>
    %jit3A_177 = arith.constant 1 : i32
    %jit3A_178 = arith.constant 0 : i32
    %broadcast_in_dim3A_179 = vector.broadcast %jit3A_177 : i32 to vector<16xi32>
    %broadcast_in_dim3A_180 = vector.broadcast %jit3A_178 : i32 to vector<16xi32>
    %select_n3A_181 = arith.select %ge3A_165, %broadcast_in_dim3A_179, %broadcast_in_dim3A_180 : vector<16xi1>, vector<16xi32>
    %add3A_182 = arith.addi %shift_left3A_176, %select_n3A_181 : vector<16xi32>
    %swap3A_183 = arith.constant 0 : i32
    %swap3A_184 = arith.index_cast %swap3A_183 : i32 to index
    %swap3A_185 = arith.constant 32 : index
    %swap3A_186 = tpu.vector_load %arg5[%swap3A_184, %swap3A_185] {strides = array<i32>} : memref<4x128xi32, #tpu.memory_space<vmem>>, vector<1x16xi32>,
    %swap3A_187 = vector.shape_cast %swap3A_186 : vector<1x16xi32> to vector<16xi32>
    %swap3A_188 = vector.shape_cast %add3A_182 : vector<16xi32> to vector<1x16xi32>
    tpu.vector_store %arg5[%swap3A_184, %swap3A_185], %swap3A_188 {strides = array<i32>} : memref<4x128xi32, #tpu.memory_space<vmem>>, vector<1x16xi32>,
    %get3A_189 = arith.constant 0 : i32
    %get3A_190 = arith.index_cast %get3A_189 : i32 to index
    %get3A_191 = arith.constant 48 : index
    %get3A_192 = tpu.vector_load %arg5[%get3A_190, %get3A_191] {strides = array<i32>} : memref<4x128xi32, #tpu.memory_space<vmem>>, vector<1x16xi32>,
    %get3A_193 = vector.shape_cast %get3A_192 : vector<1x16xi32> to vector<16xi32>
    %shift_right_arithmetic3A_194 = arith.constant 11 : i32
    %shift_right_arithmetic3A_195 = vector.broadcast %shift_right_arithmetic3A_194 : i32 to vector<16xi32>
    %shift_right_arithmetic3A_196 = arith.shrsi %get3A_193, %shift_right_arithmetic3A_195 : vector<16xi32>
    %shift_left3A_197 = arith.constant 13 : i32
    %shift_left3A_198 = vector.broadcast %shift_left3A_197 : i32 to vector<16xi32>
    %shift_left3A_199 = arith.shli %shift_right_arithmetic3A_196, %shift_left3A_198 : vector<16xi32>
    %shift_left3A_200 = arith.constant 10 : i32
    %shift_left3A_201 = vector.broadcast %shift_left3A_200 : i32 to vector<16xi32>
    %shift_left3A_202 = arith.shli %shift_right_arithmetic3A_196, %shift_left3A_201 : vector<16xi32>
    %add3A_203 = arith.addi %shift_left3A_199, %shift_left3A_202 : vector<16xi32>
    %shift_left3A_204 = arith.constant 7 : i32
    %shift_left3A_205 = vector.broadcast %shift_left3A_204 : i32 to vector<16xi32>
    %shift_left3A_206 = arith.shli %shift_right_arithmetic3A_196, %shift_left3A_205 : vector<16xi32>
    %add3A_207 = arith.addi %add3A_203, %shift_left3A_206 : vector<16xi32>
    %shift_left3A_208 = arith.constant 4 : i32
    %shift_left3A_209 = vector.broadcast %shift_left3A_208 : i32 to vector<16xi32>
    %shift_left3A_210 = arith.shli %shift_right_arithmetic3A_196, %shift_left3A_209 : vector<16xi32>
    %add3A_211 = arith.addi %add3A_207, %shift_left3A_210 : vector<16xi32>
    %shift_left3A_212 = arith.constant 1 : i32
    %shift_left3A_213 = vector.broadcast %shift_left3A_212 : i32 to vector<16xi32>
    %shift_left3A_214 = arith.shli %shift_right_arithmetic3A_196, %shift_left3A_213 : vector<16xi32>
    %add3A_215 = arith.addi %add3A_211, %shift_left3A_214 : vector<16xi32>
    %add3A_216 = arith.addi %add3A_215, %shift_right_arithmetic3A_196 : vector<16xi32>
    %shift_right_arithmetic3A_217 = arith.constant 16 : i32
    %shift_right_arithmetic3A_218 = vector.broadcast %shift_right_arithmetic3A_217 : i32 to vector<16xi32>
    %shift_right_arithmetic3A_219 = arith.shrsi %add3A_216, %shift_right_arithmetic3A_218 : vector<16xi32>
    %shift_left3A_220 = arith.constant 3 : i32
    %shift_left3A_221 = vector.broadcast %shift_left3A_220 : i32 to vector<16xi32>
    %shift_left3A_222 = arith.shli %shift_right_arithmetic3A_219, %shift_left3A_221 : vector<16xi32>
    %sub3A_223 = arith.subi %shift_left3A_222, %shift_right_arithmetic3A_219 : vector<16xi32>
    %shift_left3A_224 = arith.constant 11 : i32
    %shift_left3A_225 = vector.broadcast %shift_left3A_224 : i32 to vector<16xi32>
    %shift_left3A_226 = arith.shli %sub3A_223, %shift_left3A_225 : vector<16xi32>
    %sub3A_227 = arith.subi %get3A_193, %shift_left3A_226 : vector<16xi32>
    %ge3A_228 = arith.constant 7168 : i32
    %ge3A_229 = vector.broadcast %ge3A_228 : i32 to vector<16xi32>
    %ge3A_230 = arith.cmpi sge, %sub3A_227, %ge3A_229 : vector<16xi32>
    %sub3A_231 = arith.constant 7168 : i32
    %sub3A_232 = vector.broadcast %sub3A_231 : i32 to vector<16xi32>
    %sub3A_233 = arith.subi %sub3A_227, %sub3A_232 : vector<16xi32>
    %select_n3A_234 = arith.select %ge3A_230, %sub3A_233, %sub3A_227 : vector<16xi1>, vector<16xi32>
    %shift_left3A_235 = arith.constant 10 : i32
    %shift_left3A_236 = vector.broadcast %shift_left3A_235 : i32 to vector<16xi32>
    %shift_left3A_237 = arith.shli %sub3A_223, %shift_left3A_236 : vector<16xi32>
    %add3A_238 = arith.addi %shift_left3A_237, %select_n3A_234 : vector<16xi32>
    %shift_left3A_239 = arith.constant 1 : i32
    %shift_left3A_240 = vector.broadcast %shift_left3A_239 : i32 to vector<16xi32>
    %shift_left3A_241 = arith.shli %add3A_238, %shift_left3A_240 : vector<16xi32>
    %jit3A_242 = arith.constant 1 : i32
    %jit3A_243 = arith.constant 0 : i32
    %broadcast_in_dim3A_244 = vector.broadcast %jit3A_242 : i32 to vector<16xi32>
    %broadcast_in_dim3A_245 = vector.broadcast %jit3A_243 : i32 to vector<16xi32>
    %select_n3A_246 = arith.select %ge3A_230, %broadcast_in_dim3A_244, %broadcast_in_dim3A_245 : vector<16xi1>, vector<16xi32>
    %add3A_247 = arith.addi %shift_left3A_241, %select_n3A_246 : vector<16xi32>
    %swap3A_248 = arith.constant 0 : i32
    %swap3A_249 = arith.index_cast %swap3A_248 : i32 to index
    %swap3A_250 = arith.constant 48 : index
    %swap3A_251 = tpu.vector_load %arg5[%swap3A_249, %swap3A_250] {strides = array<i32>} : memref<4x128xi32, #tpu.memory_space<vmem>>, vector<1x16xi32>,
    %swap3A_252 = vector.shape_cast %swap3A_251 : vector<1x16xi32> to vector<16xi32>
    %swap3A_253 = vector.shape_cast %add3A_247 : vector<16xi32> to vector<1x16xi32>
    tpu.vector_store %arg5[%swap3A_249, %swap3A_250], %swap3A_253 {strides = array<i32>} : memref<4x128xi32, #tpu.memory_space<vmem>>, vector<1x16xi32>,
    %get3A_254 = arith.constant 0 : i32
    %get3A_255 = arith.index_cast %get3A_254 : i32 to index
    %get3A_256 = arith.constant 64 : index
    %get3A_257 = tpu.vector_load %arg5[%get3A_255, %get3A_256] {strides = array<i32>} : memref<4x128xi32, #tpu.memory_space<vmem>>, vector<1x16xi32>,
    %get3A_258 = vector.shape_cast %get3A_257 : vector<1x16xi32> to vector<16xi32>
    %shift_right_arithmetic3A_259 = arith.constant 11 : i32
    %shift_right_arithmetic3A_260 = vector.broadcast %shift_right_arithmetic3A_259 : i32 to vector<16xi32>
    %shift_right_arithmetic3A_261 = arith.shrsi %get3A_258, %shift_right_arithmetic3A_260 : vector<16xi32>
    %shift_left3A_262 = arith.constant 13 : i32
    %shift_left3A_263 = vector.broadcast %shift_left3A_262 : i32 to vector<16xi32>
    %shift_left3A_264 = arith.shli %shift_right_arithmetic3A_261, %shift_left3A_263 : vector<16xi32>
    %shift_left3A_265 = arith.constant 10 : i32
    %shift_left3A_266 = vector.broadcast %shift_left3A_265 : i32 to vector<16xi32>
    %shift_left3A_267 = arith.shli %shift_right_arithmetic3A_261, %shift_left3A_266 : vector<16xi32>
    %add3A_268 = arith.addi %shift_left3A_264, %shift_left3A_267 : vector<16xi32>
    %shift_left3A_269 = arith.constant 7 : i32
    %shift_left3A_270 = vector.broadcast %shift_left3A_269 : i32 to vector<16xi32>
    %shift_left3A_271 = arith.shli %shift_right_arithmetic3A_261, %shift_left3A_270 : vector<16xi32>
    %add3A_272 = arith.addi %add3A_268, %shift_left3A_271 : vector<16xi32>
    %shift_left3A_273 = arith.constant 4 : i32
    %shift_left3A_274 = vector.broadcast %shift_left3A_273 : i32 to vector<16xi32>
    %shift_left3A_275 = arith.shli %shift_right_arithmetic3A_261, %shift_left3A_274 : vector<16xi32>
    %add3A_276 = arith.addi %add3A_272, %shift_left3A_275 : vector<16xi32>
    %shift_left3A_277 = arith.constant 1 : i32
    %shift_left3A_278 = vector.broadcast %shift_left3A_277 : i32 to vector<16xi32>
    %shift_left3A_279 = arith.shli %shift_right_arithmetic3A_261, %shift_left3A_278 : vector<16xi32>
    %add3A_280 = arith.addi %add3A_276, %shift_left3A_279 : vector<16xi32>
    %add3A_281 = arith.addi %add3A_280, %shift_right_arithmetic3A_261 : vector<16xi32>
    %shift_right_arithmetic3A_282 = arith.constant 16 : i32
    %shift_right_arithmetic3A_283 = vector.broadcast %shift_right_arithmetic3A_282 : i32 to vector<16xi32>
    %shift_right_arithmetic3A_284 = arith.shrsi %add3A_281, %shift_right_arithmetic3A_283 : vector<16xi32>
    %shift_left3A_285 = arith.constant 3 : i32
    %shift_left3A_286 = vector.broadcast %shift_left3A_285 : i32 to vector<16xi32>
    %shift_left3A_287 = arith.shli %shift_right_arithmetic3A_284, %shift_left3A_286 : vector<16xi32>
    %sub3A_288 = arith.subi %shift_left3A_287, %shift_right_arithmetic3A_284 : vector<16xi32>
    %shift_left3A_289 = arith.constant 11 : i32
    %shift_left3A_290 = vector.broadcast %shift_left3A_289 : i32 to vector<16xi32>
    %shift_left3A_291 = arith.shli %sub3A_288, %shift_left3A_290 : vector<16xi32>
    %sub3A_292 = arith.subi %get3A_258, %shift_left3A_291 : vector<16xi32>
    %ge3A_293 = arith.constant 7168 : i32
    %ge3A_294 = vector.broadcast %ge3A_293 : i32 to vector<16xi32>
    %ge3A_295 = arith.cmpi sge, %sub3A_292, %ge3A_294 : vector<16xi32>
    %sub3A_296 = arith.constant 7168 : i32
    %sub3A_297 = vector.broadcast %sub3A_296 : i32 to vector<16xi32>
    %sub3A_298 = arith.subi %sub3A_292, %sub3A_297 : vector<16xi32>
    %select_n3A_299 = arith.select %ge3A_295, %sub3A_298, %sub3A_292 : vector<16xi1>, vector<16xi32>
    %shift_left3A_300 = arith.constant 10 : i32
    %shift_left3A_301 = vector.broadcast %shift_left3A_300 : i32 to vector<16xi32>
    %shift_left3A_302 = arith.shli %sub3A_288, %shift_left3A_301 : vector<16xi32>
    %add3A_303 = arith.addi %shift_left3A_302, %select_n3A_299 : vector<16xi32>
    %shift_left3A_304 = arith.constant 1 : i32
    %shift_left3A_305 = vector.broadcast %shift_left3A_304 : i32 to vector<16xi32>
    %shift_left3A_306 = arith.shli %add3A_303, %shift_left3A_305 : vector<16xi32>
    %jit3A_307 = arith.constant 1 : i32
    %jit3A_308 = arith.constant 0 : i32
    %broadcast_in_dim3A_309 = vector.broadcast %jit3A_307 : i32 to vector<16xi32>
    %broadcast_in_dim3A_310 = vector.broadcast %jit3A_308 : i32 to vector<16xi32>
    %select_n3A_311 = arith.select %ge3A_295, %broadcast_in_dim3A_309, %broadcast_in_dim3A_310 : vector<16xi1>, vector<16xi32>
    %add3A_312 = arith.addi %shift_left3A_306, %select_n3A_311 : vector<16xi32>
    %swap3A_313 = arith.constant 0 : i32
    %swap3A_314 = arith.index_cast %swap3A_313 : i32 to index
    %swap3A_315 = arith.constant 64 : index
    %swap3A_316 = tpu.vector_load %arg5[%swap3A_314, %swap3A_315] {strides = array<i32>} : memref<4x128xi32, #tpu.memory_space<vmem>>, vector<1x16xi32>,
    %swap3A_317 = vector.shape_cast %swap3A_316 : vector<1x16xi32> to vector<16xi32>
    %swap3A_318 = vector.shape_cast %add3A_312 : vector<16xi32> to vector<1x16xi32>
    tpu.vector_store %arg5[%swap3A_314, %swap3A_315], %swap3A_318 {strides = array<i32>} : memref<4x128xi32, #tpu.memory_space<vmem>>, vector<1x16xi32>,
    %get3A_319 = arith.constant 0 : i32
    %get3A_320 = arith.index_cast %get3A_319 : i32 to index
    %get3A_321 = arith.constant 80 : index
    %get3A_322 = tpu.vector_load %arg5[%get3A_320, %get3A_321] {strides = array<i32>} : memref<4x128xi32, #tpu.memory_space<vmem>>, vector<1x16xi32>,
    %get3A_323 = vector.shape_cast %get3A_322 : vector<1x16xi32> to vector<16xi32>
    %shift_right_arithmetic3A_324 = arith.constant 11 : i32
    %shift_right_arithmetic3A_325 = vector.broadcast %shift_right_arithmetic3A_324 : i32 to vector<16xi32>
    %shift_right_arithmetic3A_326 = arith.shrsi %get3A_323, %shift_right_arithmetic3A_325 : vector<16xi32>
    %shift_left3A_327 = arith.constant 13 : i32
    %shift_left3A_328 = vector.broadcast %shift_left3A_327 : i32 to vector<16xi32>
    %shift_left3A_329 = arith.shli %shift_right_arithmetic3A_326, %shift_left3A_328 : vector<16xi32>
    %shift_left3A_330 = arith.constant 10 : i32
    %shift_left3A_331 = vector.broadcast %shift_left3A_330 : i32 to vector<16xi32>
    %shift_left3A_332 = arith.shli %shift_right_arithmetic3A_326, %shift_left3A_331 : vector<16xi32>
    %add3A_333 = arith.addi %shift_left3A_329, %shift_left3A_332 : vector<16xi32>
    %shift_left3A_334 = arith.constant 7 : i32
    %shift_left3A_335 = vector.broadcast %shift_left3A_334 : i32 to vector<16xi32>
    %shift_left3A_336 = arith.shli %shift_right_arithmetic3A_326, %shift_left3A_335 : vector<16xi32>
    %add3A_337 = arith.addi %add3A_333, %shift_left3A_336 : vector<16xi32>
    %shift_left3A_338 = arith.constant 4 : i32
    %shift_left3A_339 = vector.broadcast %shift_left3A_338 : i32 to vector<16xi32>
    %shift_left3A_340 = arith.shli %shift_right_arithmetic3A_326, %shift_left3A_339 : vector<16xi32>
    %add3A_341 = arith.addi %add3A_337, %shift_left3A_340 : vector<16xi32>
    %shift_left3A_342 = arith.constant 1 : i32
    %shift_left3A_343 = vector.broadcast %shift_left3A_342 : i32 to vector<16xi32>
    %shift_left3A_344 = arith.shli %shift_right_arithmetic3A_326, %shift_left3A_343 : vector<16xi32>
    %add3A_345 = arith.addi %add3A_341, %shift_left3A_344 : vector<16xi32>
    %add3A_346 = arith.addi %add3A_345, %shift_right_arithmetic3A_326 : vector<16xi32>
    %shift_right_arithmetic3A_347 = arith.constant 16 : i32
    %shift_right_arithmetic3A_348 = vector.broadcast %shift_right_arithmetic3A_347 : i32 to vector<16xi32>
    %shift_right_arithmetic3A_349 = arith.shrsi %add3A_346, %shift_right_arithmetic3A_348 : vector<16xi32>
    %shift_left3A_350 = arith.constant 3 : i32
    %shift_left3A_351 = vector.broadcast %shift_left3A_350 : i32 to vector<16xi32>
    %shift_left3A_352 = arith.shli %shift_right_arithmetic3A_349, %shift_left3A_351 : vector<16xi32>
    %sub3A_353 = arith.subi %shift_left3A_352, %shift_right_arithmetic3A_349 : vector<16xi32>
    %shift_left3A_354 = arith.constant 11 : i32
    %shift_left3A_355 = vector.broadcast %shift_left3A_354 : i32 to vector<16xi32>
    %shift_left3A_356 = arith.shli %sub3A_353, %shift_left3A_355 : vector<16xi32>
    %sub3A_357 = arith.subi %get3A_323, %shift_left3A_356 : vector<16xi32>
    %ge3A_358 = arith.constant 7168 : i32
    %ge3A_359 = vector.broadcast %ge3A_358 : i32 to vector<16xi32>
    %ge3A_360 = arith.cmpi sge, %sub3A_357, %ge3A_359 : vector<16xi32>
    %sub3A_361 = arith.constant 7168 : i32
    %sub3A_362 = vector.broadcast %sub3A_361 : i32 to vector<16xi32>
    %sub3A_363 = arith.subi %sub3A_357, %sub3A_362 : vector<16xi32>
    %select_n3A_364 = arith.select %ge3A_360, %sub3A_363, %sub3A_357 : vector<16xi1>, vector<16xi32>
    %shift_left3A_365 = arith.constant 10 : i32
    %shift_left3A_366 = vector.broadcast %shift_left3A_365 : i32 to vector<16xi32>
    %shift_left3A_367 = arith.shli %sub3A_353, %shift_left3A_366 : vector<16xi32>
    %add3A_368 = arith.addi %shift_left3A_367, %select_n3A_364 : vector<16xi32>
    %shift_left3A_369 = arith.constant 1 : i32
    %shift_left3A_370 = vector.broadcast %shift_left3A_369 : i32 to vector<16xi32>
    %shift_left3A_371 = arith.shli %add3A_368, %shift_left3A_370 : vector<16xi32>
    %jit3A_372 = arith.constant 1 : i32
    %jit3A_373 = arith.constant 0 : i32
    %broadcast_in_dim3A_374 = vector.broadcast %jit3A_372 : i32 to vector<16xi32>
    %broadcast_in_dim3A_375 = vector.broadcast %jit3A_373 : i32 to vector<16xi32>
    %select_n3A_376 = arith.select %ge3A_360, %broadcast_in_dim3A_374, %broadcast_in_dim3A_375 : vector<16xi1>, vector<16xi32>
    %add3A_377 = arith.addi %shift_left3A_371, %select_n3A_376 : vector<16xi32>
    %swap3A_378 = arith.constant 0 : i32
    %swap3A_379 = arith.index_cast %swap3A_378 : i32 to index
    %swap3A_380 = arith.constant 80 : index
    %swap3A_381 = tpu.vector_load %arg5[%swap3A_379, %swap3A_380] {strides = array<i32>} : memref<4x128xi32, #tpu.memory_space<vmem>>, vector<1x16xi32>,
    %swap3A_382 = vector.shape_cast %swap3A_381 : vector<1x16xi32> to vector<16xi32>
    %swap3A_383 = vector.shape_cast %add3A_377 : vector<16xi32> to vector<1x16xi32>
    tpu.vector_store %arg5[%swap3A_379, %swap3A_380], %swap3A_383 {strides = array<i32>} : memref<4x128xi32, #tpu.memory_space<vmem>>, vector<1x16xi32>,
    %get3A_384 = arith.constant 0 : i32
    %get3A_385 = arith.index_cast %get3A_384 : i32 to index
    %get3A_386 = arith.constant 96 : index
    %get3A_387 = tpu.vector_load %arg5[%get3A_385, %get3A_386] {strides = array<i32>} : memref<4x128xi32, #tpu.memory_space<vmem>>, vector<1x16xi32>,
    %get3A_388 = vector.shape_cast %get3A_387 : vector<1x16xi32> to vector<16xi32>
    %shift_right_arithmetic3A_389 = arith.constant 11 : i32
    %shift_right_arithmetic3A_390 = vector.broadcast %shift_right_arithmetic3A_389 : i32 to vector<16xi32>
    %shift_right_arithmetic3A_391 = arith.shrsi %get3A_388, %shift_right_arithmetic3A_390 : vector<16xi32>
    %shift_left3A_392 = arith.constant 13 : i32
    %shift_left3A_393 = vector.broadcast %shift_left3A_392 : i32 to vector<16xi32>
    %shift_left3A_394 = arith.shli %shift_right_arithmetic3A_391, %shift_left3A_393 : vector<16xi32>
    %shift_left3A_395 = arith.constant 10 : i32
    %shift_left3A_396 = vector.broadcast %shift_left3A_395 : i32 to vector<16xi32>
    %shift_left3A_397 = arith.shli %shift_right_arithmetic3A_391, %shift_left3A_396 : vector<16xi32>
    %add3A_398 = arith.addi %shift_left3A_394, %shift_left3A_397 : vector<16xi32>
    %shift_left3A_399 = arith.constant 7 : i32
    %shift_left3A_400 = vector.broadcast %shift_left3A_399 : i32 to vector<16xi32>
    %shift_left3A_401 = arith.shli %shift_right_arithmetic3A_391, %shift_left3A_400 : vector<16xi32>
    %add3A_402 = arith.addi %add3A_398, %shift_left3A_401 : vector<16xi32>
    %shift_left3A_403 = arith.constant 4 : i32
    %shift_left3A_404 = vector.broadcast %shift_left3A_403 : i32 to vector<16xi32>
    %shift_left3A_405 = arith.shli %shift_right_arithmetic3A_391, %shift_left3A_404 : vector<16xi32>
    %add3A_406 = arith.addi %add3A_402, %shift_left3A_405 : vector<16xi32>
    %shift_left3A_407 = arith.constant 1 : i32
    %shift_left3A_408 = vector.broadcast %shift_left3A_407 : i32 to vector<16xi32>
    %shift_left3A_409 = arith.shli %shift_right_arithmetic3A_391, %shift_left3A_408 : vector<16xi32>
    %add3A_410 = arith.addi %add3A_406, %shift_left3A_409 : vector<16xi32>
    %add3A_411 = arith.addi %add3A_410, %shift_right_arithmetic3A_391 : vector<16xi32>
    %shift_right_arithmetic3A_412 = arith.constant 16 : i32
    %shift_right_arithmetic3A_413 = vector.broadcast %shift_right_arithmetic3A_412 : i32 to vector<16xi32>
    %shift_right_arithmetic3A_414 = arith.shrsi %add3A_411, %shift_right_arithmetic3A_413 : vector<16xi32>
    %shift_left3A_415 = arith.constant 3 : i32
    %shift_left3A_416 = vector.broadcast %shift_left3A_415 : i32 to vector<16xi32>
    %shift_left3A_417 = arith.shli %shift_right_arithmetic3A_414, %shift_left3A_416 : vector<16xi32>
    %sub3A_418 = arith.subi %shift_left3A_417, %shift_right_arithmetic3A_414 : vector<16xi32>
    %shift_left3A_419 = arith.constant 11 : i32
    %shift_left3A_420 = vector.broadcast %shift_left3A_419 : i32 to vector<16xi32>
    %shift_left3A_421 = arith.shli %sub3A_418, %shift_left3A_420 : vector<16xi32>
    %sub3A_422 = arith.subi %get3A_388, %shift_left3A_421 : vector<16xi32>
    %ge3A_423 = arith.constant 7168 : i32
    %ge3A_424 = vector.broadcast %ge3A_423 : i32 to vector<16xi32>
    %ge3A_425 = arith.cmpi sge, %sub3A_422, %ge3A_424 : vector<16xi32>
    %sub3A_426 = arith.constant 7168 : i32
    %sub3A_427 = vector.broadcast %sub3A_426 : i32 to vector<16xi32>
    %sub3A_428 = arith.subi %sub3A_422, %sub3A_427 : vector<16xi32>
    %select_n3A_429 = arith.select %ge3A_425, %sub3A_428, %sub3A_422 : vector<16xi1>, vector<16xi32>
    %shift_left3A_430 = arith.constant 10 : i32
    %shift_left3A_431 = vector.broadcast %shift_left3A_430 : i32 to vector<16xi32>
    %shift_left3A_432 = arith.shli %sub3A_418, %shift_left3A_431 : vector<16xi32>
    %add3A_433 = arith.addi %shift_left3A_432, %select_n3A_429 : vector<16xi32>
    %shift_left3A_434 = arith.constant 1 : i32
    %shift_left3A_435 = vector.broadcast %shift_left3A_434 : i32 to vector<16xi32>
    %shift_left3A_436 = arith.shli %add3A_433, %shift_left3A_435 : vector<16xi32>
    %jit3A_437 = arith.constant 1 : i32
    %jit3A_438 = arith.constant 0 : i32
    %broadcast_in_dim3A_439 = vector.broadcast %jit3A_437 : i32 to vector<16xi32>
    %broadcast_in_dim3A_440 = vector.broadcast %jit3A_438 : i32 to vector<16xi32>
    %select_n3A_441 = arith.select %ge3A_425, %broadcast_in_dim3A_439, %broadcast_in_dim3A_440 : vector<16xi1>, vector<16xi32>
    %add3A_442 = arith.addi %shift_left3A_436, %select_n3A_441 : vector<16xi32>
    %swap3A_443 = arith.constant 0 : i32
    %swap3A_444 = arith.index_cast %swap3A_443 : i32 to index
    %swap3A_445 = arith.constant 96 : index
    %swap3A_446 = tpu.vector_load %arg5[%swap3A_444, %swap3A_445] {strides = array<i32>} : memref<4x128xi32, #tpu.memory_space<vmem>>, vector<1x16xi32>,
    %swap3A_447 = vector.shape_cast %swap3A_446 : vector<1x16xi32> to vector<16xi32>
    %swap3A_448 = vector.shape_cast %add3A_442 : vector<16xi32> to vector<1x16xi32>
    tpu.vector_store %arg5[%swap3A_444, %swap3A_445], %swap3A_448 {strides = array<i32>} : memref<4x128xi32, #tpu.memory_space<vmem>>, vector<1x16xi32>,
    %get3A_449 = arith.constant 0 : i32
    %get3A_450 = arith.index_cast %get3A_449 : i32 to index
    %get3A_451 = arith.constant 112 : index
    %get3A_452 = tpu.vector_load %arg5[%get3A_450, %get3A_451] {strides = array<i32>} : memref<4x128xi32, #tpu.memory_space<vmem>>, vector<1x16xi32>,
    %get3A_453 = vector.shape_cast %get3A_452 : vector<1x16xi32> to vector<16xi32>
    %shift_right_arithmetic3A_454 = arith.constant 11 : i32
    %shift_right_arithmetic3A_455 = vector.broadcast %shift_right_arithmetic3A_454 : i32 to vector<16xi32>
    %shift_right_arithmetic3A_456 = arith.shrsi %get3A_453, %shift_right_arithmetic3A_455 : vector<16xi32>
    %shift_left3A_457 = arith.constant 13 : i32
    %shift_left3A_458 = vector.broadcast %shift_left3A_457 : i32 to vector<16xi32>
    %shift_left3A_459 = arith.shli %shift_right_arithmetic3A_456, %shift_left3A_458 : vector<16xi32>
    %shift_left3A_460 = arith.constant 10 : i32
    %shift_left3A_461 = vector.broadcast %shift_left3A_460 : i32 to vector<16xi32>
    %shift_left3A_462 = arith.shli %shift_right_arithmetic3A_456, %shift_left3A_461 : vector<16xi32>
    %add3A_463 = arith.addi %shift_left3A_459, %shift_left3A_462 : vector<16xi32>
    %shift_left3A_464 = arith.constant 7 : i32
    %shift_left3A_465 = vector.broadcast %shift_left3A_464 : i32 to vector<16xi32>
    %shift_left3A_466 = arith.shli %shift_right_arithmetic3A_456, %shift_left3A_465 : vector<16xi32>
    %add3A_467 = arith.addi %add3A_463, %shift_left3A_466 : vector<16xi32>
    %shift_left3A_468 = arith.constant 4 : i32
    %shift_left3A_469 = vector.broadcast %shift_left3A_468 : i32 to vector<16xi32>
    %shift_left3A_470 = arith.shli %shift_right_arithmetic3A_456, %shift_left3A_469 : vector<16xi32>
    %add3A_471 = arith.addi %add3A_467, %shift_left3A_470 : vector<16xi32>
    %shift_left3A_472 = arith.constant 1 : i32
    %shift_left3A_473 = vector.broadcast %shift_left3A_472 : i32 to vector<16xi32>
    %shift_left3A_474 = arith.shli %shift_right_arithmetic3A_456, %shift_left3A_473 : vector<16xi32>
    %add3A_475 = arith.addi %add3A_471, %shift_left3A_474 : vector<16xi32>
    %add3A_476 = arith.addi %add3A_475, %shift_right_arithmetic3A_456 : vector<16xi32>
    %shift_right_arithmetic3A_477 = arith.constant 16 : i32
    %shift_right_arithmetic3A_478 = vector.broadcast %shift_right_arithmetic3A_477 : i32 to vector<16xi32>
    %shift_right_arithmetic3A_479 = arith.shrsi %add3A_476, %shift_right_arithmetic3A_478 : vector<16xi32>
    %shift_left3A_480 = arith.constant 3 : i32
    %shift_left3A_481 = vector.broadcast %shift_left3A_480 : i32 to vector<16xi32>
    %shift_left3A_482 = arith.shli %shift_right_arithmetic3A_479, %shift_left3A_481 : vector<16xi32>
    %sub3A_483 = arith.subi %shift_left3A_482, %shift_right_arithmetic3A_479 : vector<16xi32>
    %shift_left3A_484 = arith.constant 11 : i32
    %shift_left3A_485 = vector.broadcast %shift_left3A_484 : i32 to vector<16xi32>
    %shift_left3A_486 = arith.shli %sub3A_483, %shift_left3A_485 : vector<16xi32>
    %sub3A_487 = arith.subi %get3A_453, %shift_left3A_486 : vector<16xi32>
    %ge3A_488 = arith.constant 7168 : i32
    %ge3A_489 = vector.broadcast %ge3A_488 : i32 to vector<16xi32>
    %ge3A_490 = arith.cmpi sge, %sub3A_487, %ge3A_489 : vector<16xi32>
    %sub3A_491 = arith.constant 7168 : i32
    %sub3A_492 = vector.broadcast %sub3A_491 : i32 to vector<16xi32>
    %sub3A_493 = arith.subi %sub3A_487, %sub3A_492 : vector<16xi32>
    %select_n3A_494 = arith.select %ge3A_490, %sub3A_493, %sub3A_487 : vector<16xi1>, vector<16xi32>
    %shift_left3A_495 = arith.constant 10 : i32
    %shift_left3A_496 = vector.broadcast %shift_left3A_495 : i32 to vector<16xi32>
    %shift_left3A_497 = arith.shli %sub3A_483, %shift_left3A_496 : vector<16xi32>
    %add3A_498 = arith.addi %shift_left3A_497, %select_n3A_494 : vector<16xi32>
    %shift_left3A_499 = arith.constant 1 : i32
    %shift_left3A_500 = vector.broadcast %shift_left3A_499 : i32 to vector<16xi32>
    %shift_left3A_501 = arith.shli %add3A_498, %shift_left3A_500 : vector<16xi32>
    %jit3A_502 = arith.constant 1 : i32
    %jit3A_503 = arith.constant 0 : i32
    %broadcast_in_dim3A_504 = vector.broadcast %jit3A_502 : i32 to vector<16xi32>
    %broadcast_in_dim3A_505 = vector.broadcast %jit3A_503 : i32 to vector<16xi32>
    %select_n3A_506 = arith.select %ge3A_490, %broadcast_in_dim3A_504, %broadcast_in_dim3A_505 : vector<16xi1>, vector<16xi32>
    %add3A_507 = arith.addi %shift_left3A_501, %select_n3A_506 : vector<16xi32>
    %swap3A_508 = arith.constant 0 : i32
    %swap3A_509 = arith.index_cast %swap3A_508 : i32 to index
    %swap3A_510 = arith.constant 112 : index
    %swap3A_511 = tpu.vector_load %arg5[%swap3A_509, %swap3A_510] {strides = array<i32>} : memref<4x128xi32, #tpu.memory_space<vmem>>, vector<1x16xi32>,
    %swap3A_512 = vector.shape_cast %swap3A_511 : vector<1x16xi32> to vector<16xi32>
    %swap3A_513 = vector.shape_cast %add3A_507 : vector<16xi32> to vector<1x16xi32>
    tpu.vector_store %arg5[%swap3A_509, %swap3A_510], %swap3A_513 {strides = array<i32>} : memref<4x128xi32, #tpu.memory_space<vmem>>, vector<1x16xi32>,
    %get3A_514 = arith.constant 1 : i32
    %get3A_515 = arith.index_cast %get3A_514 : i32 to index
    %get3A_516 = arith.constant 0 : index
    %get3A_517 = tpu.vector_load %arg5[%get3A_515, %get3A_516] {strides = array<i32>} : memref<4x128xi32, #tpu.memory_space<vmem>>, vector<1x16xi32>,
    %get3A_518 = vector.shape_cast %get3A_517 : vector<1x16xi32> to vector<16xi32>
    %shift_right_arithmetic3A_519 = arith.constant 11 : i32
    %shift_right_arithmetic3A_520 = vector.broadcast %shift_right_arithmetic3A_519 : i32 to vector<16xi32>
    %shift_right_arithmetic3A_521 = arith.shrsi %get3A_518, %shift_right_arithmetic3A_520 : vector<16xi32>
    %shift_left3A_522 = arith.constant 13 : i32
    %shift_left3A_523 = vector.broadcast %shift_left3A_522 : i32 to vector<16xi32>
    %shift_left3A_524 = arith.shli %shift_right_arithmetic3A_521, %shift_left3A_523 : vector<16xi32>
    %shift_left3A_525 = arith.constant 10 : i32
    %shift_left3A_526 = vector.broadcast %shift_left3A_525 : i32 to vector<16xi32>
    %shift_left3A_527 = arith.shli %shift_right_arithmetic3A_521, %shift_left3A_526 : vector<16xi32>
    %add3A_528 = arith.addi %shift_left3A_524, %shift_left3A_527 : vector<16xi32>
    %shift_left3A_529 = arith.constant 7 : i32
    %shift_left3A_530 = vector.broadcast %shift_left3A_529 : i32 to vector<16xi32>
    %shift_left3A_531 = arith.shli %shift_right_arithmetic3A_521, %shift_left3A_530 : vector<16xi32>
    %add3A_532 = arith.addi %add3A_528, %shift_left3A_531 : vector<16xi32>
    %shift_left3A_533 = arith.constant 4 : i32
    %shift_left3A_534 = vector.broadcast %shift_left3A_533 : i32 to vector<16xi32>
    %shift_left3A_535 = arith.shli %shift_right_arithmetic3A_521, %shift_left3A_534 : vector<16xi32>
    %add3A_536 = arith.addi %add3A_532, %shift_left3A_535 : vector<16xi32>
    %shift_left3A_537 = arith.constant 1 : i32
    %shift_left3A_538 = vector.broadcast %shift_left3A_537 : i32 to vector<16xi32>
    %shift_left3A_539 = arith.shli %shift_right_arithmetic3A_521, %shift_left3A_538 : vector<16xi32>
    %add3A_540 = arith.addi %add3A_536, %shift_left3A_539 : vector<16xi32>
    %add3A_541 = arith.addi %add3A_540, %shift_right_arithmetic3A_521 : vector<16xi32>
    %shift_right_arithmetic3A_542 = arith.constant 16 : i32
    %shift_right_arithmetic3A_543 = vector.broadcast %shift_right_arithmetic3A_542 : i32 to vector<16xi32>
    %shift_right_arithmetic3A_544 = arith.shrsi %add3A_541, %shift_right_arithmetic3A_543 : vector<16xi32>
    %shift_left3A_545 = arith.constant 3 : i32
    %shift_left3A_546 = vector.broadcast %shift_left3A_545 : i32 to vector<16xi32>
    %shift_left3A_547 = arith.shli %shift_right_arithmetic3A_544, %shift_left3A_546 : vector<16xi32>
    %sub3A_548 = arith.subi %shift_left3A_547, %shift_right_arithmetic3A_544 : vector<16xi32>
    %shift_left3A_549 = arith.constant 11 : i32
    %shift_left3A_550 = vector.broadcast %shift_left3A_549 : i32 to vector<16xi32>
    %shift_left3A_551 = arith.shli %sub3A_548, %shift_left3A_550 : vector<16xi32>
    %sub3A_552 = arith.subi %get3A_518, %shift_left3A_551 : vector<16xi32>
    %ge3A_553 = arith.constant 7168 : i32
    %ge3A_554 = vector.broadcast %ge3A_553 : i32 to vector<16xi32>
    %ge3A_555 = arith.cmpi sge, %sub3A_552, %ge3A_554 : vector<16xi32>
    %sub3A_556 = arith.constant 7168 : i32
    %sub3A_557 = vector.broadcast %sub3A_556 : i32 to vector<16xi32>
    %sub3A_558 = arith.subi %sub3A_552, %sub3A_557 : vector<16xi32>
    %select_n3A_559 = arith.select %ge3A_555, %sub3A_558, %sub3A_552 : vector<16xi1>, vector<16xi32>
    %shift_left3A_560 = arith.constant 10 : i32
    %shift_left3A_561 = vector.broadcast %shift_left3A_560 : i32 to vector<16xi32>
    %shift_left3A_562 = arith.shli %sub3A_548, %shift_left3A_561 : vector<16xi32>
    %add3A_563 = arith.addi %shift_left3A_562, %select_n3A_559 : vector<16xi32>
    %shift_left3A_564 = arith.constant 1 : i32
    %shift_left3A_565 = vector.broadcast %shift_left3A_564 : i32 to vector<16xi32>
    %shift_left3A_566 = arith.shli %add3A_563, %shift_left3A_565 : vector<16xi32>
    %jit3A_567 = arith.constant 1 : i32
    %jit3A_568 = arith.constant 0 : i32
    %broadcast_in_dim3A_569 = vector.broadcast %jit3A_567 : i32 to vector<16xi32>
    %broadcast_in_dim3A_570 = vector.broadcast %jit3A_568 : i32 to vector<16xi32>
    %select_n3A_571 = arith.select %ge3A_555, %broadcast_in_dim3A_569, %broadcast_in_dim3A_570 : vector<16xi1>, vector<16xi32>
    %add3A_572 = arith.addi %shift_left3A_566, %select_n3A_571 : vector<16xi32>
    %swap3A_573 = arith.constant 1 : i32
    %swap3A_574 = arith.index_cast %swap3A_573 : i32 to index
    %swap3A_575 = arith.constant 0 : index
    %swap3A_576 = tpu.vector_load %arg5[%swap3A_574, %swap3A_575] {strides = array<i32>} : memref<4x128xi32, #tpu.memory_space<vmem>>, vector<1x16xi32>,
    %swap3A_577 = vector.shape_cast %swap3A_576 : vector<1x16xi32> to vector<16xi32>
    %swap3A_578 = vector.shape_cast %add3A_572 : vector<16xi32> to vector<1x16xi32>
    tpu.vector_store %arg5[%swap3A_574, %swap3A_575], %swap3A_578 {strides = array<i32>} : memref<4x128xi32, #tpu.memory_space<vmem>>, vector<1x16xi32>,
    %get3A_579 = arith.constant 1 : i32
    %get3A_580 = arith.index_cast %get3A_579 : i32 to index
    %get3A_581 = arith.constant 16 : index
    %get3A_582 = tpu.vector_load %arg5[%get3A_580, %get3A_581] {strides = array<i32>} : memref<4x128xi32, #tpu.memory_space<vmem>>, vector<1x16xi32>,
    %get3A_583 = vector.shape_cast %get3A_582 : vector<1x16xi32> to vector<16xi32>
    %shift_right_arithmetic3A_584 = arith.constant 11 : i32
    %shift_right_arithmetic3A_585 = vector.broadcast %shift_right_arithmetic3A_584 : i32 to vector<16xi32>
    %shift_right_arithmetic3A_586 = arith.shrsi %get3A_583, %shift_right_arithmetic3A_585 : vector<16xi32>
    %shift_left3A_587 = arith.constant 13 : i32
    %shift_left3A_588 = vector.broadcast %shift_left3A_587 : i32 to vector<16xi32>
    %shift_left3A_589 = arith.shli %shift_right_arithmetic3A_586, %shift_left3A_588 : vector<16xi32>
    %shift_left3A_590 = arith.constant 10 : i32
    %shift_left3A_591 = vector.broadcast %shift_left3A_590 : i32 to vector<16xi32>
    %shift_left3A_592 = arith.shli %shift_right_arithmetic3A_586, %shift_left3A_591 : vector<16xi32>
    %add3A_593 = arith.addi %shift_left3A_589, %shift_left3A_592 : vector<16xi32>
    %shift_left3A_594 = arith.constant 7 : i32
    %shift_left3A_595 = vector.broadcast %shift_left3A_594 : i32 to vector<16xi32>
    %shift_left3A_596 = arith.shli %shift_right_arithmetic3A_586, %shift_left3A_595 : vector<16xi32>
    %add3A_597 = arith.addi %add3A_593, %shift_left3A_596 : vector<16xi32>
    %shift_left3A_598 = arith.constant 4 : i32
    %shift_left3A_599 = vector.broadcast %shift_left3A_598 : i32 to vector<16xi32>
    %shift_left3A_600 = arith.shli %shift_right_arithmetic3A_586, %shift_left3A_599 : vector<16xi32>
    %add3A_601 = arith.addi %add3A_597, %shift_left3A_600 : vector<16xi32>
    %shift_left3A_602 = arith.constant 1 : i32
    %shift_left3A_603 = vector.broadcast %shift_left3A_602 : i32 to vector<16xi32>
    %shift_left3A_604 = arith.shli %shift_right_arithmetic3A_586, %shift_left3A_603 : vector<16xi32>
    %add3A_605 = arith.addi %add3A_601, %shift_left3A_604 : vector<16xi32>
    %add3A_606 = arith.addi %add3A_605, %shift_right_arithmetic3A_586 : vector<16xi32>
    %shift_right_arithmetic3A_607 = arith.constant 16 : i32
    %shift_right_arithmetic3A_608 = vector.broadcast %shift_right_arithmetic3A_607 : i32 to vector<16xi32>
    %shift_right_arithmetic3A_609 = arith.shrsi %add3A_606, %shift_right_arithmetic3A_608 : vector<16xi32>
    %shift_left3A_610 = arith.constant 3 : i32
    %shift_left3A_611 = vector.broadcast %shift_left3A_610 : i32 to vector<16xi32>
    %shift_left3A_612 = arith.shli %shift_right_arithmetic3A_609, %shift_left3A_611 : vector<16xi32>
    %sub3A_613 = arith.subi %shift_left3A_612, %shift_right_arithmetic3A_609 : vector<16xi32>
    %shift_left3A_614 = arith.constant 11 : i32
    %shift_left3A_615 = vector.broadcast %shift_left3A_614 : i32 to vector<16xi32>
    %shift_left3A_616 = arith.shli %sub3A_613, %shift_left3A_615 : vector<16xi32>
    %sub3A_617 = arith.subi %get3A_583, %shift_left3A_616 : vector<16xi32>
    %ge3A_618 = arith.constant 7168 : i32
    %ge3A_619 = vector.broadcast %ge3A_618 : i32 to vector<16xi32>
    %ge3A_620 = arith.cmpi sge, %sub3A_617, %ge3A_619 : vector<16xi32>
    %sub3A_621 = arith.constant 7168 : i32
    %sub3A_622 = vector.broadcast %sub3A_621 : i32 to vector<16xi32>
    %sub3A_623 = arith.subi %sub3A_617, %sub3A_622 : vector<16xi32>
    %select_n3A_624 = arith.select %ge3A_620, %sub3A_623, %sub3A_617 : vector<16xi1>, vector<16xi32>
    %shift_left3A_625 = arith.constant 10 : i32
    %shift_left3A_626 = vector.broadcast %shift_left3A_625 : i32 to vector<16xi32>
    %shift_left3A_627 = arith.shli %sub3A_613, %shift_left3A_626 : vector<16xi32>
    %add3A_628 = arith.addi %shift_left3A_627, %select_n3A_624 : vector<16xi32>
    %shift_left3A_629 = arith.constant 1 : i32
    %shift_left3A_630 = vector.broadcast %shift_left3A_629 : i32 to vector<16xi32>
    %shift_left3A_631 = arith.shli %add3A_628, %shift_left3A_630 : vector<16xi32>
    %jit3A_632 = arith.constant 1 : i32
    %jit3A_633 = arith.constant 0 : i32
    %broadcast_in_dim3A_634 = vector.broadcast %jit3A_632 : i32 to vector<16xi32>
    %broadcast_in_dim3A_635 = vector.broadcast %jit3A_633 : i32 to vector<16xi32>
    %select_n3A_636 = arith.select %ge3A_620, %broadcast_in_dim3A_634, %broadcast_in_dim3A_635 : vector<16xi1>, vector<16xi32>
    %add3A_637 = arith.addi %shift_left3A_631, %select_n3A_636 : vector<16xi32>
    %swap3A_638 = arith.constant 1 : i32
    %swap3A_639 = arith.index_cast %swap3A_638 : i32 to index
    %swap3A_640 = arith.constant 16 : index
    %swap3A_641 = tpu.vector_load %arg5[%swap3A_639, %swap3A_640] {strides = array<i32>} : memref<4x128xi32, #tpu.memory_space<vmem>>, vector<1x16xi32>,
    %swap3A_642 = vector.shape_cast %swap3A_641 : vector<1x16xi32> to vector<16xi32>
    %swap3A_643 = vector.shape_cast %add3A_637 : vector<16xi32> to vector<1x16xi32>
    tpu.vector_store %arg5[%swap3A_639, %swap3A_640], %swap3A_643 {strides = array<i32>} : memref<4x128xi32, #tpu.memory_space<vmem>>, vector<1x16xi32>,
    %get3A_644 = arith.constant 1 : i32
    %get3A_645 = arith.index_cast %get3A_644 : i32 to index
    %get3A_646 = arith.constant 32 : index
    %get3A_647 = tpu.vector_load %arg5[%get3A_645, %get3A_646] {strides = array<i32>} : memref<4x128xi32, #tpu.memory_space<vmem>>, vector<1x16xi32>,
    %get3A_648 = vector.shape_cast %get3A_647 : vector<1x16xi32> to vector<16xi32>
    %shift_right_arithmetic3A_649 = arith.constant 11 : i32
    %shift_right_arithmetic3A_650 = vector.broadcast %shift_right_arithmetic3A_649 : i32 to vector<16xi32>
    %shift_right_arithmetic3A_651 = arith.shrsi %get3A_648, %shift_right_arithmetic3A_650 : vector<16xi32>
    %shift_left3A_652 = arith.constant 13 : i32
    %shift_left3A_653 = vector.broadcast %shift_left3A_652 : i32 to vector<16xi32>
    %shift_left3A_654 = arith.shli %shift_right_arithmetic3A_651, %shift_left3A_653 : vector<16xi32>
    %shift_left3A_655 = arith.constant 10 : i32
    %shift_left3A_656 = vector.broadcast %shift_left3A_655 : i32 to vector<16xi32>
    %shift_left3A_657 = arith.shli %shift_right_arithmetic3A_651, %shift_left3A_656 : vector<16xi32>
    %add3A_658 = arith.addi %shift_left3A_654, %shift_left3A_657 : vector<16xi32>
    %shift_left3A_659 = arith.constant 7 : i32
    %shift_left3A_660 = vector.broadcast %shift_left3A_659 : i32 to vector<16xi32>
    %shift_left3A_661 = arith.shli %shift_right_arithmetic3A_651, %shift_left3A_660 : vector<16xi32>
    %add3A_662 = arith.addi %add3A_658, %shift_left3A_661 : vector<16xi32>
    %shift_left3A_663 = arith.constant 4 : i32
    %shift_left3A_664 = vector.broadcast %shift_left3A_663 : i32 to vector<16xi32>
    %shift_left3A_665 = arith.shli %shift_right_arithmetic3A_651, %shift_left3A_664 : vector<16xi32>
    %add3A_666 = arith.addi %add3A_662, %shift_left3A_665 : vector<16xi32>
    %shift_left3A_667 = arith.constant 1 : i32
    %shift_left3A_668 = vector.broadcast %shift_left3A_667 : i32 to vector<16xi32>
    %shift_left3A_669 = arith.shli %shift_right_arithmetic3A_651, %shift_left3A_668 : vector<16xi32>
    %add3A_670 = arith.addi %add3A_666, %shift_left3A_669 : vector<16xi32>
    %add3A_671 = arith.addi %add3A_670, %shift_right_arithmetic3A_651 : vector<16xi32>
    %shift_right_arithmetic3A_672 = arith.constant 16 : i32
    %shift_right_arithmetic3A_673 = vector.broadcast %shift_right_arithmetic3A_672 : i32 to vector<16xi32>
    %shift_right_arithmetic3A_674 = arith.shrsi %add3A_671, %shift_right_arithmetic3A_673 : vector<16xi32>
    %shift_left3A_675 = arith.constant 3 : i32
    %shift_left3A_676 = vector.broadcast %shift_left3A_675 : i32 to vector<16xi32>
    %shift_left3A_677 = arith.shli %shift_right_arithmetic3A_674, %shift_left3A_676 : vector<16xi32>
    %sub3A_678 = arith.subi %shift_left3A_677, %shift_right_arithmetic3A_674 : vector<16xi32>
    %shift_left3A_679 = arith.constant 11 : i32
    %shift_left3A_680 = vector.broadcast %shift_left3A_679 : i32 to vector<16xi32>
    %shift_left3A_681 = arith.shli %sub3A_678, %shift_left3A_680 : vector<16xi32>
    %sub3A_682 = arith.subi %get3A_648, %shift_left3A_681 : vector<16xi32>
    %ge3A_683 = arith.constant 7168 : i32
    %ge3A_684 = vector.broadcast %ge3A_683 : i32 to vector<16xi32>
    %ge3A_685 = arith.cmpi sge, %sub3A_682, %ge3A_684 : vector<16xi32>
    %sub3A_686 = arith.constant 7168 : i32
    %sub3A_687 = vector.broadcast %sub3A_686 : i32 to vector<16xi32>
    %sub3A_688 = arith.subi %sub3A_682, %sub3A_687 : vector<16xi32>
    %select_n3A_689 = arith.select %ge3A_685, %sub3A_688, %sub3A_682 : vector<16xi1>, vector<16xi32>
    %shift_left3A_690 = arith.constant 10 : i32
    %shift_left3A_691 = vector.broadcast %shift_left3A_690 : i32 to vector<16xi32>
    %shift_left3A_692 = arith.shli %sub3A_678, %shift_left3A_691 : vector<16xi32>
    %add3A_693 = arith.addi %shift_left3A_692, %select_n3A_689 : vector<16xi32>
    %shift_left3A_694 = arith.constant 1 : i32
    %shift_left3A_695 = vector.broadcast %shift_left3A_694 : i32 to vector<16xi32>
    %shift_left3A_696 = arith.shli %add3A_693, %shift_left3A_695 : vector<16xi32>
    %jit3A_697 = arith.constant 1 : i32
    %jit3A_698 = arith.constant 0 : i32
    %broadcast_in_dim3A_699 = vector.broadcast %jit3A_697 : i32 to vector<16xi32>
    %broadcast_in_dim3A_700 = vector.broadcast %jit3A_698 : i32 to vector<16xi32>
    %select_n3A_701 = arith.select %ge3A_685, %broadcast_in_dim3A_699, %broadcast_in_dim3A_700 : vector<16xi1>, vector<16xi32>
    %add3A_702 = arith.addi %shift_left3A_696, %select_n3A_701 : vector<16xi32>
    %swap3A_703 = arith.constant 1 : i32
    %swap3A_704 = arith.index_cast %swap3A_703 : i32 to index
    %swap3A_705 = arith.constant 32 : index
    %swap3A_706 = tpu.vector_load %arg5[%swap3A_704, %swap3A_705] {strides = array<i32>} : memref<4x128xi32, #tpu.memory_space<vmem>>, vector<1x16xi32>,
    %swap3A_707 = vector.shape_cast %swap3A_706 : vector<1x16xi32> to vector<16xi32>
    %swap3A_708 = vector.shape_cast %add3A_702 : vector<16xi32> to vector<1x16xi32>
    tpu.vector_store %arg5[%swap3A_704, %swap3A_705], %swap3A_708 {strides = array<i32>} : memref<4x128xi32, #tpu.memory_space<vmem>>, vector<1x16xi32>,
    %get3A_709 = arith.constant 1 : i32
    %get3A_710 = arith.index_cast %get3A_709 : i32 to index
    %get3A_711 = arith.constant 48 : index
    %get3A_712 = tpu.vector_load %arg5[%get3A_710, %get3A_711] {strides = array<i32>} : memref<4x128xi32, #tpu.memory_space<vmem>>, vector<1x16xi32>,
    %get3A_713 = vector.shape_cast %get3A_712 : vector<1x16xi32> to vector<16xi32>
    %shift_right_arithmetic3A_714 = arith.constant 11 : i32
    %shift_right_arithmetic3A_715 = vector.broadcast %shift_right_arithmetic3A_714 : i32 to vector<16xi32>
    %shift_right_arithmetic3A_716 = arith.shrsi %get3A_713, %shift_right_arithmetic3A_715 : vector<16xi32>
    %shift_left3A_717 = arith.constant 13 : i32
    %shift_left3A_718 = vector.broadcast %shift_left3A_717 : i32 to vector<16xi32>
    %shift_left3A_719 = arith.shli %shift_right_arithmetic3A_716, %shift_left3A_718 : vector<16xi32>
    %shift_left3A_720 = arith.constant 10 : i32
    %shift_left3A_721 = vector.broadcast %shift_left3A_720 : i32 to vector<16xi32>
    %shift_left3A_722 = arith.shli %shift_right_arithmetic3A_716, %shift_left3A_721 : vector<16xi32>
    %add3A_723 = arith.addi %shift_left3A_719, %shift_left3A_722 : vector<16xi32>
    %shift_left3A_724 = arith.constant 7 : i32
    %shift_left3A_725 = vector.broadcast %shift_left3A_724 : i32 to vector<16xi32>
    %shift_left3A_726 = arith.shli %shift_right_arithmetic3A_716, %shift_left3A_725 : vector<16xi32>
    %add3A_727 = arith.addi %add3A_723, %shift_left3A_726 : vector<16xi32>
    %shift_left3A_728 = arith.constant 4 : i32
    %shift_left3A_729 = vector.broadcast %shift_left3A_728 : i32 to vector<16xi32>
    %shift_left3A_730 = arith.shli %shift_right_arithmetic3A_716, %shift_left3A_729 : vector<16xi32>
    %add3A_731 = arith.addi %add3A_727, %shift_left3A_730 : vector<16xi32>
    %shift_left3A_732 = arith.constant 1 : i32
    %shift_left3A_733 = vector.broadcast %shift_left3A_732 : i32 to vector<16xi32>
    %shift_left3A_734 = arith.shli %shift_right_arithmetic3A_716, %shift_left3A_733 : vector<16xi32>
    %add3A_735 = arith.addi %add3A_731, %shift_left3A_734 : vector<16xi32>
    %add3A_736 = arith.addi %add3A_735, %shift_right_arithmetic3A_716 : vector<16xi32>
    %shift_right_arithmetic3A_737 = arith.constant 16 : i32
    %shift_right_arithmetic3A_738 = vector.broadcast %shift_right_arithmetic3A_737 : i32 to vector<16xi32>
    %shift_right_arithmetic3A_739 = arith.shrsi %add3A_736, %shift_right_arithmetic3A_738 : vector<16xi32>
    %shift_left3A_740 = arith.constant 3 : i32
    %shift_left3A_741 = vector.broadcast %shift_left3A_740 : i32 to vector<16xi32>
    %shift_left3A_742 = arith.shli %shift_right_arithmetic3A_739, %shift_left3A_741 : vector<16xi32>
    %sub3A_743 = arith.subi %shift_left3A_742, %shift_right_arithmetic3A_739 : vector<16xi32>
    %shift_left3A_744 = arith.constant 11 : i32
    %shift_left3A_745 = vector.broadcast %shift_left3A_744 : i32 to vector<16xi32>
    %shift_left3A_746 = arith.shli %sub3A_743, %shift_left3A_745 : vector<16xi32>
    %sub3A_747 = arith.subi %get3A_713, %shift_left3A_746 : vector<16xi32>
    %ge3A_748 = arith.constant 7168 : i32
    %ge3A_749 = vector.broadcast %ge3A_748 : i32 to vector<16xi32>
    %ge3A_750 = arith.cmpi sge, %sub3A_747, %ge3A_749 : vector<16xi32>
    %sub3A_751 = arith.constant 7168 : i32
    %sub3A_752 = vector.broadcast %sub3A_751 : i32 to vector<16xi32>
    %sub3A_753 = arith.subi %sub3A_747, %sub3A_752 : vector<16xi32>
    %select_n3A_754 = arith.select %ge3A_750, %sub3A_753, %sub3A_747 : vector<16xi1>, vector<16xi32>
    %shift_left3A_755 = arith.constant 10 : i32
    %shift_left3A_756 = vector.broadcast %shift_left3A_755 : i32 to vector<16xi32>
    %shift_left3A_757 = arith.shli %sub3A_743, %shift_left3A_756 : vector<16xi32>
    %add3A_758 = arith.addi %shift_left3A_757, %select_n3A_754 : vector<16xi32>
    %shift_left3A_759 = arith.constant 1 : i32
    %shift_left3A_760 = vector.broadcast %shift_left3A_759 : i32 to vector<16xi32>
    %shift_left3A_761 = arith.shli %add3A_758, %shift_left3A_760 : vector<16xi32>
    %jit3A_762 = arith.constant 1 : i32
    %jit3A_763 = arith.constant 0 : i32
    %broadcast_in_dim3A_764 = vector.broadcast %jit3A_762 : i32 to vector<16xi32>
    %broadcast_in_dim3A_765 = vector.broadcast %jit3A_763 : i32 to vector<16xi32>
    %select_n3A_766 = arith.select %ge3A_750, %broadcast_in_dim3A_764, %broadcast_in_dim3A_765 : vector<16xi1>, vector<16xi32>
    %add3A_767 = arith.addi %shift_left3A_761, %select_n3A_766 : vector<16xi32>
    %swap3A_768 = arith.constant 1 : i32
    %swap3A_769 = arith.index_cast %swap3A_768 : i32 to index
    %swap3A_770 = arith.constant 48 : index
    %swap3A_771 = tpu.vector_load %arg5[%swap3A_769, %swap3A_770] {strides = array<i32>} : memref<4x128xi32, #tpu.memory_space<vmem>>, vector<1x16xi32>,
    %swap3A_772 = vector.shape_cast %swap3A_771 : vector<1x16xi32> to vector<16xi32>
    %swap3A_773 = vector.shape_cast %add3A_767 : vector<16xi32> to vector<1x16xi32>
    tpu.vector_store %arg5[%swap3A_769, %swap3A_770], %swap3A_773 {strides = array<i32>} : memref<4x128xi32, #tpu.memory_space<vmem>>, vector<1x16xi32>,
    %get3A_774 = arith.constant 1 : i32
    %get3A_775 = arith.index_cast %get3A_774 : i32 to index
    %get3A_776 = arith.constant 64 : index
    %get3A_777 = tpu.vector_load %arg5[%get3A_775, %get3A_776] {strides = array<i32>} : memref<4x128xi32, #tpu.memory_space<vmem>>, vector<1x16xi32>,
    %get3A_778 = vector.shape_cast %get3A_777 : vector<1x16xi32> to vector<16xi32>
    %shift_right_arithmetic3A_779 = arith.constant 11 : i32
    %shift_right_arithmetic3A_780 = vector.broadcast %shift_right_arithmetic3A_779 : i32 to vector<16xi32>
    %shift_right_arithmetic3A_781 = arith.shrsi %get3A_778, %shift_right_arithmetic3A_780 : vector<16xi32>
    %shift_left3A_782 = arith.constant 13 : i32
    %shift_left3A_783 = vector.broadcast %shift_left3A_782 : i32 to vector<16xi32>
    %shift_left3A_784 = arith.shli %shift_right_arithmetic3A_781, %shift_left3A_783 : vector<16xi32>
    %shift_left3A_785 = arith.constant 10 : i32
    %shift_left3A_786 = vector.broadcast %shift_left3A_785 : i32 to vector<16xi32>
    %shift_left3A_787 = arith.shli %shift_right_arithmetic3A_781, %shift_left3A_786 : vector<16xi32>
    %add3A_788 = arith.addi %shift_left3A_784, %shift_left3A_787 : vector<16xi32>
    %shift_left3A_789 = arith.constant 7 : i32
    %shift_left3A_790 = vector.broadcast %shift_left3A_789 : i32 to vector<16xi32>
    %shift_left3A_791 = arith.shli %shift_right_arithmetic3A_781, %shift_left3A_790 : vector<16xi32>
    %add3A_792 = arith.addi %add3A_788, %shift_left3A_791 : vector<16xi32>
    %shift_left3A_793 = arith.constant 4 : i32
    %shift_left3A_794 = vector.broadcast %shift_left3A_793 : i32 to vector<16xi32>
    %shift_left3A_795 = arith.shli %shift_right_arithmetic3A_781, %shift_left3A_794 : vector<16xi32>
    %add3A_796 = arith.addi %add3A_792, %shift_left3A_795 : vector<16xi32>
    %shift_left3A_797 = arith.constant 1 : i32
    %shift_left3A_798 = vector.broadcast %shift_left3A_797 : i32 to vector<16xi32>
    %shift_left3A_799 = arith.shli %shift_right_arithmetic3A_781, %shift_left3A_798 : vector<16xi32>
    %add3A_800 = arith.addi %add3A_796, %shift_left3A_799 : vector<16xi32>
    %add3A_801 = arith.addi %add3A_800, %shift_right_arithmetic3A_781 : vector<16xi32>
    %shift_right_arithmetic3A_802 = arith.constant 16 : i32
    %shift_right_arithmetic3A_803 = vector.broadcast %shift_right_arithmetic3A_802 : i32 to vector<16xi32>
    %shift_right_arithmetic3A_804 = arith.shrsi %add3A_801, %shift_right_arithmetic3A_803 : vector<16xi32>
    %shift_left3A_805 = arith.constant 3 : i32
    %shift_left3A_806 = vector.broadcast %shift_left3A_805 : i32 to vector<16xi32>
    %shift_left3A_807 = arith.shli %shift_right_arithmetic3A_804, %shift_left3A_806 : vector<16xi32>
    %sub3A_808 = arith.subi %shift_left3A_807, %shift_right_arithmetic3A_804 : vector<16xi32>
    %shift_left3A_809 = arith.constant 11 : i32
    %shift_left3A_810 = vector.broadcast %shift_left3A_809 : i32 to vector<16xi32>
    %shift_left3A_811 = arith.shli %sub3A_808, %shift_left3A_810 : vector<16xi32>
    %sub3A_812 = arith.subi %get3A_778, %shift_left3A_811 : vector<16xi32>
    %ge3A_813 = arith.constant 7168 : i32
    %ge3A_814 = vector.broadcast %ge3A_813 : i32 to vector<16xi32>
    %ge3A_815 = arith.cmpi sge, %sub3A_812, %ge3A_814 : vector<16xi32>
    %sub3A_816 = arith.constant 7168 : i32
    %sub3A_817 = vector.broadcast %sub3A_816 : i32 to vector<16xi32>
    %sub3A_818 = arith.subi %sub3A_812, %sub3A_817 : vector<16xi32>
    %select_n3A_819 = arith.select %ge3A_815, %sub3A_818, %sub3A_812 : vector<16xi1>, vector<16xi32>
    %shift_left3A_820 = arith.constant 10 : i32
    %shift_left3A_821 = vector.broadcast %shift_left3A_820 : i32 to vector<16xi32>
    %shift_left3A_822 = arith.shli %sub3A_808, %shift_left3A_821 : vector<16xi32>
    %add3A_823 = arith.addi %shift_left3A_822, %select_n3A_819 : vector<16xi32>
    %shift_left3A_824 = arith.constant 1 : i32
    %shift_left3A_825 = vector.broadcast %shift_left3A_824 : i32 to vector<16xi32>
    %shift_left3A_826 = arith.shli %add3A_823, %shift_left3A_825 : vector<16xi32>
    %jit3A_827 = arith.constant 1 : i32
    %jit3A_828 = arith.constant 0 : i32
    %broadcast_in_dim3A_829 = vector.broadcast %jit3A_827 : i32 to vector<16xi32>
    %broadcast_in_dim3A_830 = vector.broadcast %jit3A_828 : i32 to vector<16xi32>
    %select_n3A_831 = arith.select %ge3A_815, %broadcast_in_dim3A_829, %broadcast_in_dim3A_830 : vector<16xi1>, vector<16xi32>
    %add3A_832 = arith.addi %shift_left3A_826, %select_n3A_831 : vector<16xi32>
    %swap3A_833 = arith.constant 1 : i32
    %swap3A_834 = arith.index_cast %swap3A_833 : i32 to index
    %swap3A_835 = arith.constant 64 : index
    %swap3A_836 = tpu.vector_load %arg5[%swap3A_834, %swap3A_835] {strides = array<i32>} : memref<4x128xi32, #tpu.memory_space<vmem>>, vector<1x16xi32>,
    %swap3A_837 = vector.shape_cast %swap3A_836 : vector<1x16xi32> to vector<16xi32>
    %swap3A_838 = vector.shape_cast %add3A_832 : vector<16xi32> to vector<1x16xi32>
    tpu.vector_store %arg5[%swap3A_834, %swap3A_835], %swap3A_838 {strides = array<i32>} : memref<4x128xi32, #tpu.memory_space<vmem>>, vector<1x16xi32>,
    %get3A_839 = arith.constant 1 : i32
    %get3A_840 = arith.index_cast %get3A_839 : i32 to index
    %get3A_841 = arith.constant 80 : index
    %get3A_842 = tpu.vector_load %arg5[%get3A_840, %get3A_841] {strides = array<i32>} : memref<4x128xi32, #tpu.memory_space<vmem>>, vector<1x16xi32>,
    %get3A_843 = vector.shape_cast %get3A_842 : vector<1x16xi32> to vector<16xi32>
    %shift_right_arithmetic3A_844 = arith.constant 11 : i32
    %shift_right_arithmetic3A_845 = vector.broadcast %shift_right_arithmetic3A_844 : i32 to vector<16xi32>
    %shift_right_arithmetic3A_846 = arith.shrsi %get3A_843, %shift_right_arithmetic3A_845 : vector<16xi32>
    %shift_left3A_847 = arith.constant 13 : i32
    %shift_left3A_848 = vector.broadcast %shift_left3A_847 : i32 to vector<16xi32>
    %shift_left3A_849 = arith.shli %shift_right_arithmetic3A_846, %shift_left3A_848 : vector<16xi32>
    %shift_left3A_850 = arith.constant 10 : i32
    %shift_left3A_851 = vector.broadcast %shift_left3A_850 : i32 to vector<16xi32>
    %shift_left3A_852 = arith.shli %shift_right_arithmetic3A_846, %shift_left3A_851 : vector<16xi32>
    %add3A_853 = arith.addi %shift_left3A_849, %shift_left3A_852 : vector<16xi32>
    %shift_left3A_854 = arith.constant 7 : i32
    %shift_left3A_855 = vector.broadcast %shift_left3A_854 : i32 to vector<16xi32>
    %shift_left3A_856 = arith.shli %shift_right_arithmetic3A_846, %shift_left3A_855 : vector<16xi32>
    %add3A_857 = arith.addi %add3A_853, %shift_left3A_856 : vector<16xi32>
    %shift_left3A_858 = arith.constant 4 : i32
    %shift_left3A_859 = vector.broadcast %shift_left3A_858 : i32 to vector<16xi32>
    %shift_left3A_860 = arith.shli %shift_right_arithmetic3A_846, %shift_left3A_859 : vector<16xi32>
    %add3A_861 = arith.addi %add3A_857, %shift_left3A_860 : vector<16xi32>
    %shift_left3A_862 = arith.constant 1 : i32
    %shift_left3A_863 = vector.broadcast %shift_left3A_862 : i32 to vector<16xi32>
    %shift_left3A_864 = arith.shli %shift_right_arithmetic3A_846, %shift_left3A_863 : vector<16xi32>
    %add3A_865 = arith.addi %add3A_861, %shift_left3A_864 : vector<16xi32>
    %add3A_866 = arith.addi %add3A_865, %shift_right_arithmetic3A_846 : vector<16xi32>
    %shift_right_arithmetic3A_867 = arith.constant 16 : i32
    %shift_right_arithmetic3A_868 = vector.broadcast %shift_right_arithmetic3A_867 : i32 to vector<16xi32>
    %shift_right_arithmetic3A_869 = arith.shrsi %add3A_866, %shift_right_arithmetic3A_868 : vector<16xi32>
    %shift_left3A_870 = arith.constant 3 : i32
    %shift_left3A_871 = vector.broadcast %shift_left3A_870 : i32 to vector<16xi32>
    %shift_left3A_872 = arith.shli %shift_right_arithmetic3A_869, %shift_left3A_871 : vector<16xi32>
    %sub3A_873 = arith.subi %shift_left3A_872, %shift_right_arithmetic3A_869 : vector<16xi32>
    %shift_left3A_874 = arith.constant 11 : i32
    %shift_left3A_875 = vector.broadcast %shift_left3A_874 : i32 to vector<16xi32>
    %shift_left3A_876 = arith.shli %sub3A_873, %shift_left3A_875 : vector<16xi32>
    %sub3A_877 = arith.subi %get3A_843, %shift_left3A_876 : vector<16xi32>
    %ge3A_878 = arith.constant 7168 : i32
    %ge3A_879 = vector.broadcast %ge3A_878 : i32 to vector<16xi32>
    %ge3A_880 = arith.cmpi sge, %sub3A_877, %ge3A_879 : vector<16xi32>
    %sub3A_881 = arith.constant 7168 : i32
    %sub3A_882 = vector.broadcast %sub3A_881 : i32 to vector<16xi32>
    %sub3A_883 = arith.subi %sub3A_877, %sub3A_882 : vector<16xi32>
    %select_n3A_884 = arith.select %ge3A_880, %sub3A_883, %sub3A_877 : vector<16xi1>, vector<16xi32>
    %shift_left3A_885 = arith.constant 10 : i32
    %shift_left3A_886 = vector.broadcast %shift_left3A_885 : i32 to vector<16xi32>
    %shift_left3A_887 = arith.shli %sub3A_873, %shift_left3A_886 : vector<16xi32>
    %add3A_888 = arith.addi %shift_left3A_887, %select_n3A_884 : vector<16xi32>
    %shift_left3A_889 = arith.constant 1 : i32
    %shift_left3A_890 = vector.broadcast %shift_left3A_889 : i32 to vector<16xi32>
    %shift_left3A_891 = arith.shli %add3A_888, %shift_left3A_890 : vector<16xi32>
    %jit3A_892 = arith.constant 1 : i32
    %jit3A_893 = arith.constant 0 : i32
    %broadcast_in_dim3A_894 = vector.broadcast %jit3A_892 : i32 to vector<16xi32>
    %broadcast_in_dim3A_895 = vector.broadcast %jit3A_893 : i32 to vector<16xi32>
    %select_n3A_896 = arith.select %ge3A_880, %broadcast_in_dim3A_894, %broadcast_in_dim3A_895 : vector<16xi1>, vector<16xi32>
    %add3A_897 = arith.addi %shift_left3A_891, %select_n3A_896 : vector<16xi32>
    %swap3A_898 = arith.constant 1 : i32
    %swap3A_899 = arith.index_cast %swap3A_898 : i32 to index
    %swap3A_900 = arith.constant 80 : index
    %swap3A_901 = tpu.vector_load %arg5[%swap3A_899, %swap3A_900] {strides = array<i32>} : memref<4x128xi32, #tpu.memory_space<vmem>>, vector<1x16xi32>,
    %swap3A_902 = vector.shape_cast %swap3A_901 : vector<1x16xi32> to vector<16xi32>
    %swap3A_903 = vector.shape_cast %add3A_897 : vector<16xi32> to vector<1x16xi32>
    tpu.vector_store %arg5[%swap3A_899, %swap3A_900], %swap3A_903 {strides = array<i32>} : memref<4x128xi32, #tpu.memory_space<vmem>>, vector<1x16xi32>,
    %get3A_904 = arith.constant 1 : i32
    %get3A_905 = arith.index_cast %get3A_904 : i32 to index
    %get3A_906 = arith.constant 96 : index
    %get3A_907 = tpu.vector_load %arg5[%get3A_905, %get3A_906] {strides = array<i32>} : memref<4x128xi32, #tpu.memory_space<vmem>>, vector<1x16xi32>,
    %get3A_908 = vector.shape_cast %get3A_907 : vector<1x16xi32> to vector<16xi32>
    %shift_right_arithmetic3A_909 = arith.constant 11 : i32
    %shift_right_arithmetic3A_910 = vector.broadcast %shift_right_arithmetic3A_909 : i32 to vector<16xi32>
    %shift_right_arithmetic3A_911 = arith.shrsi %get3A_908, %shift_right_arithmetic3A_910 : vector<16xi32>
    %shift_left3A_912 = arith.constant 13 : i32
    %shift_left3A_913 = vector.broadcast %shift_left3A_912 : i32 to vector<16xi32>
    %shift_left3A_914 = arith.shli %shift_right_arithmetic3A_911, %shift_left3A_913 : vector<16xi32>
    %shift_left3A_915 = arith.constant 10 : i32
    %shift_left3A_916 = vector.broadcast %shift_left3A_915 : i32 to vector<16xi32>
    %shift_left3A_917 = arith.shli %shift_right_arithmetic3A_911, %shift_left3A_916 : vector<16xi32>
    %add3A_918 = arith.addi %shift_left3A_914, %shift_left3A_917 : vector<16xi32>
    %shift_left3A_919 = arith.constant 7 : i32
    %shift_left3A_920 = vector.broadcast %shift_left3A_919 : i32 to vector<16xi32>
    %shift_left3A_921 = arith.shli %shift_right_arithmetic3A_911, %shift_left3A_920 : vector<16xi32>
    %add3A_922 = arith.addi %add3A_918, %shift_left3A_921 : vector<16xi32>
    %shift_left3A_923 = arith.constant 4 : i32
    %shift_left3A_924 = vector.broadcast %shift_left3A_923 : i32 to vector<16xi32>
    %shift_left3A_925 = arith.shli %shift_right_arithmetic3A_911, %shift_left3A_924 : vector<16xi32>
    %add3A_926 = arith.addi %add3A_922, %shift_left3A_925 : vector<16xi32>
    %shift_left3A_927 = arith.constant 1 : i32
    %shift_left3A_928 = vector.broadcast %shift_left3A_927 : i32 to vector<16xi32>
    %shift_left3A_929 = arith.shli %shift_right_arithmetic3A_911, %shift_left3A_928 : vector<16xi32>
    %add3A_930 = arith.addi %add3A_926, %shift_left3A_929 : vector<16xi32>
    %add3A_931 = arith.addi %add3A_930, %shift_right_arithmetic3A_911 : vector<16xi32>
    %shift_right_arithmetic3A_932 = arith.constant 16 : i32
    %shift_right_arithmetic3A_933 = vector.broadcast %shift_right_arithmetic3A_932 : i32 to vector<16xi32>
    %shift_right_arithmetic3A_934 = arith.shrsi %add3A_931, %shift_right_arithmetic3A_933 : vector<16xi32>
    %shift_left3A_935 = arith.constant 3 : i32
    %shift_left3A_936 = vector.broadcast %shift_left3A_935 : i32 to vector<16xi32>
    %shift_left3A_937 = arith.shli %shift_right_arithmetic3A_934, %shift_left3A_936 : vector<16xi32>
    %sub3A_938 = arith.subi %shift_left3A_937, %shift_right_arithmetic3A_934 : vector<16xi32>
    %shift_left3A_939 = arith.constant 11 : i32
    %shift_left3A_940 = vector.broadcast %shift_left3A_939 : i32 to vector<16xi32>
    %shift_left3A_941 = arith.shli %sub3A_938, %shift_left3A_940 : vector<16xi32>
    %sub3A_942 = arith.subi %get3A_908, %shift_left3A_941 : vector<16xi32>
    %ge3A_943 = arith.constant 7168 : i32
    %ge3A_944 = vector.broadcast %ge3A_943 : i32 to vector<16xi32>
    %ge3A_945 = arith.cmpi sge, %sub3A_942, %ge3A_944 : vector<16xi32>
    %sub3A_946 = arith.constant 7168 : i32
    %sub3A_947 = vector.broadcast %sub3A_946 : i32 to vector<16xi32>
    %sub3A_948 = arith.subi %sub3A_942, %sub3A_947 : vector<16xi32>
    %select_n3A_949 = arith.select %ge3A_945, %sub3A_948, %sub3A_942 : vector<16xi1>, vector<16xi32>
    %shift_left3A_950 = arith.constant 10 : i32
    %shift_left3A_951 = vector.broadcast %shift_left3A_950 : i32 to vector<16xi32>
    %shift_left3A_952 = arith.shli %sub3A_938, %shift_left3A_951 : vector<16xi32>
    %add3A_953 = arith.addi %shift_left3A_952, %select_n3A_949 : vector<16xi32>
    %shift_left3A_954 = arith.constant 1 : i32
    %shift_left3A_955 = vector.broadcast %shift_left3A_954 : i32 to vector<16xi32>
    %shift_left3A_956 = arith.shli %add3A_953, %shift_left3A_955 : vector<16xi32>
    %jit3A_957 = arith.constant 1 : i32
    %jit3A_958 = arith.constant 0 : i32
    %broadcast_in_dim3A_959 = vector.broadcast %jit3A_957 : i32 to vector<16xi32>
    %broadcast_in_dim3A_960 = vector.broadcast %jit3A_958 : i32 to vector<16xi32>
    %select_n3A_961 = arith.select %ge3A_945, %broadcast_in_dim3A_959, %broadcast_in_dim3A_960 : vector<16xi1>, vector<16xi32>
    %add3A_962 = arith.addi %shift_left3A_956, %select_n3A_961 : vector<16xi32>
    %swap3A_963 = arith.constant 1 : i32
    %swap3A_964 = arith.index_cast %swap3A_963 : i32 to index
    %swap3A_965 = arith.constant 96 : index
    %swap3A_966 = tpu.vector_load %arg5[%swap3A_964, %swap3A_965] {strides = array<i32>} : memref<4x128xi32, #tpu.memory_space<vmem>>, vector<1x16xi32>,
    %swap3A_967 = vector.shape_cast %swap3A_966 : vector<1x16xi32> to vector<16xi32>
    %swap3A_968 = vector.shape_cast %add3A_962 : vector<16xi32> to vector<1x16xi32>
    tpu.vector_store %arg5[%swap3A_964, %swap3A_965], %swap3A_968 {strides = array<i32>} : memref<4x128xi32, #tpu.memory_space<vmem>>, vector<1x16xi32>,
    %get3A_969 = arith.constant 1 : i32
    %get3A_970 = arith.index_cast %get3A_969 : i32 to index
    %get3A_971 = arith.constant 112 : index
    %get3A_972 = tpu.vector_load %arg5[%get3A_970, %get3A_971] {strides = array<i32>} : memref<4x128xi32, #tpu.memory_space<vmem>>, vector<1x16xi32>,
    %get3A_973 = vector.shape_cast %get3A_972 : vector<1x16xi32> to vector<16xi32>
    %shift_right_arithmetic3A_974 = arith.constant 11 : i32
    %shift_right_arithmetic3A_975 = vector.broadcast %shift_right_arithmetic3A_974 : i32 to vector<16xi32>
    %shift_right_arithmetic3A_976 = arith.shrsi %get3A_973, %shift_right_arithmetic3A_975 : vector<16xi32>
    %shift_left3A_977 = arith.constant 13 : i32
    %shift_left3A_978 = vector.broadcast %shift_left3A_977 : i32 to vector<16xi32>
    %shift_left3A_979 = arith.shli %shift_right_arithmetic3A_976, %shift_left3A_978 : vector<16xi32>
    %shift_left3A_980 = arith.constant 10 : i32
    %shift_left3A_981 = vector.broadcast %shift_left3A_980 : i32 to vector<16xi32>
    %shift_left3A_982 = arith.shli %shift_right_arithmetic3A_976, %shift_left3A_981 : vector<16xi32>
    %add3A_983 = arith.addi %shift_left3A_979, %shift_left3A_982 : vector<16xi32>
    %shift_left3A_984 = arith.constant 7 : i32
    %shift_left3A_985 = vector.broadcast %shift_left3A_984 : i32 to vector<16xi32>
    %shift_left3A_986 = arith.shli %shift_right_arithmetic3A_976, %shift_left3A_985 : vector<16xi32>
    %add3A_987 = arith.addi %add3A_983, %shift_left3A_986 : vector<16xi32>
    %shift_left3A_988 = arith.constant 4 : i32
    %shift_left3A_989 = vector.broadcast %shift_left3A_988 : i32 to vector<16xi32>
    %shift_left3A_990 = arith.shli %shift_right_arithmetic3A_976, %shift_left3A_989 : vector<16xi32>
    %add3A_991 = arith.addi %add3A_987, %shift_left3A_990 : vector<16xi32>
    %shift_left3A_992 = arith.constant 1 : i32
    %shift_left3A_993 = vector.broadcast %shift_left3A_992 : i32 to vector<16xi32>
    %shift_left3A_994 = arith.shli %shift_right_arithmetic3A_976, %shift_left3A_993 : vector<16xi32>
    %add3A_995 = arith.addi %add3A_991, %shift_left3A_994 : vector<16xi32>
    %add3A_996 = arith.addi %add3A_995, %shift_right_arithmetic3A_976 : vector<16xi32>
    %shift_right_arithmetic3A_997 = arith.constant 16 : i32
    %shift_right_arithmetic3A_998 = vector.broadcast %shift_right_arithmetic3A_997 : i32 to vector<16xi32>
    %shift_right_arithmetic3A_999 = arith.shrsi %add3A_996, %shift_right_arithmetic3A_998 : vector<16xi32>
    %shift_left3A_1000 = arith.constant 3 : i32
    %shift_left3A_1001 = vector.broadcast %shift_left3A_1000 : i32 to vector<16xi32>
    %shift_left3A_1002 = arith.shli %shift_right_arithmetic3A_999, %shift_left3A_1001 : vector<16xi32>
    %sub3A_1003 = arith.subi %shift_left3A_1002, %shift_right_arithmetic3A_999 : vector<16xi32>
    %shift_left3A_1004 = arith.constant 11 : i32
    %shift_left3A_1005 = vector.broadcast %shift_left3A_1004 : i32 to vector<16xi32>
    %shift_left3A_1006 = arith.shli %sub3A_1003, %shift_left3A_1005 : vector<16xi32>
    %sub3A_1007 = arith.subi %get3A_973, %shift_left3A_1006 : vector<16xi32>
    %ge3A_1008 = arith.constant 7168 : i32
    %ge3A_1009 = vector.broadcast %ge3A_1008 : i32 to vector<16xi32>
    %ge3A_1010 = arith.cmpi sge, %sub3A_1007, %ge3A_1009 : vector<16xi32>
    %sub3A_1011 = arith.constant 7168 : i32
    %sub3A_1012 = vector.broadcast %sub3A_1011 : i32 to vector<16xi32>
    %sub3A_1013 = arith.subi %sub3A_1007, %sub3A_1012 : vector<16xi32>
    %select_n3A_1014 = arith.select %ge3A_1010, %sub3A_1013, %sub3A_1007 : vector<16xi1>, vector<16xi32>
    %shift_left3A_1015 = arith.constant 10 : i32
    %shift_left3A_1016 = vector.broadcast %shift_left3A_1015 : i32 to vector<16xi32>
    %shift_left3A_1017 = arith.shli %sub3A_1003, %shift_left3A_1016 : vector<16xi32>
    %add3A_1018 = arith.addi %shift_left3A_1017, %select_n3A_1014 : vector<16xi32>
    %shift_left3A_1019 = arith.constant 1 : i32
    %shift_left3A_1020 = vector.broadcast %shift_left3A_1019 : i32 to vector<16xi32>
    %shift_left3A_1021 = arith.shli %add3A_1018, %shift_left3A_1020 : vector<16xi32>
    %jit3A_1022 = arith.constant 1 : i32
    %jit3A_1023 = arith.constant 0 : i32
    %broadcast_in_dim3A_1024 = vector.broadcast %jit3A_1022 : i32 to vector<16xi32>
    %broadcast_in_dim3A_1025 = vector.broadcast %jit3A_1023 : i32 to vector<16xi32>
    %select_n3A_1026 = arith.select %ge3A_1010, %broadcast_in_dim3A_1024, %broadcast_in_dim3A_1025 : vector<16xi1>, vector<16xi32>
    %add3A_1027 = arith.addi %shift_left3A_1021, %select_n3A_1026 : vector<16xi32>
    %swap3A_1028 = arith.constant 1 : i32
    %swap3A_1029 = arith.index_cast %swap3A_1028 : i32 to index
    %swap3A_1030 = arith.constant 112 : index
    %swap3A_1031 = tpu.vector_load %arg5[%swap3A_1029, %swap3A_1030] {strides = array<i32>} : memref<4x128xi32, #tpu.memory_space<vmem>>, vector<1x16xi32>,
    %swap3A_1032 = vector.shape_cast %swap3A_1031 : vector<1x16xi32> to vector<16xi32>
    %swap3A_1033 = vector.shape_cast %add3A_1027 : vector<16xi32> to vector<1x16xi32>
    tpu.vector_store %arg5[%swap3A_1029, %swap3A_1030], %swap3A_1033 {strides = array<i32>} : memref<4x128xi32, #tpu.memory_space<vmem>>, vector<1x16xi32>,
    %get3A_1034 = arith.constant 2 : i32
    %get3A_1035 = arith.index_cast %get3A_1034 : i32 to index
    %get3A_1036 = arith.constant 0 : index
    %get3A_1037 = tpu.vector_load %arg5[%get3A_1035, %get3A_1036] {strides = array<i32>} : memref<4x128xi32, #tpu.memory_space<vmem>>, vector<1x16xi32>,
    %get3A_1038 = vector.shape_cast %get3A_1037 : vector<1x16xi32> to vector<16xi32>
    %shift_right_arithmetic3A_1039 = arith.constant 11 : i32
    %shift_right_arithmetic3A_1040 = vector.broadcast %shift_right_arithmetic3A_1039 : i32 to vector<16xi32>
    %shift_right_arithmetic3A_1041 = arith.shrsi %get3A_1038, %shift_right_arithmetic3A_1040 : vector<16xi32>
    %shift_left3A_1042 = arith.constant 13 : i32
    %shift_left3A_1043 = vector.broadcast %shift_left3A_1042 : i32 to vector<16xi32>
    %shift_left3A_1044 = arith.shli %shift_right_arithmetic3A_1041, %shift_left3A_1043 : vector<16xi32>
    %shift_left3A_1045 = arith.constant 10 : i32
    %shift_left3A_1046 = vector.broadcast %shift_left3A_1045 : i32 to vector<16xi32>
    %shift_left3A_1047 = arith.shli %shift_right_arithmetic3A_1041, %shift_left3A_1046 : vector<16xi32>
    %add3A_1048 = arith.addi %shift_left3A_1044, %shift_left3A_1047 : vector<16xi32>
    %shift_left3A_1049 = arith.constant 7 : i32
    %shift_left3A_1050 = vector.broadcast %shift_left3A_1049 : i32 to vector<16xi32>
    %shift_left3A_1051 = arith.shli %shift_right_arithmetic3A_1041, %shift_left3A_1050 : vector<16xi32>
    %add3A_1052 = arith.addi %add3A_1048, %shift_left3A_1051 : vector<16xi32>
    %shift_left3A_1053 = arith.constant 4 : i32
    %shift_left3A_1054 = vector.broadcast %shift_left3A_1053 : i32 to vector<16xi32>
    %shift_left3A_1055 = arith.shli %shift_right_arithmetic3A_1041, %shift_left3A_1054 : vector<16xi32>
    %add3A_1056 = arith.addi %add3A_1052, %shift_left3A_1055 : vector<16xi32>
    %shift_left3A_1057 = arith.constant 1 : i32
    %shift_left3A_1058 = vector.broadcast %shift_left3A_1057 : i32 to vector<16xi32>
    %shift_left3A_1059 = arith.shli %shift_right_arithmetic3A_1041, %shift_left3A_1058 : vector<16xi32>
    %add3A_1060 = arith.addi %add3A_1056, %shift_left3A_1059 : vector<16xi32>
    %add3A_1061 = arith.addi %add3A_1060, %shift_right_arithmetic3A_1041 : vector<16xi32>
    %shift_right_arithmetic3A_1062 = arith.constant 16 : i32
    %shift_right_arithmetic3A_1063 = vector.broadcast %shift_right_arithmetic3A_1062 : i32 to vector<16xi32>
    %shift_right_arithmetic3A_1064 = arith.shrsi %add3A_1061, %shift_right_arithmetic3A_1063 : vector<16xi32>
    %shift_left3A_1065 = arith.constant 3 : i32
    %shift_left3A_1066 = vector.broadcast %shift_left3A_1065 : i32 to vector<16xi32>
    %shift_left3A_1067 = arith.shli %shift_right_arithmetic3A_1064, %shift_left3A_1066 : vector<16xi32>
    %sub3A_1068 = arith.subi %shift_left3A_1067, %shift_right_arithmetic3A_1064 : vector<16xi32>
    %shift_left3A_1069 = arith.constant 11 : i32
    %shift_left3A_1070 = vector.broadcast %shift_left3A_1069 : i32 to vector<16xi32>
    %shift_left3A_1071 = arith.shli %sub3A_1068, %shift_left3A_1070 : vector<16xi32>
    %sub3A_1072 = arith.subi %get3A_1038, %shift_left3A_1071 : vector<16xi32>
    %ge3A_1073 = arith.constant 7168 : i32
    %ge3A_1074 = vector.broadcast %ge3A_1073 : i32 to vector<16xi32>
    %ge3A_1075 = arith.cmpi sge, %sub3A_1072, %ge3A_1074 : vector<16xi32>
    %sub3A_1076 = arith.constant 7168 : i32
    %sub3A_1077 = vector.broadcast %sub3A_1076 : i32 to vector<16xi32>
    %sub3A_1078 = arith.subi %sub3A_1072, %sub3A_1077 : vector<16xi32>
    %select_n3A_1079 = arith.select %ge3A_1075, %sub3A_1078, %sub3A_1072 : vector<16xi1>, vector<16xi32>
    %shift_left3A_1080 = arith.constant 10 : i32
    %shift_left3A_1081 = vector.broadcast %shift_left3A_1080 : i32 to vector<16xi32>
    %shift_left3A_1082 = arith.shli %sub3A_1068, %shift_left3A_1081 : vector<16xi32>
    %add3A_1083 = arith.addi %shift_left3A_1082, %select_n3A_1079 : vector<16xi32>
    %shift_left3A_1084 = arith.constant 1 : i32
    %shift_left3A_1085 = vector.broadcast %shift_left3A_1084 : i32 to vector<16xi32>
    %shift_left3A_1086 = arith.shli %add3A_1083, %shift_left3A_1085 : vector<16xi32>
    %jit3A_1087 = arith.constant 1 : i32
    %jit3A_1088 = arith.constant 0 : i32
    %broadcast_in_dim3A_1089 = vector.broadcast %jit3A_1087 : i32 to vector<16xi32>
    %broadcast_in_dim3A_1090 = vector.broadcast %jit3A_1088 : i32 to vector<16xi32>
    %select_n3A_1091 = arith.select %ge3A_1075, %broadcast_in_dim3A_1089, %broadcast_in_dim3A_1090 : vector<16xi1>, vector<16xi32>
    %add3A_1092 = arith.addi %shift_left3A_1086, %select_n3A_1091 : vector<16xi32>
    %swap3A_1093 = arith.constant 2 : i32
    %swap3A_1094 = arith.index_cast %swap3A_1093 : i32 to index
    %swap3A_1095 = arith.constant 0 : index
    %swap3A_1096 = tpu.vector_load %arg5[%swap3A_1094, %swap3A_1095] {strides = array<i32>} : memref<4x128xi32, #tpu.memory_space<vmem>>, vector<1x16xi32>,
    %swap3A_1097 = vector.shape_cast %swap3A_1096 : vector<1x16xi32> to vector<16xi32>
    %swap3A_1098 = vector.shape_cast %add3A_1092 : vector<16xi32> to vector<1x16xi32>
    tpu.vector_store %arg5[%swap3A_1094, %swap3A_1095], %swap3A_1098 {strides = array<i32>} : memref<4x128xi32, #tpu.memory_space<vmem>>, vector<1x16xi32>,
    %get3A_1099 = arith.constant 2 : i32
    %get3A_1100 = arith.index_cast %get3A_1099 : i32 to index
    %get3A_1101 = arith.constant 16 : index
    %get3A_1102 = tpu.vector_load %arg5[%get3A_1100, %get3A_1101] {strides = array<i32>} : memref<4x128xi32, #tpu.memory_space<vmem>>, vector<1x16xi32>,
    %get3A_1103 = vector.shape_cast %get3A_1102 : vector<1x16xi32> to vector<16xi32>
    %shift_right_arithmetic3A_1104 = arith.constant 11 : i32
    %shift_right_arithmetic3A_1105 = vector.broadcast %shift_right_arithmetic3A_1104 : i32 to vector<16xi32>
    %shift_right_arithmetic3A_1106 = arith.shrsi %get3A_1103, %shift_right_arithmetic3A_1105 : vector<16xi32>
    %shift_left3A_1107 = arith.constant 13 : i32
    %shift_left3A_1108 = vector.broadcast %shift_left3A_1107 : i32 to vector<16xi32>
    %shift_left3A_1109 = arith.shli %shift_right_arithmetic3A_1106, %shift_left3A_1108 : vector<16xi32>
    %shift_left3A_1110 = arith.constant 10 : i32
    %shift_left3A_1111 = vector.broadcast %shift_left3A_1110 : i32 to vector<16xi32>
    %shift_left3A_1112 = arith.shli %shift_right_arithmetic3A_1106, %shift_left3A_1111 : vector<16xi32>
    %add3A_1113 = arith.addi %shift_left3A_1109, %shift_left3A_1112 : vector<16xi32>
    %shift_left3A_1114 = arith.constant 7 : i32
    %shift_left3A_1115 = vector.broadcast %shift_left3A_1114 : i32 to vector<16xi32>
    %shift_left3A_1116 = arith.shli %shift_right_arithmetic3A_1106, %shift_left3A_1115 : vector<16xi32>
    %add3A_1117 = arith.addi %add3A_1113, %shift_left3A_1116 : vector<16xi32>
    %shift_left3A_1118 = arith.constant 4 : i32
    %shift_left3A_1119 = vector.broadcast %shift_left3A_1118 : i32 to vector<16xi32>
    %shift_left3A_1120 = arith.shli %shift_right_arithmetic3A_1106, %shift_left3A_1119 : vector<16xi32>
    %add3A_1121 = arith.addi %add3A_1117, %shift_left3A_1120 : vector<16xi32>
    %shift_left3A_1122 = arith.constant 1 : i32
    %shift_left3A_1123 = vector.broadcast %shift_left3A_1122 : i32 to vector<16xi32>
    %shift_left3A_1124 = arith.shli %shift_right_arithmetic3A_1106, %shift_left3A_1123 : vector<16xi32>
    %add3A_1125 = arith.addi %add3A_1121, %shift_left3A_1124 : vector<16xi32>
    %add3A_1126 = arith.addi %add3A_1125, %shift_right_arithmetic3A_1106 : vector<16xi32>
    %shift_right_arithmetic3A_1127 = arith.constant 16 : i32
    %shift_right_arithmetic3A_1128 = vector.broadcast %shift_right_arithmetic3A_1127 : i32 to vector<16xi32>
    %shift_right_arithmetic3A_1129 = arith.shrsi %add3A_1126, %shift_right_arithmetic3A_1128 : vector<16xi32>
    %shift_left3A_1130 = arith.constant 3 : i32
    %shift_left3A_1131 = vector.broadcast %shift_left3A_1130 : i32 to vector<16xi32>
    %shift_left3A_1132 = arith.shli %shift_right_arithmetic3A_1129, %shift_left3A_1131 : vector<16xi32>
    %sub3A_1133 = arith.subi %shift_left3A_1132, %shift_right_arithmetic3A_1129 : vector<16xi32>
    %shift_left3A_1134 = arith.constant 11 : i32
    %shift_left3A_1135 = vector.broadcast %shift_left3A_1134 : i32 to vector<16xi32>
    %shift_left3A_1136 = arith.shli %sub3A_1133, %shift_left3A_1135 : vector<16xi32>
    %sub3A_1137 = arith.subi %get3A_1103, %shift_left3A_1136 : vector<16xi32>
    %ge3A_1138 = arith.constant 7168 : i32
    %ge3A_1139 = vector.broadcast %ge3A_1138 : i32 to vector<16xi32>
    %ge3A_1140 = arith.cmpi sge, %sub3A_1137, %ge3A_1139 : vector<16xi32>
    %sub3A_1141 = arith.constant 7168 : i32
    %sub3A_1142 = vector.broadcast %sub3A_1141 : i32 to vector<16xi32>
    %sub3A_1143 = arith.subi %sub3A_1137, %sub3A_1142 : vector<16xi32>
    %select_n3A_1144 = arith.select %ge3A_1140, %sub3A_1143, %sub3A_1137 : vector<16xi1>, vector<16xi32>
    %shift_left3A_1145 = arith.constant 10 : i32
    %shift_left3A_1146 = vector.broadcast %shift_left3A_1145 : i32 to vector<16xi32>
    %shift_left3A_1147 = arith.shli %sub3A_1133, %shift_left3A_1146 : vector<16xi32>
    %add3A_1148 = arith.addi %shift_left3A_1147, %select_n3A_1144 : vector<16xi32>
    %shift_left3A_1149 = arith.constant 1 : i32
    %shift_left3A_1150 = vector.broadcast %shift_left3A_1149 : i32 to vector<16xi32>
    %shift_left3A_1151 = arith.shli %add3A_1148, %shift_left3A_1150 : vector<16xi32>
    %jit3A_1152 = arith.constant 1 : i32
    %jit3A_1153 = arith.constant 0 : i32
    %broadcast_in_dim3A_1154 = vector.broadcast %jit3A_1152 : i32 to vector<16xi32>
    %broadcast_in_dim3A_1155 = vector.broadcast %jit3A_1153 : i32 to vector<16xi32>
    %select_n3A_1156 = arith.select %ge3A_1140, %broadcast_in_dim3A_1154, %broadcast_in_dim3A_1155 : vector<16xi1>, vector<16xi32>
    %add3A_1157 = arith.addi %shift_left3A_1151, %select_n3A_1156 : vector<16xi32>
    %swap3A_1158 = arith.constant 2 : i32
    %swap3A_1159 = arith.index_cast %swap3A_1158 : i32 to index
    %swap3A_1160 = arith.constant 16 : index
    %swap3A_1161 = tpu.vector_load %arg5[%swap3A_1159, %swap3A_1160] {strides = array<i32>} : memref<4x128xi32, #tpu.memory_space<vmem>>, vector<1x16xi32>,
    %swap3A_1162 = vector.shape_cast %swap3A_1161 : vector<1x16xi32> to vector<16xi32>
    %swap3A_1163 = vector.shape_cast %add3A_1157 : vector<16xi32> to vector<1x16xi32>
    tpu.vector_store %arg5[%swap3A_1159, %swap3A_1160], %swap3A_1163 {strides = array<i32>} : memref<4x128xi32, #tpu.memory_space<vmem>>, vector<1x16xi32>,
    %get3A_1164 = arith.constant 2 : i32
    %get3A_1165 = arith.index_cast %get3A_1164 : i32 to index
    %get3A_1166 = arith.constant 32 : index
    %get3A_1167 = tpu.vector_load %arg5[%get3A_1165, %get3A_1166] {strides = array<i32>} : memref<4x128xi32, #tpu.memory_space<vmem>>, vector<1x16xi32>,
    %get3A_1168 = vector.shape_cast %get3A_1167 : vector<1x16xi32> to vector<16xi32>
    %shift_right_arithmetic3A_1169 = arith.constant 11 : i32
    %shift_right_arithmetic3A_1170 = vector.broadcast %shift_right_arithmetic3A_1169 : i32 to vector<16xi32>
    %shift_right_arithmetic3A_1171 = arith.shrsi %get3A_1168, %shift_right_arithmetic3A_1170 : vector<16xi32>
    %shift_left3A_1172 = arith.constant 13 : i32
    %shift_left3A_1173 = vector.broadcast %shift_left3A_1172 : i32 to vector<16xi32>
    %shift_left3A_1174 = arith.shli %shift_right_arithmetic3A_1171, %shift_left3A_1173 : vector<16xi32>
    %shift_left3A_1175 = arith.constant 10 : i32
    %shift_left3A_1176 = vector.broadcast %shift_left3A_1175 : i32 to vector<16xi32>
    %shift_left3A_1177 = arith.shli %shift_right_arithmetic3A_1171, %shift_left3A_1176 : vector<16xi32>
    %add3A_1178 = arith.addi %shift_left3A_1174, %shift_left3A_1177 : vector<16xi32>
    %shift_left3A_1179 = arith.constant 7 : i32
    %shift_left3A_1180 = vector.broadcast %shift_left3A_1179 : i32 to vector<16xi32>
    %shift_left3A_1181 = arith.shli %shift_right_arithmetic3A_1171, %shift_left3A_1180 : vector<16xi32>
    %add3A_1182 = arith.addi %add3A_1178, %shift_left3A_1181 : vector<16xi32>
    %shift_left3A_1183 = arith.constant 4 : i32
    %shift_left3A_1184 = vector.broadcast %shift_left3A_1183 : i32 to vector<16xi32>
    %shift_left3A_1185 = arith.shli %shift_right_arithmetic3A_1171, %shift_left3A_1184 : vector<16xi32>
    %add3A_1186 = arith.addi %add3A_1182, %shift_left3A_1185 : vector<16xi32>
    %shift_left3A_1187 = arith.constant 1 : i32
    %shift_left3A_1188 = vector.broadcast %shift_left3A_1187 : i32 to vector<16xi32>
    %shift_left3A_1189 = arith.shli %shift_right_arithmetic3A_1171, %shift_left3A_1188 : vector<16xi32>
    %add3A_1190 = arith.addi %add3A_1186, %shift_left3A_1189 : vector<16xi32>
    %add3A_1191 = arith.addi %add3A_1190, %shift_right_arithmetic3A_1171 : vector<16xi32>
    %shift_right_arithmetic3A_1192 = arith.constant 16 : i32
    %shift_right_arithmetic3A_1193 = vector.broadcast %shift_right_arithmetic3A_1192 : i32 to vector<16xi32>
    %shift_right_arithmetic3A_1194 = arith.shrsi %add3A_1191, %shift_right_arithmetic3A_1193 : vector<16xi32>
    %shift_left3A_1195 = arith.constant 3 : i32
    %shift_left3A_1196 = vector.broadcast %shift_left3A_1195 : i32 to vector<16xi32>
    %shift_left3A_1197 = arith.shli %shift_right_arithmetic3A_1194, %shift_left3A_1196 : vector<16xi32>
    %sub3A_1198 = arith.subi %shift_left3A_1197, %shift_right_arithmetic3A_1194 : vector<16xi32>
    %shift_left3A_1199 = arith.constant 11 : i32
    %shift_left3A_1200 = vector.broadcast %shift_left3A_1199 : i32 to vector<16xi32>
    %shift_left3A_1201 = arith.shli %sub3A_1198, %shift_left3A_1200 : vector<16xi32>
    %sub3A_1202 = arith.subi %get3A_1168, %shift_left3A_1201 : vector<16xi32>
    %ge3A_1203 = arith.constant 7168 : i32
    %ge3A_1204 = vector.broadcast %ge3A_1203 : i32 to vector<16xi32>
    %ge3A_1205 = arith.cmpi sge, %sub3A_1202, %ge3A_1204 : vector<16xi32>
    %sub3A_1206 = arith.constant 7168 : i32
    %sub3A_1207 = vector.broadcast %sub3A_1206 : i32 to vector<16xi32>
    %sub3A_1208 = arith.subi %sub3A_1202, %sub3A_1207 : vector<16xi32>
    %select_n3A_1209 = arith.select %ge3A_1205, %sub3A_1208, %sub3A_1202 : vector<16xi1>, vector<16xi32>
    %shift_left3A_1210 = arith.constant 10 : i32
    %shift_left3A_1211 = vector.broadcast %shift_left3A_1210 : i32 to vector<16xi32>
    %shift_left3A_1212 = arith.shli %sub3A_1198, %shift_left3A_1211 : vector<16xi32>
    %add3A_1213 = arith.addi %shift_left3A_1212, %select_n3A_1209 : vector<16xi32>
    %shift_left3A_1214 = arith.constant 1 : i32
    %shift_left3A_1215 = vector.broadcast %shift_left3A_1214 : i32 to vector<16xi32>
    %shift_left3A_1216 = arith.shli %add3A_1213, %shift_left3A_1215 : vector<16xi32>
    %jit3A_1217 = arith.constant 1 : i32
    %jit3A_1218 = arith.constant 0 : i32
    %broadcast_in_dim3A_1219 = vector.broadcast %jit3A_1217 : i32 to vector<16xi32>
    %broadcast_in_dim3A_1220 = vector.broadcast %jit3A_1218 : i32 to vector<16xi32>
    %select_n3A_1221 = arith.select %ge3A_1205, %broadcast_in_dim3A_1219, %broadcast_in_dim3A_1220 : vector<16xi1>, vector<16xi32>
    %add3A_1222 = arith.addi %shift_left3A_1216, %select_n3A_1221 : vector<16xi32>
    %swap3A_1223 = arith.constant 2 : i32
    %swap3A_1224 = arith.index_cast %swap3A_1223 : i32 to index
    %swap3A_1225 = arith.constant 32 : index
    %swap3A_1226 = tpu.vector_load %arg5[%swap3A_1224, %swap3A_1225] {strides = array<i32>} : memref<4x128xi32, #tpu.memory_space<vmem>>, vector<1x16xi32>,
    %swap3A_1227 = vector.shape_cast %swap3A_1226 : vector<1x16xi32> to vector<16xi32>
    %swap3A_1228 = vector.shape_cast %add3A_1222 : vector<16xi32> to vector<1x16xi32>
    tpu.vector_store %arg5[%swap3A_1224, %swap3A_1225], %swap3A_1228 {strides = array<i32>} : memref<4x128xi32, #tpu.memory_space<vmem>>, vector<1x16xi32>,
    %get3A_1229 = arith.constant 2 : i32
    %get3A_1230 = arith.index_cast %get3A_1229 : i32 to index
    %get3A_1231 = arith.constant 48 : index
    %get3A_1232 = tpu.vector_load %arg5[%get3A_1230, %get3A_1231] {strides = array<i32>} : memref<4x128xi32, #tpu.memory_space<vmem>>, vector<1x16xi32>,
    %get3A_1233 = vector.shape_cast %get3A_1232 : vector<1x16xi32> to vector<16xi32>
    %shift_right_arithmetic3A_1234 = arith.constant 11 : i32
    %shift_right_arithmetic3A_1235 = vector.broadcast %shift_right_arithmetic3A_1234 : i32 to vector<16xi32>
    %shift_right_arithmetic3A_1236 = arith.shrsi %get3A_1233, %shift_right_arithmetic3A_1235 : vector<16xi32>
    %shift_left3A_1237 = arith.constant 13 : i32
    %shift_left3A_1238 = vector.broadcast %shift_left3A_1237 : i32 to vector<16xi32>
    %shift_left3A_1239 = arith.shli %shift_right_arithmetic3A_1236, %shift_left3A_1238 : vector<16xi32>
    %shift_left3A_1240 = arith.constant 10 : i32
    %shift_left3A_1241 = vector.broadcast %shift_left3A_1240 : i32 to vector<16xi32>
    %shift_left3A_1242 = arith.shli %shift_right_arithmetic3A_1236, %shift_left3A_1241 : vector<16xi32>
    %add3A_1243 = arith.addi %shift_left3A_1239, %shift_left3A_1242 : vector<16xi32>
    %shift_left3A_1244 = arith.constant 7 : i32
    %shift_left3A_1245 = vector.broadcast %shift_left3A_1244 : i32 to vector<16xi32>
    %shift_left3A_1246 = arith.shli %shift_right_arithmetic3A_1236, %shift_left3A_1245 : vector<16xi32>
    %add3A_1247 = arith.addi %add3A_1243, %shift_left3A_1246 : vector<16xi32>
    %shift_left3A_1248 = arith.constant 4 : i32
    %shift_left3A_1249 = vector.broadcast %shift_left3A_1248 : i32 to vector<16xi32>
    %shift_left3A_1250 = arith.shli %shift_right_arithmetic3A_1236, %shift_left3A_1249 : vector<16xi32>
    %add3A_1251 = arith.addi %add3A_1247, %shift_left3A_1250 : vector<16xi32>
    %shift_left3A_1252 = arith.constant 1 : i32
    %shift_left3A_1253 = vector.broadcast %shift_left3A_1252 : i32 to vector<16xi32>
    %shift_left3A_1254 = arith.shli %shift_right_arithmetic3A_1236, %shift_left3A_1253 : vector<16xi32>
    %add3A_1255 = arith.addi %add3A_1251, %shift_left3A_1254 : vector<16xi32>
    %add3A_1256 = arith.addi %add3A_1255, %shift_right_arithmetic3A_1236 : vector<16xi32>
    %shift_right_arithmetic3A_1257 = arith.constant 16 : i32
    %shift_right_arithmetic3A_1258 = vector.broadcast %shift_right_arithmetic3A_1257 : i32 to vector<16xi32>
    %shift_right_arithmetic3A_1259 = arith.shrsi %add3A_1256, %shift_right_arithmetic3A_1258 : vector<16xi32>
    %shift_left3A_1260 = arith.constant 3 : i32
    %shift_left3A_1261 = vector.broadcast %shift_left3A_1260 : i32 to vector<16xi32>
    %shift_left3A_1262 = arith.shli %shift_right_arithmetic3A_1259, %shift_left3A_1261 : vector<16xi32>
    %sub3A_1263 = arith.subi %shift_left3A_1262, %shift_right_arithmetic3A_1259 : vector<16xi32>
    %shift_left3A_1264 = arith.constant 11 : i32
    %shift_left3A_1265 = vector.broadcast %shift_left3A_1264 : i32 to vector<16xi32>
    %shift_left3A_1266 = arith.shli %sub3A_1263, %shift_left3A_1265 : vector<16xi32>
    %sub3A_1267 = arith.subi %get3A_1233, %shift_left3A_1266 : vector<16xi32>
    %ge3A_1268 = arith.constant 7168 : i32
    %ge3A_1269 = vector.broadcast %ge3A_1268 : i32 to vector<16xi32>
    %ge3A_1270 = arith.cmpi sge, %sub3A_1267, %ge3A_1269 : vector<16xi32>
    %sub3A_1271 = arith.constant 7168 : i32
    %sub3A_1272 = vector.broadcast %sub3A_1271 : i32 to vector<16xi32>
    %sub3A_1273 = arith.subi %sub3A_1267, %sub3A_1272 : vector<16xi32>
    %select_n3A_1274 = arith.select %ge3A_1270, %sub3A_1273, %sub3A_1267 : vector<16xi1>, vector<16xi32>
    %shift_left3A_1275 = arith.constant 10 : i32
    %shift_left3A_1276 = vector.broadcast %shift_left3A_1275 : i32 to vector<16xi32>
    %shift_left3A_1277 = arith.shli %sub3A_1263, %shift_left3A_1276 : vector<16xi32>
    %add3A_1278 = arith.addi %shift_left3A_1277, %select_n3A_1274 : vector<16xi32>
    %shift_left3A_1279 = arith.constant 1 : i32
    %shift_left3A_1280 = vector.broadcast %shift_left3A_1279 : i32 to vector<16xi32>
    %shift_left3A_1281 = arith.shli %add3A_1278, %shift_left3A_1280 : vector<16xi32>
    %jit3A_1282 = arith.constant 1 : i32
    %jit3A_1283 = arith.constant 0 : i32
    %broadcast_in_dim3A_1284 = vector.broadcast %jit3A_1282 : i32 to vector<16xi32>
    %broadcast_in_dim3A_1285 = vector.broadcast %jit3A_1283 : i32 to vector<16xi32>
    %select_n3A_1286 = arith.select %ge3A_1270, %broadcast_in_dim3A_1284, %broadcast_in_dim3A_1285 : vector<16xi1>, vector<16xi32>
    %add3A_1287 = arith.addi %shift_left3A_1281, %select_n3A_1286 : vector<16xi32>
    %swap3A_1288 = arith.constant 2 : i32
    %swap3A_1289 = arith.index_cast %swap3A_1288 : i32 to index
    %swap3A_1290 = arith.constant 48 : index
    %swap3A_1291 = tpu.vector_load %arg5[%swap3A_1289, %swap3A_1290] {strides = array<i32>} : memref<4x128xi32, #tpu.memory_space<vmem>>, vector<1x16xi32>,
    %swap3A_1292 = vector.shape_cast %swap3A_1291 : vector<1x16xi32> to vector<16xi32>
    %swap3A_1293 = vector.shape_cast %add3A_1287 : vector<16xi32> to vector<1x16xi32>
    tpu.vector_store %arg5[%swap3A_1289, %swap3A_1290], %swap3A_1293 {strides = array<i32>} : memref<4x128xi32, #tpu.memory_space<vmem>>, vector<1x16xi32>,
    %get3A_1294 = arith.constant 2 : i32
    %get3A_1295 = arith.index_cast %get3A_1294 : i32 to index
    %get3A_1296 = arith.constant 64 : index
    %get3A_1297 = tpu.vector_load %arg5[%get3A_1295, %get3A_1296] {strides = array<i32>} : memref<4x128xi32, #tpu.memory_space<vmem>>, vector<1x16xi32>,
    %get3A_1298 = vector.shape_cast %get3A_1297 : vector<1x16xi32> to vector<16xi32>
    %shift_right_arithmetic3A_1299 = arith.constant 11 : i32
    %shift_right_arithmetic3A_1300 = vector.broadcast %shift_right_arithmetic3A_1299 : i32 to vector<16xi32>
    %shift_right_arithmetic3A_1301 = arith.shrsi %get3A_1298, %shift_right_arithmetic3A_1300 : vector<16xi32>
    %shift_left3A_1302 = arith.constant 13 : i32
    %shift_left3A_1303 = vector.broadcast %shift_left3A_1302 : i32 to vector<16xi32>
    %shift_left3A_1304 = arith.shli %shift_right_arithmetic3A_1301, %shift_left3A_1303 : vector<16xi32>
    %shift_left3A_1305 = arith.constant 10 : i32
    %shift_left3A_1306 = vector.broadcast %shift_left3A_1305 : i32 to vector<16xi32>
    %shift_left3A_1307 = arith.shli %shift_right_arithmetic3A_1301, %shift_left3A_1306 : vector<16xi32>
    %add3A_1308 = arith.addi %shift_left3A_1304, %shift_left3A_1307 : vector<16xi32>
    %shift_left3A_1309 = arith.constant 7 : i32
    %shift_left3A_1310 = vector.broadcast %shift_left3A_1309 : i32 to vector<16xi32>
    %shift_left3A_1311 = arith.shli %shift_right_arithmetic3A_1301, %shift_left3A_1310 : vector<16xi32>
    %add3A_1312 = arith.addi %add3A_1308, %shift_left3A_1311 : vector<16xi32>
    %shift_left3A_1313 = arith.constant 4 : i32
    %shift_left3A_1314 = vector.broadcast %shift_left3A_1313 : i32 to vector<16xi32>
    %shift_left3A_1315 = arith.shli %shift_right_arithmetic3A_1301, %shift_left3A_1314 : vector<16xi32>
    %add3A_1316 = arith.addi %add3A_1312, %shift_left3A_1315 : vector<16xi32>
    %shift_left3A_1317 = arith.constant 1 : i32
    %shift_left3A_1318 = vector.broadcast %shift_left3A_1317 : i32 to vector<16xi32>
    %shift_left3A_1319 = arith.shli %shift_right_arithmetic3A_1301, %shift_left3A_1318 : vector<16xi32>
    %add3A_1320 = arith.addi %add3A_1316, %shift_left3A_1319 : vector<16xi32>
    %add3A_1321 = arith.addi %add3A_1320, %shift_right_arithmetic3A_1301 : vector<16xi32>
    %shift_right_arithmetic3A_1322 = arith.constant 16 : i32
    %shift_right_arithmetic3A_1323 = vector.broadcast %shift_right_arithmetic3A_1322 : i32 to vector<16xi32>
    %shift_right_arithmetic3A_1324 = arith.shrsi %add3A_1321, %shift_right_arithmetic3A_1323 : vector<16xi32>
    %shift_left3A_1325 = arith.constant 3 : i32
    %shift_left3A_1326 = vector.broadcast %shift_left3A_1325 : i32 to vector<16xi32>
    %shift_left3A_1327 = arith.shli %shift_right_arithmetic3A_1324, %shift_left3A_1326 : vector<16xi32>
    %sub3A_1328 = arith.subi %shift_left3A_1327, %shift_right_arithmetic3A_1324 : vector<16xi32>
    %shift_left3A_1329 = arith.constant 11 : i32
    %shift_left3A_1330 = vector.broadcast %shift_left3A_1329 : i32 to vector<16xi32>
    %shift_left3A_1331 = arith.shli %sub3A_1328, %shift_left3A_1330 : vector<16xi32>
    %sub3A_1332 = arith.subi %get3A_1298, %shift_left3A_1331 : vector<16xi32>
    %ge3A_1333 = arith.constant 7168 : i32
    %ge3A_1334 = vector.broadcast %ge3A_1333 : i32 to vector<16xi32>
    %ge3A_1335 = arith.cmpi sge, %sub3A_1332, %ge3A_1334 : vector<16xi32>
    %sub3A_1336 = arith.constant 7168 : i32
    %sub3A_1337 = vector.broadcast %sub3A_1336 : i32 to vector<16xi32>
    %sub3A_1338 = arith.subi %sub3A_1332, %sub3A_1337 : vector<16xi32>
    %select_n3A_1339 = arith.select %ge3A_1335, %sub3A_1338, %sub3A_1332 : vector<16xi1>, vector<16xi32>
    %shift_left3A_1340 = arith.constant 10 : i32
    %shift_left3A_1341 = vector.broadcast %shift_left3A_1340 : i32 to vector<16xi32>
    %shift_left3A_1342 = arith.shli %sub3A_1328, %shift_left3A_1341 : vector<16xi32>
    %add3A_1343 = arith.addi %shift_left3A_1342, %select_n3A_1339 : vector<16xi32>
    %shift_left3A_1344 = arith.constant 1 : i32
    %shift_left3A_1345 = vector.broadcast %shift_left3A_1344 : i32 to vector<16xi32>
    %shift_left3A_1346 = arith.shli %add3A_1343, %shift_left3A_1345 : vector<16xi32>
    %jit3A_1347 = arith.constant 1 : i32
    %jit3A_1348 = arith.constant 0 : i32
    %broadcast_in_dim3A_1349 = vector.broadcast %jit3A_1347 : i32 to vector<16xi32>
    %broadcast_in_dim3A_1350 = vector.broadcast %jit3A_1348 : i32 to vector<16xi32>
    %select_n3A_1351 = arith.select %ge3A_1335, %broadcast_in_dim3A_1349, %broadcast_in_dim3A_1350 : vector<16xi1>, vector<16xi32>
    %add3A_1352 = arith.addi %shift_left3A_1346, %select_n3A_1351 : vector<16xi32>
    %swap3A_1353 = arith.constant 2 : i32
    %swap3A_1354 = arith.index_cast %swap3A_1353 : i32 to index
    %swap3A_1355 = arith.constant 64 : index
    %swap3A_1356 = tpu.vector_load %arg5[%swap3A_1354, %swap3A_1355] {strides = array<i32>} : memref<4x128xi32, #tpu.memory_space<vmem>>, vector<1x16xi32>,
    %swap3A_1357 = vector.shape_cast %swap3A_1356 : vector<1x16xi32> to vector<16xi32>
    %swap3A_1358 = vector.shape_cast %add3A_1352 : vector<16xi32> to vector<1x16xi32>
    tpu.vector_store %arg5[%swap3A_1354, %swap3A_1355], %swap3A_1358 {strides = array<i32>} : memref<4x128xi32, #tpu.memory_space<vmem>>, vector<1x16xi32>,
    %get3A_1359 = arith.constant 2 : i32
    %get3A_1360 = arith.index_cast %get3A_1359 : i32 to index
    %get3A_1361 = arith.constant 80 : index
    %get3A_1362 = tpu.vector_load %arg5[%get3A_1360, %get3A_1361] {strides = array<i32>} : memref<4x128xi32, #tpu.memory_space<vmem>>, vector<1x16xi32>,
    %get3A_1363 = vector.shape_cast %get3A_1362 : vector<1x16xi32> to vector<16xi32>
    %shift_right_arithmetic3A_1364 = arith.constant 11 : i32
    %shift_right_arithmetic3A_1365 = vector.broadcast %shift_right_arithmetic3A_1364 : i32 to vector<16xi32>
    %shift_right_arithmetic3A_1366 = arith.shrsi %get3A_1363, %shift_right_arithmetic3A_1365 : vector<16xi32>
    %shift_left3A_1367 = arith.constant 13 : i32
    %shift_left3A_1368 = vector.broadcast %shift_left3A_1367 : i32 to vector<16xi32>
    %shift_left3A_1369 = arith.shli %shift_right_arithmetic3A_1366, %shift_left3A_1368 : vector<16xi32>
    %shift_left3A_1370 = arith.constant 10 : i32
    %shift_left3A_1371 = vector.broadcast %shift_left3A_1370 : i32 to vector<16xi32>
    %shift_left3A_1372 = arith.shli %shift_right_arithmetic3A_1366, %shift_left3A_1371 : vector<16xi32>
    %add3A_1373 = arith.addi %shift_left3A_1369, %shift_left3A_1372 : vector<16xi32>
    %shift_left3A_1374 = arith.constant 7 : i32
    %shift_left3A_1375 = vector.broadcast %shift_left3A_1374 : i32 to vector<16xi32>
    %shift_left3A_1376 = arith.shli %shift_right_arithmetic3A_1366, %shift_left3A_1375 : vector<16xi32>
    %add3A_1377 = arith.addi %add3A_1373, %shift_left3A_1376 : vector<16xi32>
    %shift_left3A_1378 = arith.constant 4 : i32
    %shift_left3A_1379 = vector.broadcast %shift_left3A_1378 : i32 to vector<16xi32>
    %shift_left3A_1380 = arith.shli %shift_right_arithmetic3A_1366, %shift_left3A_1379 : vector<16xi32>
    %add3A_1381 = arith.addi %add3A_1377, %shift_left3A_1380 : vector<16xi32>
    %shift_left3A_1382 = arith.constant 1 : i32
    %shift_left3A_1383 = vector.broadcast %shift_left3A_1382 : i32 to vector<16xi32>
    %shift_left3A_1384 = arith.shli %shift_right_arithmetic3A_1366, %shift_left3A_1383 : vector<16xi32>
    %add3A_1385 = arith.addi %add3A_1381, %shift_left3A_1384 : vector<16xi32>
    %add3A_1386 = arith.addi %add3A_1385, %shift_right_arithmetic3A_1366 : vector<16xi32>
    %shift_right_arithmetic3A_1387 = arith.constant 16 : i32
    %shift_right_arithmetic3A_1388 = vector.broadcast %shift_right_arithmetic3A_1387 : i32 to vector<16xi32>
    %shift_right_arithmetic3A_1389 = arith.shrsi %add3A_1386, %shift_right_arithmetic3A_1388 : vector<16xi32>
    %shift_left3A_1390 = arith.constant 3 : i32
    %shift_left3A_1391 = vector.broadcast %shift_left3A_1390 : i32 to vector<16xi32>
    %shift_left3A_1392 = arith.shli %shift_right_arithmetic3A_1389, %shift_left3A_1391 : vector<16xi32>
    %sub3A_1393 = arith.subi %shift_left3A_1392, %shift_right_arithmetic3A_1389 : vector<16xi32>
    %shift_left3A_1394 = arith.constant 11 : i32
    %shift_left3A_1395 = vector.broadcast %shift_left3A_1394 : i32 to vector<16xi32>
    %shift_left3A_1396 = arith.shli %sub3A_1393, %shift_left3A_1395 : vector<16xi32>
    %sub3A_1397 = arith.subi %get3A_1363, %shift_left3A_1396 : vector<16xi32>
    %ge3A_1398 = arith.constant 7168 : i32
    %ge3A_1399 = vector.broadcast %ge3A_1398 : i32 to vector<16xi32>
    %ge3A_1400 = arith.cmpi sge, %sub3A_1397, %ge3A_1399 : vector<16xi32>
    %sub3A_1401 = arith.constant 7168 : i32
    %sub3A_1402 = vector.broadcast %sub3A_1401 : i32 to vector<16xi32>
    %sub3A_1403 = arith.subi %sub3A_1397, %sub3A_1402 : vector<16xi32>
    %select_n3A_1404 = arith.select %ge3A_1400, %sub3A_1403, %sub3A_1397 : vector<16xi1>, vector<16xi32>
    %shift_left3A_1405 = arith.constant 10 : i32
    %shift_left3A_1406 = vector.broadcast %shift_left3A_1405 : i32 to vector<16xi32>
    %shift_left3A_1407 = arith.shli %sub3A_1393, %shift_left3A_1406 : vector<16xi32>
    %add3A_1408 = arith.addi %shift_left3A_1407, %select_n3A_1404 : vector<16xi32>
    %shift_left3A_1409 = arith.constant 1 : i32
    %shift_left3A_1410 = vector.broadcast %shift_left3A_1409 : i32 to vector<16xi32>
    %shift_left3A_1411 = arith.shli %add3A_1408, %shift_left3A_1410 : vector<16xi32>
    %jit3A_1412 = arith.constant 1 : i32
    %jit3A_1413 = arith.constant 0 : i32
    %broadcast_in_dim3A_1414 = vector.broadcast %jit3A_1412 : i32 to vector<16xi32>
    %broadcast_in_dim3A_1415 = vector.broadcast %jit3A_1413 : i32 to vector<16xi32>
    %select_n3A_1416 = arith.select %ge3A_1400, %broadcast_in_dim3A_1414, %broadcast_in_dim3A_1415 : vector<16xi1>, vector<16xi32>
    %add3A_1417 = arith.addi %shift_left3A_1411, %select_n3A_1416 : vector<16xi32>
    %swap3A_1418 = arith.constant 2 : i32
    %swap3A_1419 = arith.index_cast %swap3A_1418 : i32 to index
    %swap3A_1420 = arith.constant 80 : index
    %swap3A_1421 = tpu.vector_load %arg5[%swap3A_1419, %swap3A_1420] {strides = array<i32>} : memref<4x128xi32, #tpu.memory_space<vmem>>, vector<1x16xi32>,
    %swap3A_1422 = vector.shape_cast %swap3A_1421 : vector<1x16xi32> to vector<16xi32>
    %swap3A_1423 = vector.shape_cast %add3A_1417 : vector<16xi32> to vector<1x16xi32>
    tpu.vector_store %arg5[%swap3A_1419, %swap3A_1420], %swap3A_1423 {strides = array<i32>} : memref<4x128xi32, #tpu.memory_space<vmem>>, vector<1x16xi32>,
    %get3A_1424 = arith.constant 2 : i32
    %get3A_1425 = arith.index_cast %get3A_1424 : i32 to index
    %get3A_1426 = arith.constant 96 : index
    %get3A_1427 = tpu.vector_load %arg5[%get3A_1425, %get3A_1426] {strides = array<i32>} : memref<4x128xi32, #tpu.memory_space<vmem>>, vector<1x16xi32>,
    %get3A_1428 = vector.shape_cast %get3A_1427 : vector<1x16xi32> to vector<16xi32>
    %shift_right_arithmetic3A_1429 = arith.constant 11 : i32
    %shift_right_arithmetic3A_1430 = vector.broadcast %shift_right_arithmetic3A_1429 : i32 to vector<16xi32>
    %shift_right_arithmetic3A_1431 = arith.shrsi %get3A_1428, %shift_right_arithmetic3A_1430 : vector<16xi32>
    %shift_left3A_1432 = arith.constant 13 : i32
    %shift_left3A_1433 = vector.broadcast %shift_left3A_1432 : i32 to vector<16xi32>
    %shift_left3A_1434 = arith.shli %shift_right_arithmetic3A_1431, %shift_left3A_1433 : vector<16xi32>
    %shift_left3A_1435 = arith.constant 10 : i32
    %shift_left3A_1436 = vector.broadcast %shift_left3A_1435 : i32 to vector<16xi32>
    %shift_left3A_1437 = arith.shli %shift_right_arithmetic3A_1431, %shift_left3A_1436 : vector<16xi32>
    %add3A_1438 = arith.addi %shift_left3A_1434, %shift_left3A_1437 : vector<16xi32>
    %shift_left3A_1439 = arith.constant 7 : i32
    %shift_left3A_1440 = vector.broadcast %shift_left3A_1439 : i32 to vector<16xi32>
    %shift_left3A_1441 = arith.shli %shift_right_arithmetic3A_1431, %shift_left3A_1440 : vector<16xi32>
    %add3A_1442 = arith.addi %add3A_1438, %shift_left3A_1441 : vector<16xi32>
    %shift_left3A_1443 = arith.constant 4 : i32
    %shift_left3A_1444 = vector.broadcast %shift_left3A_1443 : i32 to vector<16xi32>
    %shift_left3A_1445 = arith.shli %shift_right_arithmetic3A_1431, %shift_left3A_1444 : vector<16xi32>
    %add3A_1446 = arith.addi %add3A_1442, %shift_left3A_1445 : vector<16xi32>
    %shift_left3A_1447 = arith.constant 1 : i32
    %shift_left3A_1448 = vector.broadcast %shift_left3A_1447 : i32 to vector<16xi32>
    %shift_left3A_1449 = arith.shli %shift_right_arithmetic3A_1431, %shift_left3A_1448 : vector<16xi32>
    %add3A_1450 = arith.addi %add3A_1446, %shift_left3A_1449 : vector<16xi32>
    %add3A_1451 = arith.addi %add3A_1450, %shift_right_arithmetic3A_1431 : vector<16xi32>
    %shift_right_arithmetic3A_1452 = arith.constant 16 : i32
    %shift_right_arithmetic3A_1453 = vector.broadcast %shift_right_arithmetic3A_1452 : i32 to vector<16xi32>
    %shift_right_arithmetic3A_1454 = arith.shrsi %add3A_1451, %shift_right_arithmetic3A_1453 : vector<16xi32>
    %shift_left3A_1455 = arith.constant 3 : i32
    %shift_left3A_1456 = vector.broadcast %shift_left3A_1455 : i32 to vector<16xi32>
    %shift_left3A_1457 = arith.shli %shift_right_arithmetic3A_1454, %shift_left3A_1456 : vector<16xi32>
    %sub3A_1458 = arith.subi %shift_left3A_1457, %shift_right_arithmetic3A_1454 : vector<16xi32>
    %shift_left3A_1459 = arith.constant 11 : i32
    %shift_left3A_1460 = vector.broadcast %shift_left3A_1459 : i32 to vector<16xi32>
    %shift_left3A_1461 = arith.shli %sub3A_1458, %shift_left3A_1460 : vector<16xi32>
    %sub3A_1462 = arith.subi %get3A_1428, %shift_left3A_1461 : vector<16xi32>
    %ge3A_1463 = arith.constant 7168 : i32
    %ge3A_1464 = vector.broadcast %ge3A_1463 : i32 to vector<16xi32>
    %ge3A_1465 = arith.cmpi sge, %sub3A_1462, %ge3A_1464 : vector<16xi32>
    %sub3A_1466 = arith.constant 7168 : i32
    %sub3A_1467 = vector.broadcast %sub3A_1466 : i32 to vector<16xi32>
    %sub3A_1468 = arith.subi %sub3A_1462, %sub3A_1467 : vector<16xi32>
    %select_n3A_1469 = arith.select %ge3A_1465, %sub3A_1468, %sub3A_1462 : vector<16xi1>, vector<16xi32>
    %shift_left3A_1470 = arith.constant 10 : i32
    %shift_left3A_1471 = vector.broadcast %shift_left3A_1470 : i32 to vector<16xi32>
    %shift_left3A_1472 = arith.shli %sub3A_1458, %shift_left3A_1471 : vector<16xi32>
    %add3A_1473 = arith.addi %shift_left3A_1472, %select_n3A_1469 : vector<16xi32>
    %shift_left3A_1474 = arith.constant 1 : i32
    %shift_left3A_1475 = vector.broadcast %shift_left3A_1474 : i32 to vector<16xi32>
    %shift_left3A_1476 = arith.shli %add3A_1473, %shift_left3A_1475 : vector<16xi32>
    %jit3A_1477 = arith.constant 1 : i32
    %jit3A_1478 = arith.constant 0 : i32
    %broadcast_in_dim3A_1479 = vector.broadcast %jit3A_1477 : i32 to vector<16xi32>
    %broadcast_in_dim3A_1480 = vector.broadcast %jit3A_1478 : i32 to vector<16xi32>
    %select_n3A_1481 = arith.select %ge3A_1465, %broadcast_in_dim3A_1479, %broadcast_in_dim3A_1480 : vector<16xi1>, vector<16xi32>
    %add3A_1482 = arith.addi %shift_left3A_1476, %select_n3A_1481 : vector<16xi32>
    %swap3A_1483 = arith.constant 2 : i32
    %swap3A_1484 = arith.index_cast %swap3A_1483 : i32 to index
    %swap3A_1485 = arith.constant 96 : index
    %swap3A_1486 = tpu.vector_load %arg5[%swap3A_1484, %swap3A_1485] {strides = array<i32>} : memref<4x128xi32, #tpu.memory_space<vmem>>, vector<1x16xi32>,
    %swap3A_1487 = vector.shape_cast %swap3A_1486 : vector<1x16xi32> to vector<16xi32>
    %swap3A_1488 = vector.shape_cast %add3A_1482 : vector<16xi32> to vector<1x16xi32>
    tpu.vector_store %arg5[%swap3A_1484, %swap3A_1485], %swap3A_1488 {strides = array<i32>} : memref<4x128xi32, #tpu.memory_space<vmem>>, vector<1x16xi32>,
    %get3A_1489 = arith.constant 2 : i32
    %get3A_1490 = arith.index_cast %get3A_1489 : i32 to index
    %get3A_1491 = arith.constant 112 : index
    %get3A_1492 = tpu.vector_load %arg5[%get3A_1490, %get3A_1491] {strides = array<i32>} : memref<4x128xi32, #tpu.memory_space<vmem>>, vector<1x16xi32>,
    %get3A_1493 = vector.shape_cast %get3A_1492 : vector<1x16xi32> to vector<16xi32>
    %shift_right_arithmetic3A_1494 = arith.constant 11 : i32
    %shift_right_arithmetic3A_1495 = vector.broadcast %shift_right_arithmetic3A_1494 : i32 to vector<16xi32>
    %shift_right_arithmetic3A_1496 = arith.shrsi %get3A_1493, %shift_right_arithmetic3A_1495 : vector<16xi32>
    %shift_left3A_1497 = arith.constant 13 : i32
    %shift_left3A_1498 = vector.broadcast %shift_left3A_1497 : i32 to vector<16xi32>
    %shift_left3A_1499 = arith.shli %shift_right_arithmetic3A_1496, %shift_left3A_1498 : vector<16xi32>
    %shift_left3A_1500 = arith.constant 10 : i32
    %shift_left3A_1501 = vector.broadcast %shift_left3A_1500 : i32 to vector<16xi32>
    %shift_left3A_1502 = arith.shli %shift_right_arithmetic3A_1496, %shift_left3A_1501 : vector<16xi32>
    %add3A_1503 = arith.addi %shift_left3A_1499, %shift_left3A_1502 : vector<16xi32>
    %shift_left3A_1504 = arith.constant 7 : i32
    %shift_left3A_1505 = vector.broadcast %shift_left3A_1504 : i32 to vector<16xi32>
    %shift_left3A_1506 = arith.shli %shift_right_arithmetic3A_1496, %shift_left3A_1505 : vector<16xi32>
    %add3A_1507 = arith.addi %add3A_1503, %shift_left3A_1506 : vector<16xi32>
    %shift_left3A_1508 = arith.constant 4 : i32
    %shift_left3A_1509 = vector.broadcast %shift_left3A_1508 : i32 to vector<16xi32>
    %shift_left3A_1510 = arith.shli %shift_right_arithmetic3A_1496, %shift_left3A_1509 : vector<16xi32>
    %add3A_1511 = arith.addi %add3A_1507, %shift_left3A_1510 : vector<16xi32>
    %shift_left3A_1512 = arith.constant 1 : i32
    %shift_left3A_1513 = vector.broadcast %shift_left3A_1512 : i32 to vector<16xi32>
    %shift_left3A_1514 = arith.shli %shift_right_arithmetic3A_1496, %shift_left3A_1513 : vector<16xi32>
    %add3A_1515 = arith.addi %add3A_1511, %shift_left3A_1514 : vector<16xi32>
    %add3A_1516 = arith.addi %add3A_1515, %shift_right_arithmetic3A_1496 : vector<16xi32>
    %shift_right_arithmetic3A_1517 = arith.constant 16 : i32
    %shift_right_arithmetic3A_1518 = vector.broadcast %shift_right_arithmetic3A_1517 : i32 to vector<16xi32>
    %shift_right_arithmetic3A_1519 = arith.shrsi %add3A_1516, %shift_right_arithmetic3A_1518 : vector<16xi32>
    %shift_left3A_1520 = arith.constant 3 : i32
    %shift_left3A_1521 = vector.broadcast %shift_left3A_1520 : i32 to vector<16xi32>
    %shift_left3A_1522 = arith.shli %shift_right_arithmetic3A_1519, %shift_left3A_1521 : vector<16xi32>
    %sub3A_1523 = arith.subi %shift_left3A_1522, %shift_right_arithmetic3A_1519 : vector<16xi32>
    %shift_left3A_1524 = arith.constant 11 : i32
    %shift_left3A_1525 = vector.broadcast %shift_left3A_1524 : i32 to vector<16xi32>
    %shift_left3A_1526 = arith.shli %sub3A_1523, %shift_left3A_1525 : vector<16xi32>
    %sub3A_1527 = arith.subi %get3A_1493, %shift_left3A_1526 : vector<16xi32>
    %ge3A_1528 = arith.constant 7168 : i32
    %ge3A_1529 = vector.broadcast %ge3A_1528 : i32 to vector<16xi32>
    %ge3A_1530 = arith.cmpi sge, %sub3A_1527, %ge3A_1529 : vector<16xi32>
    %sub3A_1531 = arith.constant 7168 : i32
    %sub3A_1532 = vector.broadcast %sub3A_1531 : i32 to vector<16xi32>
    %sub3A_1533 = arith.subi %sub3A_1527, %sub3A_1532 : vector<16xi32>
    %select_n3A_1534 = arith.select %ge3A_1530, %sub3A_1533, %sub3A_1527 : vector<16xi1>, vector<16xi32>
    %shift_left3A_1535 = arith.constant 10 : i32
    %shift_left3A_1536 = vector.broadcast %shift_left3A_1535 : i32 to vector<16xi32>
    %shift_left3A_1537 = arith.shli %sub3A_1523, %shift_left3A_1536 : vector<16xi32>
    %add3A_1538 = arith.addi %shift_left3A_1537, %select_n3A_1534 : vector<16xi32>
    %shift_left3A_1539 = arith.constant 1 : i32
    %shift_left3A_1540 = vector.broadcast %shift_left3A_1539 : i32 to vector<16xi32>
    %shift_left3A_1541 = arith.shli %add3A_1538, %shift_left3A_1540 : vector<16xi32>
    %jit3A_1542 = arith.constant 1 : i32
    %jit3A_1543 = arith.constant 0 : i32
    %broadcast_in_dim3A_1544 = vector.broadcast %jit3A_1542 : i32 to vector<16xi32>
    %broadcast_in_dim3A_1545 = vector.broadcast %jit3A_1543 : i32 to vector<16xi32>
    %select_n3A_1546 = arith.select %ge3A_1530, %broadcast_in_dim3A_1544, %broadcast_in_dim3A_1545 : vector<16xi1>, vector<16xi32>
    %add3A_1547 = arith.addi %shift_left3A_1541, %select_n3A_1546 : vector<16xi32>
    %swap3A_1548 = arith.constant 2 : i32
    %swap3A_1549 = arith.index_cast %swap3A_1548 : i32 to index
    %swap3A_1550 = arith.constant 112 : index
    %swap3A_1551 = tpu.vector_load %arg5[%swap3A_1549, %swap3A_1550] {strides = array<i32>} : memref<4x128xi32, #tpu.memory_space<vmem>>, vector<1x16xi32>,
    %swap3A_1552 = vector.shape_cast %swap3A_1551 : vector<1x16xi32> to vector<16xi32>
    %swap3A_1553 = vector.shape_cast %add3A_1547 : vector<16xi32> to vector<1x16xi32>
    tpu.vector_store %arg5[%swap3A_1549, %swap3A_1550], %swap3A_1553 {strides = array<i32>} : memref<4x128xi32, #tpu.memory_space<vmem>>, vector<1x16xi32>,
    %get3A_1554 = arith.constant 3 : i32
    %get3A_1555 = arith.index_cast %get3A_1554 : i32 to index
    %get3A_1556 = arith.constant 0 : index
    %get3A_1557 = tpu.vector_load %arg5[%get3A_1555, %get3A_1556] {strides = array<i32>} : memref<4x128xi32, #tpu.memory_space<vmem>>, vector<1x16xi32>,
    %get3A_1558 = vector.shape_cast %get3A_1557 : vector<1x16xi32> to vector<16xi32>
    %shift_right_arithmetic3A_1559 = arith.constant 11 : i32
    %shift_right_arithmetic3A_1560 = vector.broadcast %shift_right_arithmetic3A_1559 : i32 to vector<16xi32>
    %shift_right_arithmetic3A_1561 = arith.shrsi %get3A_1558, %shift_right_arithmetic3A_1560 : vector<16xi32>
    %shift_left3A_1562 = arith.constant 13 : i32
    %shift_left3A_1563 = vector.broadcast %shift_left3A_1562 : i32 to vector<16xi32>
    %shift_left3A_1564 = arith.shli %shift_right_arithmetic3A_1561, %shift_left3A_1563 : vector<16xi32>
    %shift_left3A_1565 = arith.constant 10 : i32
    %shift_left3A_1566 = vector.broadcast %shift_left3A_1565 : i32 to vector<16xi32>
    %shift_left3A_1567 = arith.shli %shift_right_arithmetic3A_1561, %shift_left3A_1566 : vector<16xi32>
    %add3A_1568 = arith.addi %shift_left3A_1564, %shift_left3A_1567 : vector<16xi32>
    %shift_left3A_1569 = arith.constant 7 : i32
    %shift_left3A_1570 = vector.broadcast %shift_left3A_1569 : i32 to vector<16xi32>
    %shift_left3A_1571 = arith.shli %shift_right_arithmetic3A_1561, %shift_left3A_1570 : vector<16xi32>
    %add3A_1572 = arith.addi %add3A_1568, %shift_left3A_1571 : vector<16xi32>
    %shift_left3A_1573 = arith.constant 4 : i32
    %shift_left3A_1574 = vector.broadcast %shift_left3A_1573 : i32 to vector<16xi32>
    %shift_left3A_1575 = arith.shli %shift_right_arithmetic3A_1561, %shift_left3A_1574 : vector<16xi32>
    %add3A_1576 = arith.addi %add3A_1572, %shift_left3A_1575 : vector<16xi32>
    %shift_left3A_1577 = arith.constant 1 : i32
    %shift_left3A_1578 = vector.broadcast %shift_left3A_1577 : i32 to vector<16xi32>
    %shift_left3A_1579 = arith.shli %shift_right_arithmetic3A_1561, %shift_left3A_1578 : vector<16xi32>
    %add3A_1580 = arith.addi %add3A_1576, %shift_left3A_1579 : vector<16xi32>
    %add3A_1581 = arith.addi %add3A_1580, %shift_right_arithmetic3A_1561 : vector<16xi32>
    %shift_right_arithmetic3A_1582 = arith.constant 16 : i32
    %shift_right_arithmetic3A_1583 = vector.broadcast %shift_right_arithmetic3A_1582 : i32 to vector<16xi32>
    %shift_right_arithmetic3A_1584 = arith.shrsi %add3A_1581, %shift_right_arithmetic3A_1583 : vector<16xi32>
    %shift_left3A_1585 = arith.constant 3 : i32
    %shift_left3A_1586 = vector.broadcast %shift_left3A_1585 : i32 to vector<16xi32>
    %shift_left3A_1587 = arith.shli %shift_right_arithmetic3A_1584, %shift_left3A_1586 : vector<16xi32>
    %sub3A_1588 = arith.subi %shift_left3A_1587, %shift_right_arithmetic3A_1584 : vector<16xi32>
    %shift_left3A_1589 = arith.constant 11 : i32
    %shift_left3A_1590 = vector.broadcast %shift_left3A_1589 : i32 to vector<16xi32>
    %shift_left3A_1591 = arith.shli %sub3A_1588, %shift_left3A_1590 : vector<16xi32>
    %sub3A_1592 = arith.subi %get3A_1558, %shift_left3A_1591 : vector<16xi32>
    %ge3A_1593 = arith.constant 7168 : i32
    %ge3A_1594 = vector.broadcast %ge3A_1593 : i32 to vector<16xi32>
    %ge3A_1595 = arith.cmpi sge, %sub3A_1592, %ge3A_1594 : vector<16xi32>
    %sub3A_1596 = arith.constant 7168 : i32
    %sub3A_1597 = vector.broadcast %sub3A_1596 : i32 to vector<16xi32>
    %sub3A_1598 = arith.subi %sub3A_1592, %sub3A_1597 : vector<16xi32>
    %select_n3A_1599 = arith.select %ge3A_1595, %sub3A_1598, %sub3A_1592 : vector<16xi1>, vector<16xi32>
    %shift_left3A_1600 = arith.constant 10 : i32
    %shift_left3A_1601 = vector.broadcast %shift_left3A_1600 : i32 to vector<16xi32>
    %shift_left3A_1602 = arith.shli %sub3A_1588, %shift_left3A_1601 : vector<16xi32>
    %add3A_1603 = arith.addi %shift_left3A_1602, %select_n3A_1599 : vector<16xi32>
    %shift_left3A_1604 = arith.constant 1 : i32
    %shift_left3A_1605 = vector.broadcast %shift_left3A_1604 : i32 to vector<16xi32>
    %shift_left3A_1606 = arith.shli %add3A_1603, %shift_left3A_1605 : vector<16xi32>
    %jit3A_1607 = arith.constant 1 : i32
    %jit3A_1608 = arith.constant 0 : i32
    %broadcast_in_dim3A_1609 = vector.broadcast %jit3A_1607 : i32 to vector<16xi32>
    %broadcast_in_dim3A_1610 = vector.broadcast %jit3A_1608 : i32 to vector<16xi32>
    %select_n3A_1611 = arith.select %ge3A_1595, %broadcast_in_dim3A_1609, %broadcast_in_dim3A_1610 : vector<16xi1>, vector<16xi32>
    %add3A_1612 = arith.addi %shift_left3A_1606, %select_n3A_1611 : vector<16xi32>
    %swap3A_1613 = arith.constant 3 : i32
    %swap3A_1614 = arith.index_cast %swap3A_1613 : i32 to index
    %swap3A_1615 = arith.constant 0 : index
    %swap3A_1616 = tpu.vector_load %arg5[%swap3A_1614, %swap3A_1615] {strides = array<i32>} : memref<4x128xi32, #tpu.memory_space<vmem>>, vector<1x16xi32>,
    %swap3A_1617 = vector.shape_cast %swap3A_1616 : vector<1x16xi32> to vector<16xi32>
    %swap3A_1618 = vector.shape_cast %add3A_1612 : vector<16xi32> to vector<1x16xi32>
    tpu.vector_store %arg5[%swap3A_1614, %swap3A_1615], %swap3A_1618 {strides = array<i32>} : memref<4x128xi32, #tpu.memory_space<vmem>>, vector<1x16xi32>,
    %get3A_1619 = arith.constant 3 : i32
    %get3A_1620 = arith.index_cast %get3A_1619 : i32 to index
    %get3A_1621 = arith.constant 16 : index
    %get3A_1622 = tpu.vector_load %arg5[%get3A_1620, %get3A_1621] {strides = array<i32>} : memref<4x128xi32, #tpu.memory_space<vmem>>, vector<1x16xi32>,
    %get3A_1623 = vector.shape_cast %get3A_1622 : vector<1x16xi32> to vector<16xi32>
    %shift_right_arithmetic3A_1624 = arith.constant 11 : i32
    %shift_right_arithmetic3A_1625 = vector.broadcast %shift_right_arithmetic3A_1624 : i32 to vector<16xi32>
    %shift_right_arithmetic3A_1626 = arith.shrsi %get3A_1623, %shift_right_arithmetic3A_1625 : vector<16xi32>
    %shift_left3A_1627 = arith.constant 13 : i32
    %shift_left3A_1628 = vector.broadcast %shift_left3A_1627 : i32 to vector<16xi32>
    %shift_left3A_1629 = arith.shli %shift_right_arithmetic3A_1626, %shift_left3A_1628 : vector<16xi32>
    %shift_left3A_1630 = arith.constant 10 : i32
    %shift_left3A_1631 = vector.broadcast %shift_left3A_1630 : i32 to vector<16xi32>
    %shift_left3A_1632 = arith.shli %shift_right_arithmetic3A_1626, %shift_left3A_1631 : vector<16xi32>
    %add3A_1633 = arith.addi %shift_left3A_1629, %shift_left3A_1632 : vector<16xi32>
    %shift_left3A_1634 = arith.constant 7 : i32
    %shift_left3A_1635 = vector.broadcast %shift_left3A_1634 : i32 to vector<16xi32>
    %shift_left3A_1636 = arith.shli %shift_right_arithmetic3A_1626, %shift_left3A_1635 : vector<16xi32>
    %add3A_1637 = arith.addi %add3A_1633, %shift_left3A_1636 : vector<16xi32>
    %shift_left3A_1638 = arith.constant 4 : i32
    %shift_left3A_1639 = vector.broadcast %shift_left3A_1638 : i32 to vector<16xi32>
    %shift_left3A_1640 = arith.shli %shift_right_arithmetic3A_1626, %shift_left3A_1639 : vector<16xi32>
    %add3A_1641 = arith.addi %add3A_1637, %shift_left3A_1640 : vector<16xi32>
    %shift_left3A_1642 = arith.constant 1 : i32
    %shift_left3A_1643 = vector.broadcast %shift_left3A_1642 : i32 to vector<16xi32>
    %shift_left3A_1644 = arith.shli %shift_right_arithmetic3A_1626, %shift_left3A_1643 : vector<16xi32>
    %add3A_1645 = arith.addi %add3A_1641, %shift_left3A_1644 : vector<16xi32>
    %add3A_1646 = arith.addi %add3A_1645, %shift_right_arithmetic3A_1626 : vector<16xi32>
    %shift_right_arithmetic3A_1647 = arith.constant 16 : i32
    %shift_right_arithmetic3A_1648 = vector.broadcast %shift_right_arithmetic3A_1647 : i32 to vector<16xi32>
    %shift_right_arithmetic3A_1649 = arith.shrsi %add3A_1646, %shift_right_arithmetic3A_1648 : vector<16xi32>
    %shift_left3A_1650 = arith.constant 3 : i32
    %shift_left3A_1651 = vector.broadcast %shift_left3A_1650 : i32 to vector<16xi32>
    %shift_left3A_1652 = arith.shli %shift_right_arithmetic3A_1649, %shift_left3A_1651 : vector<16xi32>
    %sub3A_1653 = arith.subi %shift_left3A_1652, %shift_right_arithmetic3A_1649 : vector<16xi32>
    %shift_left3A_1654 = arith.constant 11 : i32
    %shift_left3A_1655 = vector.broadcast %shift_left3A_1654 : i32 to vector<16xi32>
    %shift_left3A_1656 = arith.shli %sub3A_1653, %shift_left3A_1655 : vector<16xi32>
    %sub3A_1657 = arith.subi %get3A_1623, %shift_left3A_1656 : vector<16xi32>
    %ge3A_1658 = arith.constant 7168 : i32
    %ge3A_1659 = vector.broadcast %ge3A_1658 : i32 to vector<16xi32>
    %ge3A_1660 = arith.cmpi sge, %sub3A_1657, %ge3A_1659 : vector<16xi32>
    %sub3A_1661 = arith.constant 7168 : i32
    %sub3A_1662 = vector.broadcast %sub3A_1661 : i32 to vector<16xi32>
    %sub3A_1663 = arith.subi %sub3A_1657, %sub3A_1662 : vector<16xi32>
    %select_n3A_1664 = arith.select %ge3A_1660, %sub3A_1663, %sub3A_1657 : vector<16xi1>, vector<16xi32>
    %shift_left3A_1665 = arith.constant 10 : i32
    %shift_left3A_1666 = vector.broadcast %shift_left3A_1665 : i32 to vector<16xi32>
    %shift_left3A_1667 = arith.shli %sub3A_1653, %shift_left3A_1666 : vector<16xi32>
    %add3A_1668 = arith.addi %shift_left3A_1667, %select_n3A_1664 : vector<16xi32>
    %shift_left3A_1669 = arith.constant 1 : i32
    %shift_left3A_1670 = vector.broadcast %shift_left3A_1669 : i32 to vector<16xi32>
    %shift_left3A_1671 = arith.shli %add3A_1668, %shift_left3A_1670 : vector<16xi32>
    %jit3A_1672 = arith.constant 1 : i32
    %jit3A_1673 = arith.constant 0 : i32
    %broadcast_in_dim3A_1674 = vector.broadcast %jit3A_1672 : i32 to vector<16xi32>
    %broadcast_in_dim3A_1675 = vector.broadcast %jit3A_1673 : i32 to vector<16xi32>
    %select_n3A_1676 = arith.select %ge3A_1660, %broadcast_in_dim3A_1674, %broadcast_in_dim3A_1675 : vector<16xi1>, vector<16xi32>
    %add3A_1677 = arith.addi %shift_left3A_1671, %select_n3A_1676 : vector<16xi32>
    %swap3A_1678 = arith.constant 3 : i32
    %swap3A_1679 = arith.index_cast %swap3A_1678 : i32 to index
    %swap3A_1680 = arith.constant 16 : index
    %swap3A_1681 = tpu.vector_load %arg5[%swap3A_1679, %swap3A_1680] {strides = array<i32>} : memref<4x128xi32, #tpu.memory_space<vmem>>, vector<1x16xi32>,
    %swap3A_1682 = vector.shape_cast %swap3A_1681 : vector<1x16xi32> to vector<16xi32>
    %swap3A_1683 = vector.shape_cast %add3A_1677 : vector<16xi32> to vector<1x16xi32>
    tpu.vector_store %arg5[%swap3A_1679, %swap3A_1680], %swap3A_1683 {strides = array<i32>} : memref<4x128xi32, #tpu.memory_space<vmem>>, vector<1x16xi32>,
    %get3A_1684 = arith.constant 3 : i32
    %get3A_1685 = arith.index_cast %get3A_1684 : i32 to index
    %get3A_1686 = arith.constant 32 : index
    %get3A_1687 = tpu.vector_load %arg5[%get3A_1685, %get3A_1686] {strides = array<i32>} : memref<4x128xi32, #tpu.memory_space<vmem>>, vector<1x16xi32>,
    %get3A_1688 = vector.shape_cast %get3A_1687 : vector<1x16xi32> to vector<16xi32>
    %shift_right_arithmetic3A_1689 = arith.constant 11 : i32
    %shift_right_arithmetic3A_1690 = vector.broadcast %shift_right_arithmetic3A_1689 : i32 to vector<16xi32>
    %shift_right_arithmetic3A_1691 = arith.shrsi %get3A_1688, %shift_right_arithmetic3A_1690 : vector<16xi32>
    %shift_left3A_1692 = arith.constant 13 : i32
    %shift_left3A_1693 = vector.broadcast %shift_left3A_1692 : i32 to vector<16xi32>
    %shift_left3A_1694 = arith.shli %shift_right_arithmetic3A_1691, %shift_left3A_1693 : vector<16xi32>
    %shift_left3A_1695 = arith.constant 10 : i32
    %shift_left3A_1696 = vector.broadcast %shift_left3A_1695 : i32 to vector<16xi32>
    %shift_left3A_1697 = arith.shli %shift_right_arithmetic3A_1691, %shift_left3A_1696 : vector<16xi32>
    %add3A_1698 = arith.addi %shift_left3A_1694, %shift_left3A_1697 : vector<16xi32>
    %shift_left3A_1699 = arith.constant 7 : i32
    %shift_left3A_1700 = vector.broadcast %shift_left3A_1699 : i32 to vector<16xi32>
    %shift_left3A_1701 = arith.shli %shift_right_arithmetic3A_1691, %shift_left3A_1700 : vector<16xi32>
    %add3A_1702 = arith.addi %add3A_1698, %shift_left3A_1701 : vector<16xi32>
    %shift_left3A_1703 = arith.constant 4 : i32
    %shift_left3A_1704 = vector.broadcast %shift_left3A_1703 : i32 to vector<16xi32>
    %shift_left3A_1705 = arith.shli %shift_right_arithmetic3A_1691, %shift_left3A_1704 : vector<16xi32>
    %add3A_1706 = arith.addi %add3A_1702, %shift_left3A_1705 : vector<16xi32>
    %shift_left3A_1707 = arith.constant 1 : i32
    %shift_left3A_1708 = vector.broadcast %shift_left3A_1707 : i32 to vector<16xi32>
    %shift_left3A_1709 = arith.shli %shift_right_arithmetic3A_1691, %shift_left3A_1708 : vector<16xi32>
    %add3A_1710 = arith.addi %add3A_1706, %shift_left3A_1709 : vector<16xi32>
    %add3A_1711 = arith.addi %add3A_1710, %shift_right_arithmetic3A_1691 : vector<16xi32>
    %shift_right_arithmetic3A_1712 = arith.constant 16 : i32
    %shift_right_arithmetic3A_1713 = vector.broadcast %shift_right_arithmetic3A_1712 : i32 to vector<16xi32>
    %shift_right_arithmetic3A_1714 = arith.shrsi %add3A_1711, %shift_right_arithmetic3A_1713 : vector<16xi32>
    %shift_left3A_1715 = arith.constant 3 : i32
    %shift_left3A_1716 = vector.broadcast %shift_left3A_1715 : i32 to vector<16xi32>
    %shift_left3A_1717 = arith.shli %shift_right_arithmetic3A_1714, %shift_left3A_1716 : vector<16xi32>
    %sub3A_1718 = arith.subi %shift_left3A_1717, %shift_right_arithmetic3A_1714 : vector<16xi32>
    %shift_left3A_1719 = arith.constant 11 : i32
    %shift_left3A_1720 = vector.broadcast %shift_left3A_1719 : i32 to vector<16xi32>
    %shift_left3A_1721 = arith.shli %sub3A_1718, %shift_left3A_1720 : vector<16xi32>
    %sub3A_1722 = arith.subi %get3A_1688, %shift_left3A_1721 : vector<16xi32>
    %ge3A_1723 = arith.constant 7168 : i32
    %ge3A_1724 = vector.broadcast %ge3A_1723 : i32 to vector<16xi32>
    %ge3A_1725 = arith.cmpi sge, %sub3A_1722, %ge3A_1724 : vector<16xi32>
    %sub3A_1726 = arith.constant 7168 : i32
    %sub3A_1727 = vector.broadcast %sub3A_1726 : i32 to vector<16xi32>
    %sub3A_1728 = arith.subi %sub3A_1722, %sub3A_1727 : vector<16xi32>
    %select_n3A_1729 = arith.select %ge3A_1725, %sub3A_1728, %sub3A_1722 : vector<16xi1>, vector<16xi32>
    %shift_left3A_1730 = arith.constant 10 : i32
    %shift_left3A_1731 = vector.broadcast %shift_left3A_1730 : i32 to vector<16xi32>
    %shift_left3A_1732 = arith.shli %sub3A_1718, %shift_left3A_1731 : vector<16xi32>
    %add3A_1733 = arith.addi %shift_left3A_1732, %select_n3A_1729 : vector<16xi32>
    %shift_left3A_1734 = arith.constant 1 : i32
    %shift_left3A_1735 = vector.broadcast %shift_left3A_1734 : i32 to vector<16xi32>
    %shift_left3A_1736 = arith.shli %add3A_1733, %shift_left3A_1735 : vector<16xi32>
    %jit3A_1737 = arith.constant 1 : i32
    %jit3A_1738 = arith.constant 0 : i32
    %broadcast_in_dim3A_1739 = vector.broadcast %jit3A_1737 : i32 to vector<16xi32>
    %broadcast_in_dim3A_1740 = vector.broadcast %jit3A_1738 : i32 to vector<16xi32>
    %select_n3A_1741 = arith.select %ge3A_1725, %broadcast_in_dim3A_1739, %broadcast_in_dim3A_1740 : vector<16xi1>, vector<16xi32>
    %add3A_1742 = arith.addi %shift_left3A_1736, %select_n3A_1741 : vector<16xi32>
    %swap3A_1743 = arith.constant 3 : i32
    %swap3A_1744 = arith.index_cast %swap3A_1743 : i32 to index
    %swap3A_1745 = arith.constant 32 : index
    %swap3A_1746 = tpu.vector_load %arg5[%swap3A_1744, %swap3A_1745] {strides = array<i32>} : memref<4x128xi32, #tpu.memory_space<vmem>>, vector<1x16xi32>,
    %swap3A_1747 = vector.shape_cast %swap3A_1746 : vector<1x16xi32> to vector<16xi32>
    %swap3A_1748 = vector.shape_cast %add3A_1742 : vector<16xi32> to vector<1x16xi32>
    tpu.vector_store %arg5[%swap3A_1744, %swap3A_1745], %swap3A_1748 {strides = array<i32>} : memref<4x128xi32, #tpu.memory_space<vmem>>, vector<1x16xi32>,
    %get3A_1749 = arith.constant 3 : i32
    %get3A_1750 = arith.index_cast %get3A_1749 : i32 to index
    %get3A_1751 = arith.constant 48 : index
    %get3A_1752 = tpu.vector_load %arg5[%get3A_1750, %get3A_1751] {strides = array<i32>} : memref<4x128xi32, #tpu.memory_space<vmem>>, vector<1x16xi32>,
    %get3A_1753 = vector.shape_cast %get3A_1752 : vector<1x16xi32> to vector<16xi32>
    %shift_right_arithmetic3A_1754 = arith.constant 11 : i32
    %shift_right_arithmetic3A_1755 = vector.broadcast %shift_right_arithmetic3A_1754 : i32 to vector<16xi32>
    %shift_right_arithmetic3A_1756 = arith.shrsi %get3A_1753, %shift_right_arithmetic3A_1755 : vector<16xi32>
    %shift_left3A_1757 = arith.constant 13 : i32
    %shift_left3A_1758 = vector.broadcast %shift_left3A_1757 : i32 to vector<16xi32>
    %shift_left3A_1759 = arith.shli %shift_right_arithmetic3A_1756, %shift_left3A_1758 : vector<16xi32>
    %shift_left3A_1760 = arith.constant 10 : i32
    %shift_left3A_1761 = vector.broadcast %shift_left3A_1760 : i32 to vector<16xi32>
    %shift_left3A_1762 = arith.shli %shift_right_arithmetic3A_1756, %shift_left3A_1761 : vector<16xi32>
    %add3A_1763 = arith.addi %shift_left3A_1759, %shift_left3A_1762 : vector<16xi32>
    %shift_left3A_1764 = arith.constant 7 : i32
    %shift_left3A_1765 = vector.broadcast %shift_left3A_1764 : i32 to vector<16xi32>
    %shift_left3A_1766 = arith.shli %shift_right_arithmetic3A_1756, %shift_left3A_1765 : vector<16xi32>
    %add3A_1767 = arith.addi %add3A_1763, %shift_left3A_1766 : vector<16xi32>
    %shift_left3A_1768 = arith.constant 4 : i32
    %shift_left3A_1769 = vector.broadcast %shift_left3A_1768 : i32 to vector<16xi32>
    %shift_left3A_1770 = arith.shli %shift_right_arithmetic3A_1756, %shift_left3A_1769 : vector<16xi32>
    %add3A_1771 = arith.addi %add3A_1767, %shift_left3A_1770 : vector<16xi32>
    %shift_left3A_1772 = arith.constant 1 : i32
    %shift_left3A_1773 = vector.broadcast %shift_left3A_1772 : i32 to vector<16xi32>
    %shift_left3A_1774 = arith.shli %shift_right_arithmetic3A_1756, %shift_left3A_1773 : vector<16xi32>
    %add3A_1775 = arith.addi %add3A_1771, %shift_left3A_1774 : vector<16xi32>
    %add3A_1776 = arith.addi %add3A_1775, %shift_right_arithmetic3A_1756 : vector<16xi32>
    %shift_right_arithmetic3A_1777 = arith.constant 16 : i32
    %shift_right_arithmetic3A_1778 = vector.broadcast %shift_right_arithmetic3A_1777 : i32 to vector<16xi32>
    %shift_right_arithmetic3A_1779 = arith.shrsi %add3A_1776, %shift_right_arithmetic3A_1778 : vector<16xi32>
    %shift_left3A_1780 = arith.constant 3 : i32
    %shift_left3A_1781 = vector.broadcast %shift_left3A_1780 : i32 to vector<16xi32>
    %shift_left3A_1782 = arith.shli %shift_right_arithmetic3A_1779, %shift_left3A_1781 : vector<16xi32>
    %sub3A_1783 = arith.subi %shift_left3A_1782, %shift_right_arithmetic3A_1779 : vector<16xi32>
    %shift_left3A_1784 = arith.constant 11 : i32
    %shift_left3A_1785 = vector.broadcast %shift_left3A_1784 : i32 to vector<16xi32>
    %shift_left3A_1786 = arith.shli %sub3A_1783, %shift_left3A_1785 : vector<16xi32>
    %sub3A_1787 = arith.subi %get3A_1753, %shift_left3A_1786 : vector<16xi32>
    %ge3A_1788 = arith.constant 7168 : i32
    %ge3A_1789 = vector.broadcast %ge3A_1788 : i32 to vector<16xi32>
    %ge3A_1790 = arith.cmpi sge, %sub3A_1787, %ge3A_1789 : vector<16xi32>
    %sub3A_1791 = arith.constant 7168 : i32
    %sub3A_1792 = vector.broadcast %sub3A_1791 : i32 to vector<16xi32>
    %sub3A_1793 = arith.subi %sub3A_1787, %sub3A_1792 : vector<16xi32>
    %select_n3A_1794 = arith.select %ge3A_1790, %sub3A_1793, %sub3A_1787 : vector<16xi1>, vector<16xi32>
    %shift_left3A_1795 = arith.constant 10 : i32
    %shift_left3A_1796 = vector.broadcast %shift_left3A_1795 : i32 to vector<16xi32>
    %shift_left3A_1797 = arith.shli %sub3A_1783, %shift_left3A_1796 : vector<16xi32>
    %add3A_1798 = arith.addi %shift_left3A_1797, %select_n3A_1794 : vector<16xi32>
    %shift_left3A_1799 = arith.constant 1 : i32
    %shift_left3A_1800 = vector.broadcast %shift_left3A_1799 : i32 to vector<16xi32>
    %shift_left3A_1801 = arith.shli %add3A_1798, %shift_left3A_1800 : vector<16xi32>
    %jit3A_1802 = arith.constant 1 : i32
    %jit3A_1803 = arith.constant 0 : i32
    %broadcast_in_dim3A_1804 = vector.broadcast %jit3A_1802 : i32 to vector<16xi32>
    %broadcast_in_dim3A_1805 = vector.broadcast %jit3A_1803 : i32 to vector<16xi32>
    %select_n3A_1806 = arith.select %ge3A_1790, %broadcast_in_dim3A_1804, %broadcast_in_dim3A_1805 : vector<16xi1>, vector<16xi32>
    %add3A_1807 = arith.addi %shift_left3A_1801, %select_n3A_1806 : vector<16xi32>
    %swap3A_1808 = arith.constant 3 : i32
    %swap3A_1809 = arith.index_cast %swap3A_1808 : i32 to index
    %swap3A_1810 = arith.constant 48 : index
    %swap3A_1811 = tpu.vector_load %arg5[%swap3A_1809, %swap3A_1810] {strides = array<i32>} : memref<4x128xi32, #tpu.memory_space<vmem>>, vector<1x16xi32>,
    %swap3A_1812 = vector.shape_cast %swap3A_1811 : vector<1x16xi32> to vector<16xi32>
    %swap3A_1813 = vector.shape_cast %add3A_1807 : vector<16xi32> to vector<1x16xi32>
    tpu.vector_store %arg5[%swap3A_1809, %swap3A_1810], %swap3A_1813 {strides = array<i32>} : memref<4x128xi32, #tpu.memory_space<vmem>>, vector<1x16xi32>,
    %get3A_1814 = arith.constant 3 : i32
    %get3A_1815 = arith.index_cast %get3A_1814 : i32 to index
    %get3A_1816 = arith.constant 64 : index
    %get3A_1817 = tpu.vector_load %arg5[%get3A_1815, %get3A_1816] {strides = array<i32>} : memref<4x128xi32, #tpu.memory_space<vmem>>, vector<1x16xi32>,
    %get3A_1818 = vector.shape_cast %get3A_1817 : vector<1x16xi32> to vector<16xi32>
    %shift_right_arithmetic3A_1819 = arith.constant 11 : i32
    %shift_right_arithmetic3A_1820 = vector.broadcast %shift_right_arithmetic3A_1819 : i32 to vector<16xi32>
    %shift_right_arithmetic3A_1821 = arith.shrsi %get3A_1818, %shift_right_arithmetic3A_1820 : vector<16xi32>
    %shift_left3A_1822 = arith.constant 13 : i32
    %shift_left3A_1823 = vector.broadcast %shift_left3A_1822 : i32 to vector<16xi32>
    %shift_left3A_1824 = arith.shli %shift_right_arithmetic3A_1821, %shift_left3A_1823 : vector<16xi32>
    %shift_left3A_1825 = arith.constant 10 : i32
    %shift_left3A_1826 = vector.broadcast %shift_left3A_1825 : i32 to vector<16xi32>
    %shift_left3A_1827 = arith.shli %shift_right_arithmetic3A_1821, %shift_left3A_1826 : vector<16xi32>
    %add3A_1828 = arith.addi %shift_left3A_1824, %shift_left3A_1827 : vector<16xi32>
    %shift_left3A_1829 = arith.constant 7 : i32
    %shift_left3A_1830 = vector.broadcast %shift_left3A_1829 : i32 to vector<16xi32>
    %shift_left3A_1831 = arith.shli %shift_right_arithmetic3A_1821, %shift_left3A_1830 : vector<16xi32>
    %add3A_1832 = arith.addi %add3A_1828, %shift_left3A_1831 : vector<16xi32>
    %shift_left3A_1833 = arith.constant 4 : i32
    %shift_left3A_1834 = vector.broadcast %shift_left3A_1833 : i32 to vector<16xi32>
    %shift_left3A_1835 = arith.shli %shift_right_arithmetic3A_1821, %shift_left3A_1834 : vector<16xi32>
    %add3A_1836 = arith.addi %add3A_1832, %shift_left3A_1835 : vector<16xi32>
    %shift_left3A_1837 = arith.constant 1 : i32
    %shift_left3A_1838 = vector.broadcast %shift_left3A_1837 : i32 to vector<16xi32>
    %shift_left3A_1839 = arith.shli %shift_right_arithmetic3A_1821, %shift_left3A_1838 : vector<16xi32>
    %add3A_1840 = arith.addi %add3A_1836, %shift_left3A_1839 : vector<16xi32>
    %add3A_1841 = arith.addi %add3A_1840, %shift_right_arithmetic3A_1821 : vector<16xi32>
    %shift_right_arithmetic3A_1842 = arith.constant 16 : i32
    %shift_right_arithmetic3A_1843 = vector.broadcast %shift_right_arithmetic3A_1842 : i32 to vector<16xi32>
    %shift_right_arithmetic3A_1844 = arith.shrsi %add3A_1841, %shift_right_arithmetic3A_1843 : vector<16xi32>
    %shift_left3A_1845 = arith.constant 3 : i32
    %shift_left3A_1846 = vector.broadcast %shift_left3A_1845 : i32 to vector<16xi32>
    %shift_left3A_1847 = arith.shli %shift_right_arithmetic3A_1844, %shift_left3A_1846 : vector<16xi32>
    %sub3A_1848 = arith.subi %shift_left3A_1847, %shift_right_arithmetic3A_1844 : vector<16xi32>
    %shift_left3A_1849 = arith.constant 11 : i32
    %shift_left3A_1850 = vector.broadcast %shift_left3A_1849 : i32 to vector<16xi32>
    %shift_left3A_1851 = arith.shli %sub3A_1848, %shift_left3A_1850 : vector<16xi32>
    %sub3A_1852 = arith.subi %get3A_1818, %shift_left3A_1851 : vector<16xi32>
    %ge3A_1853 = arith.constant 7168 : i32
    %ge3A_1854 = vector.broadcast %ge3A_1853 : i32 to vector<16xi32>
    %ge3A_1855 = arith.cmpi sge, %sub3A_1852, %ge3A_1854 : vector<16xi32>
    %sub3A_1856 = arith.constant 7168 : i32
    %sub3A_1857 = vector.broadcast %sub3A_1856 : i32 to vector<16xi32>
    %sub3A_1858 = arith.subi %sub3A_1852, %sub3A_1857 : vector<16xi32>
    %select_n3A_1859 = arith.select %ge3A_1855, %sub3A_1858, %sub3A_1852 : vector<16xi1>, vector<16xi32>
    %shift_left3A_1860 = arith.constant 10 : i32
    %shift_left3A_1861 = vector.broadcast %shift_left3A_1860 : i32 to vector<16xi32>
    %shift_left3A_1862 = arith.shli %sub3A_1848, %shift_left3A_1861 : vector<16xi32>
    %add3A_1863 = arith.addi %shift_left3A_1862, %select_n3A_1859 : vector<16xi32>
    %shift_left3A_1864 = arith.constant 1 : i32
    %shift_left3A_1865 = vector.broadcast %shift_left3A_1864 : i32 to vector<16xi32>
    %shift_left3A_1866 = arith.shli %add3A_1863, %shift_left3A_1865 : vector<16xi32>
    %jit3A_1867 = arith.constant 1 : i32
    %jit3A_1868 = arith.constant 0 : i32
    %broadcast_in_dim3A_1869 = vector.broadcast %jit3A_1867 : i32 to vector<16xi32>
    %broadcast_in_dim3A_1870 = vector.broadcast %jit3A_1868 : i32 to vector<16xi32>
    %select_n3A_1871 = arith.select %ge3A_1855, %broadcast_in_dim3A_1869, %broadcast_in_dim3A_1870 : vector<16xi1>, vector<16xi32>
    %add3A_1872 = arith.addi %shift_left3A_1866, %select_n3A_1871 : vector<16xi32>
    %swap3A_1873 = arith.constant 3 : i32
    %swap3A_1874 = arith.index_cast %swap3A_1873 : i32 to index
    %swap3A_1875 = arith.constant 64 : index
    %swap3A_1876 = tpu.vector_load %arg5[%swap3A_1874, %swap3A_1875] {strides = array<i32>} : memref<4x128xi32, #tpu.memory_space<vmem>>, vector<1x16xi32>,
    %swap3A_1877 = vector.shape_cast %swap3A_1876 : vector<1x16xi32> to vector<16xi32>
    %swap3A_1878 = vector.shape_cast %add3A_1872 : vector<16xi32> to vector<1x16xi32>
    tpu.vector_store %arg5[%swap3A_1874, %swap3A_1875], %swap3A_1878 {strides = array<i32>} : memref<4x128xi32, #tpu.memory_space<vmem>>, vector<1x16xi32>,
    %get3A_1879 = arith.constant 3 : i32
    %get3A_1880 = arith.index_cast %get3A_1879 : i32 to index
    %get3A_1881 = arith.constant 80 : index
    %get3A_1882 = tpu.vector_load %arg5[%get3A_1880, %get3A_1881] {strides = array<i32>} : memref<4x128xi32, #tpu.memory_space<vmem>>, vector<1x16xi32>,
    %get3A_1883 = vector.shape_cast %get3A_1882 : vector<1x16xi32> to vector<16xi32>
    %shift_right_arithmetic3A_1884 = arith.constant 11 : i32
    %shift_right_arithmetic3A_1885 = vector.broadcast %shift_right_arithmetic3A_1884 : i32 to vector<16xi32>
    %shift_right_arithmetic3A_1886 = arith.shrsi %get3A_1883, %shift_right_arithmetic3A_1885 : vector<16xi32>
    %shift_left3A_1887 = arith.constant 13 : i32
    %shift_left3A_1888 = vector.broadcast %shift_left3A_1887 : i32 to vector<16xi32>
    %shift_left3A_1889 = arith.shli %shift_right_arithmetic3A_1886, %shift_left3A_1888 : vector<16xi32>
    %shift_left3A_1890 = arith.constant 10 : i32
    %shift_left3A_1891 = vector.broadcast %shift_left3A_1890 : i32 to vector<16xi32>
    %shift_left3A_1892 = arith.shli %shift_right_arithmetic3A_1886, %shift_left3A_1891 : vector<16xi32>
    %add3A_1893 = arith.addi %shift_left3A_1889, %shift_left3A_1892 : vector<16xi32>
    %shift_left3A_1894 = arith.constant 7 : i32
    %shift_left3A_1895 = vector.broadcast %shift_left3A_1894 : i32 to vector<16xi32>
    %shift_left3A_1896 = arith.shli %shift_right_arithmetic3A_1886, %shift_left3A_1895 : vector<16xi32>
    %add3A_1897 = arith.addi %add3A_1893, %shift_left3A_1896 : vector<16xi32>
    %shift_left3A_1898 = arith.constant 4 : i32
    %shift_left3A_1899 = vector.broadcast %shift_left3A_1898 : i32 to vector<16xi32>
    %shift_left3A_1900 = arith.shli %shift_right_arithmetic3A_1886, %shift_left3A_1899 : vector<16xi32>
    %add3A_1901 = arith.addi %add3A_1897, %shift_left3A_1900 : vector<16xi32>
    %shift_left3A_1902 = arith.constant 1 : i32
    %shift_left3A_1903 = vector.broadcast %shift_left3A_1902 : i32 to vector<16xi32>
    %shift_left3A_1904 = arith.shli %shift_right_arithmetic3A_1886, %shift_left3A_1903 : vector<16xi32>
    %add3A_1905 = arith.addi %add3A_1901, %shift_left3A_1904 : vector<16xi32>
    %add3A_1906 = arith.addi %add3A_1905, %shift_right_arithmetic3A_1886 : vector<16xi32>
    %shift_right_arithmetic3A_1907 = arith.constant 16 : i32
    %shift_right_arithmetic3A_1908 = vector.broadcast %shift_right_arithmetic3A_1907 : i32 to vector<16xi32>
    %shift_right_arithmetic3A_1909 = arith.shrsi %add3A_1906, %shift_right_arithmetic3A_1908 : vector<16xi32>
    %shift_left3A_1910 = arith.constant 3 : i32
    %shift_left3A_1911 = vector.broadcast %shift_left3A_1910 : i32 to vector<16xi32>
    %shift_left3A_1912 = arith.shli %shift_right_arithmetic3A_1909, %shift_left3A_1911 : vector<16xi32>
    %sub3A_1913 = arith.subi %shift_left3A_1912, %shift_right_arithmetic3A_1909 : vector<16xi32>
    %shift_left3A_1914 = arith.constant 11 : i32
    %shift_left3A_1915 = vector.broadcast %shift_left3A_1914 : i32 to vector<16xi32>
    %shift_left3A_1916 = arith.shli %sub3A_1913, %shift_left3A_1915 : vector<16xi32>
    %sub3A_1917 = arith.subi %get3A_1883, %shift_left3A_1916 : vector<16xi32>
    %ge3A_1918 = arith.constant 7168 : i32
    %ge3A_1919 = vector.broadcast %ge3A_1918 : i32 to vector<16xi32>
    %ge3A_1920 = arith.cmpi sge, %sub3A_1917, %ge3A_1919 : vector<16xi32>
    %sub3A_1921 = arith.constant 7168 : i32
    %sub3A_1922 = vector.broadcast %sub3A_1921 : i32 to vector<16xi32>
    %sub3A_1923 = arith.subi %sub3A_1917, %sub3A_1922 : vector<16xi32>
    %select_n3A_1924 = arith.select %ge3A_1920, %sub3A_1923, %sub3A_1917 : vector<16xi1>, vector<16xi32>
    %shift_left3A_1925 = arith.constant 10 : i32
    %shift_left3A_1926 = vector.broadcast %shift_left3A_1925 : i32 to vector<16xi32>
    %shift_left3A_1927 = arith.shli %sub3A_1913, %shift_left3A_1926 : vector<16xi32>
    %add3A_1928 = arith.addi %shift_left3A_1927, %select_n3A_1924 : vector<16xi32>
    %shift_left3A_1929 = arith.constant 1 : i32
    %shift_left3A_1930 = vector.broadcast %shift_left3A_1929 : i32 to vector<16xi32>
    %shift_left3A_1931 = arith.shli %add3A_1928, %shift_left3A_1930 : vector<16xi32>
    %jit3A_1932 = arith.constant 1 : i32
    %jit3A_1933 = arith.constant 0 : i32
    %broadcast_in_dim3A_1934 = vector.broadcast %jit3A_1932 : i32 to vector<16xi32>
    %broadcast_in_dim3A_1935 = vector.broadcast %jit3A_1933 : i32 to vector<16xi32>
    %select_n3A_1936 = arith.select %ge3A_1920, %broadcast_in_dim3A_1934, %broadcast_in_dim3A_1935 : vector<16xi1>, vector<16xi32>
    %add3A_1937 = arith.addi %shift_left3A_1931, %select_n3A_1936 : vector<16xi32>
    %swap3A_1938 = arith.constant 3 : i32
    %swap3A_1939 = arith.index_cast %swap3A_1938 : i32 to index
    %swap3A_1940 = arith.constant 80 : index
    %swap3A_1941 = tpu.vector_load %arg5[%swap3A_1939, %swap3A_1940] {strides = array<i32>} : memref<4x128xi32, #tpu.memory_space<vmem>>, vector<1x16xi32>,
    %swap3A_1942 = vector.shape_cast %swap3A_1941 : vector<1x16xi32> to vector<16xi32>
    %swap3A_1943 = vector.shape_cast %add3A_1937 : vector<16xi32> to vector<1x16xi32>
    tpu.vector_store %arg5[%swap3A_1939, %swap3A_1940], %swap3A_1943 {strides = array<i32>} : memref<4x128xi32, #tpu.memory_space<vmem>>, vector<1x16xi32>,
    %get3A_1944 = arith.constant 3 : i32
    %get3A_1945 = arith.index_cast %get3A_1944 : i32 to index
    %get3A_1946 = arith.constant 96 : index
    %get3A_1947 = tpu.vector_load %arg5[%get3A_1945, %get3A_1946] {strides = array<i32>} : memref<4x128xi32, #tpu.memory_space<vmem>>, vector<1x16xi32>,
    %get3A_1948 = vector.shape_cast %get3A_1947 : vector<1x16xi32> to vector<16xi32>
    %shift_right_arithmetic3A_1949 = arith.constant 11 : i32
    %shift_right_arithmetic3A_1950 = vector.broadcast %shift_right_arithmetic3A_1949 : i32 to vector<16xi32>
    %shift_right_arithmetic3A_1951 = arith.shrsi %get3A_1948, %shift_right_arithmetic3A_1950 : vector<16xi32>
    %shift_left3A_1952 = arith.constant 13 : i32
    %shift_left3A_1953 = vector.broadcast %shift_left3A_1952 : i32 to vector<16xi32>
    %shift_left3A_1954 = arith.shli %shift_right_arithmetic3A_1951, %shift_left3A_1953 : vector<16xi32>
    %shift_left3A_1955 = arith.constant 10 : i32
    %shift_left3A_1956 = vector.broadcast %shift_left3A_1955 : i32 to vector<16xi32>
    %shift_left3A_1957 = arith.shli %shift_right_arithmetic3A_1951, %shift_left3A_1956 : vector<16xi32>
    %add3A_1958 = arith.addi %shift_left3A_1954, %shift_left3A_1957 : vector<16xi32>
    %shift_left3A_1959 = arith.constant 7 : i32
    %shift_left3A_1960 = vector.broadcast %shift_left3A_1959 : i32 to vector<16xi32>
    %shift_left3A_1961 = arith.shli %shift_right_arithmetic3A_1951, %shift_left3A_1960 : vector<16xi32>
    %add3A_1962 = arith.addi %add3A_1958, %shift_left3A_1961 : vector<16xi32>
    %shift_left3A_1963 = arith.constant 4 : i32
    %shift_left3A_1964 = vector.broadcast %shift_left3A_1963 : i32 to vector<16xi32>
    %shift_left3A_1965 = arith.shli %shift_right_arithmetic3A_1951, %shift_left3A_1964 : vector<16xi32>
    %add3A_1966 = arith.addi %add3A_1962, %shift_left3A_1965 : vector<16xi32>
    %shift_left3A_1967 = arith.constant 1 : i32
    %shift_left3A_1968 = vector.broadcast %shift_left3A_1967 : i32 to vector<16xi32>
    %shift_left3A_1969 = arith.shli %shift_right_arithmetic3A_1951, %shift_left3A_1968 : vector<16xi32>
    %add3A_1970 = arith.addi %add3A_1966, %shift_left3A_1969 : vector<16xi32>
    %add3A_1971 = arith.addi %add3A_1970, %shift_right_arithmetic3A_1951 : vector<16xi32>
    %shift_right_arithmetic3A_1972 = arith.constant 16 : i32
    %shift_right_arithmetic3A_1973 = vector.broadcast %shift_right_arithmetic3A_1972 : i32 to vector<16xi32>
    %shift_right_arithmetic3A_1974 = arith.shrsi %add3A_1971, %shift_right_arithmetic3A_1973 : vector<16xi32>
    %shift_left3A_1975 = arith.constant 3 : i32
    %shift_left3A_1976 = vector.broadcast %shift_left3A_1975 : i32 to vector<16xi32>
    %shift_left3A_1977 = arith.shli %shift_right_arithmetic3A_1974, %shift_left3A_1976 : vector<16xi32>
    %sub3A_1978 = arith.subi %shift_left3A_1977, %shift_right_arithmetic3A_1974 : vector<16xi32>
    %shift_left3A_1979 = arith.constant 11 : i32
    %shift_left3A_1980 = vector.broadcast %shift_left3A_1979 : i32 to vector<16xi32>
    %shift_left3A_1981 = arith.shli %sub3A_1978, %shift_left3A_1980 : vector<16xi32>
    %sub3A_1982 = arith.subi %get3A_1948, %shift_left3A_1981 : vector<16xi32>
    %ge3A_1983 = arith.constant 7168 : i32
    %ge3A_1984 = vector.broadcast %ge3A_1983 : i32 to vector<16xi32>
    %ge3A_1985 = arith.cmpi sge, %sub3A_1982, %ge3A_1984 : vector<16xi32>
    %sub3A_1986 = arith.constant 7168 : i32
    %sub3A_1987 = vector.broadcast %sub3A_1986 : i32 to vector<16xi32>
    %sub3A_1988 = arith.subi %sub3A_1982, %sub3A_1987 : vector<16xi32>
    %select_n3A_1989 = arith.select %ge3A_1985, %sub3A_1988, %sub3A_1982 : vector<16xi1>, vector<16xi32>
    %shift_left3A_1990 = arith.constant 10 : i32
    %shift_left3A_1991 = vector.broadcast %shift_left3A_1990 : i32 to vector<16xi32>
    %shift_left3A_1992 = arith.shli %sub3A_1978, %shift_left3A_1991 : vector<16xi32>
    %add3A_1993 = arith.addi %shift_left3A_1992, %select_n3A_1989 : vector<16xi32>
    %shift_left3A_1994 = arith.constant 1 : i32
    %shift_left3A_1995 = vector.broadcast %shift_left3A_1994 : i32 to vector<16xi32>
    %shift_left3A_1996 = arith.shli %add3A_1993, %shift_left3A_1995 : vector<16xi32>
    %jit3A_1997 = arith.constant 1 : i32
    %jit3A_1998 = arith.constant 0 : i32
    %broadcast_in_dim3A_1999 = vector.broadcast %jit3A_1997 : i32 to vector<16xi32>
    %broadcast_in_dim3A_2000 = vector.broadcast %jit3A_1998 : i32 to vector<16xi32>
    %select_n3A_2001 = arith.select %ge3A_1985, %broadcast_in_dim3A_1999, %broadcast_in_dim3A_2000 : vector<16xi1>, vector<16xi32>
    %add3A_2002 = arith.addi %shift_left3A_1996, %select_n3A_2001 : vector<16xi32>
    %swap3A_2003 = arith.constant 3 : i32
    %swap3A_2004 = arith.index_cast %swap3A_2003 : i32 to index
    %swap3A_2005 = arith.constant 96 : index
    %swap3A_2006 = tpu.vector_load %arg5[%swap3A_2004, %swap3A_2005] {strides = array<i32>} : memref<4x128xi32, #tpu.memory_space<vmem>>, vector<1x16xi32>,
    %swap3A_2007 = vector.shape_cast %swap3A_2006 : vector<1x16xi32> to vector<16xi32>
    %swap3A_2008 = vector.shape_cast %add3A_2002 : vector<16xi32> to vector<1x16xi32>
    tpu.vector_store %arg5[%swap3A_2004, %swap3A_2005], %swap3A_2008 {strides = array<i32>} : memref<4x128xi32, #tpu.memory_space<vmem>>, vector<1x16xi32>,
    %get3A_2009 = arith.constant 3 : i32
    %get3A_2010 = arith.index_cast %get3A_2009 : i32 to index
    %get3A_2011 = arith.constant 112 : index
    %get3A_2012 = tpu.vector_load %arg5[%get3A_2010, %get3A_2011] {strides = array<i32>} : memref<4x128xi32, #tpu.memory_space<vmem>>, vector<1x16xi32>,
    %get3A_2013 = vector.shape_cast %get3A_2012 : vector<1x16xi32> to vector<16xi32>
    %shift_right_arithmetic3A_2014 = arith.constant 11 : i32
    %shift_right_arithmetic3A_2015 = vector.broadcast %shift_right_arithmetic3A_2014 : i32 to vector<16xi32>
    %shift_right_arithmetic3A_2016 = arith.shrsi %get3A_2013, %shift_right_arithmetic3A_2015 : vector<16xi32>
    %shift_left3A_2017 = arith.constant 13 : i32
    %shift_left3A_2018 = vector.broadcast %shift_left3A_2017 : i32 to vector<16xi32>
    %shift_left3A_2019 = arith.shli %shift_right_arithmetic3A_2016, %shift_left3A_2018 : vector<16xi32>
    %shift_left3A_2020 = arith.constant 10 : i32
    %shift_left3A_2021 = vector.broadcast %shift_left3A_2020 : i32 to vector<16xi32>
    %shift_left3A_2022 = arith.shli %shift_right_arithmetic3A_2016, %shift_left3A_2021 : vector<16xi32>
    %add3A_2023 = arith.addi %shift_left3A_2019, %shift_left3A_2022 : vector<16xi32>
    %shift_left3A_2024 = arith.constant 7 : i32
    %shift_left3A_2025 = vector.broadcast %shift_left3A_2024 : i32 to vector<16xi32>
    %shift_left3A_2026 = arith.shli %shift_right_arithmetic3A_2016, %shift_left3A_2025 : vector<16xi32>
    %add3A_2027 = arith.addi %add3A_2023, %shift_left3A_2026 : vector<16xi32>
    %shift_left3A_2028 = arith.constant 4 : i32
    %shift_left3A_2029 = vector.broadcast %shift_left3A_2028 : i32 to vector<16xi32>
    %shift_left3A_2030 = arith.shli %shift_right_arithmetic3A_2016, %shift_left3A_2029 : vector<16xi32>
    %add3A_2031 = arith.addi %add3A_2027, %shift_left3A_2030 : vector<16xi32>
    %shift_left3A_2032 = arith.constant 1 : i32
    %shift_left3A_2033 = vector.broadcast %shift_left3A_2032 : i32 to vector<16xi32>
    %shift_left3A_2034 = arith.shli %shift_right_arithmetic3A_2016, %shift_left3A_2033 : vector<16xi32>
    %add3A_2035 = arith.addi %add3A_2031, %shift_left3A_2034 : vector<16xi32>
    %add3A_2036 = arith.addi %add3A_2035, %shift_right_arithmetic3A_2016 : vector<16xi32>
    %shift_right_arithmetic3A_2037 = arith.constant 16 : i32
    %shift_right_arithmetic3A_2038 = vector.broadcast %shift_right_arithmetic3A_2037 : i32 to vector<16xi32>
    %shift_right_arithmetic3A_2039 = arith.shrsi %add3A_2036, %shift_right_arithmetic3A_2038 : vector<16xi32>
    %shift_left3A_2040 = arith.constant 3 : i32
    %shift_left3A_2041 = vector.broadcast %shift_left3A_2040 : i32 to vector<16xi32>
    %shift_left3A_2042 = arith.shli %shift_right_arithmetic3A_2039, %shift_left3A_2041 : vector<16xi32>
    %sub3A_2043 = arith.subi %shift_left3A_2042, %shift_right_arithmetic3A_2039 : vector<16xi32>
    %shift_left3A_2044 = arith.constant 11 : i32
    %shift_left3A_2045 = vector.broadcast %shift_left3A_2044 : i32 to vector<16xi32>
    %shift_left3A_2046 = arith.shli %sub3A_2043, %shift_left3A_2045 : vector<16xi32>
    %sub3A_2047 = arith.subi %get3A_2013, %shift_left3A_2046 : vector<16xi32>
    %ge3A_2048 = arith.constant 7168 : i32
    %ge3A_2049 = vector.broadcast %ge3A_2048 : i32 to vector<16xi32>
    %ge3A_2050 = arith.cmpi sge, %sub3A_2047, %ge3A_2049 : vector<16xi32>
    %sub3A_2051 = arith.constant 7168 : i32
    %sub3A_2052 = vector.broadcast %sub3A_2051 : i32 to vector<16xi32>
    %sub3A_2053 = arith.subi %sub3A_2047, %sub3A_2052 : vector<16xi32>
    %select_n3A_2054 = arith.select %ge3A_2050, %sub3A_2053, %sub3A_2047 : vector<16xi1>, vector<16xi32>
    %shift_left3A_2055 = arith.constant 10 : i32
    %shift_left3A_2056 = vector.broadcast %shift_left3A_2055 : i32 to vector<16xi32>
    %shift_left3A_2057 = arith.shli %sub3A_2043, %shift_left3A_2056 : vector<16xi32>
    %add3A_2058 = arith.addi %shift_left3A_2057, %select_n3A_2054 : vector<16xi32>
    %shift_left3A_2059 = arith.constant 1 : i32
    %shift_left3A_2060 = vector.broadcast %shift_left3A_2059 : i32 to vector<16xi32>
    %shift_left3A_2061 = arith.shli %add3A_2058, %shift_left3A_2060 : vector<16xi32>
    %jit3A_2062 = arith.constant 1 : i32
    %jit3A_2063 = arith.constant 0 : i32
    %broadcast_in_dim3A_2064 = vector.broadcast %jit3A_2062 : i32 to vector<16xi32>
    %broadcast_in_dim3A_2065 = vector.broadcast %jit3A_2063 : i32 to vector<16xi32>
    %select_n3A_2066 = arith.select %ge3A_2050, %broadcast_in_dim3A_2064, %broadcast_in_dim3A_2065 : vector<16xi1>, vector<16xi32>
    %add3A_2067 = arith.addi %shift_left3A_2061, %select_n3A_2066 : vector<16xi32>
    %swap3A_2068 = arith.constant 3 : i32
    %swap3A_2069 = arith.index_cast %swap3A_2068 : i32 to index
    %swap3A_2070 = arith.constant 112 : index
    %swap3A_2071 = tpu.vector_load %arg5[%swap3A_2069, %swap3A_2070] {strides = array<i32>} : memref<4x128xi32, #tpu.memory_space<vmem>>, vector<1x16xi32>,
    %swap3A_2072 = vector.shape_cast %swap3A_2071 : vector<1x16xi32> to vector<16xi32>
    %swap3A_2073 = vector.shape_cast %add3A_2067 : vector<16xi32> to vector<1x16xi32>
    tpu.vector_store %arg5[%swap3A_2069, %swap3A_2070], %swap3A_2073 {strides = array<i32>} : memref<4x128xi32, #tpu.memory_space<vmem>>, vector<1x16xi32>,
    %dma_start3A = arith.constant 0 : i32
    %dma_start3A_2074 = arith.constant 0 : i32
    %dma_start3A_2075 = arith.constant 0 : i32
    %dma_start3A_2076 = tpu.memref_slice %arg6[%dma_start3A_2074, %dma_start3A_2075] : memref<512x64xf32, #tpu.memory_space<vmem>> -> memref<128x64xf32, #tpu.memory_space<vmem>>
    %dma_start3A_2077 = arith.constant 0 : i32
    %dma_start3A_2078 = tpu.memref_slice %arg5[%dma_start3A, %dma_start3A_2077] : memref<4x128xi32, #tpu.memory_space<vmem>> -> memref<1x128xi32, #tpu.memory_space<vmem>>
    %dma_start3A_2079 = tpu.memref_squeeze %dma_start3A_2078 : memref<1x128xi32, #tpu.memory_space<vmem>> -> memref<128xi32, #tpu.memory_space<vmem>>
    %dma_start3A_2080 = arith.constant 0 : i32
    %dma_start3A_2081 = arith.constant 0 : i32
    %dma_start3A_2082 = tpu.memref_slice %arg3[%dma_start3A_2080, %dma_start3A_2081] : memref<100352x64xf32, #tpu.memory_space<hbm>> -> memref<100352x64xf32, #tpu.memory_space<hbm>>
    tpu.enqueue_indirect_dma source(%dma_start3A_2082 : memref<100352x64xf32, #tpu.memory_space<hbm>>) target(%dma_start3A_2076 : memref<128x64xf32, #tpu.memory_space<vmem>>) offsets(%dma_start3A_2079 : memref<128xi32, #tpu.memory_space<vmem>>) semaphore(%arg7 : memref<!tpu.dma_semaphore, #tpu.memory_space<semaphore_mem>>)
    %dma_start3A_2083 = arith.constant 1 : i32
    %dma_start3A_2084 = arith.constant 128 : i32
    %dma_start3A_2085 = arith.constant 0 : i32
    %dma_start3A_2086 = tpu.memref_slice %arg6[%dma_start3A_2084, %dma_start3A_2085] : memref<512x64xf32, #tpu.memory_space<vmem>> -> memref<128x64xf32, #tpu.memory_space<vmem>>
    %dma_start3A_2087 = arith.constant 0 : i32
    %dma_start3A_2088 = tpu.memref_slice %arg5[%dma_start3A_2083, %dma_start3A_2087] : memref<4x128xi32, #tpu.memory_space<vmem>> -> memref<1x128xi32, #tpu.memory_space<vmem>>
    %dma_start3A_2089 = tpu.memref_squeeze %dma_start3A_2088 : memref<1x128xi32, #tpu.memory_space<vmem>> -> memref<128xi32, #tpu.memory_space<vmem>>
    %dma_start3A_2090 = arith.constant 0 : i32
    %dma_start3A_2091 = arith.constant 0 : i32
    %dma_start3A_2092 = tpu.memref_slice %arg3[%dma_start3A_2090, %dma_start3A_2091] : memref<100352x64xf32, #tpu.memory_space<hbm>> -> memref<100352x64xf32, #tpu.memory_space<hbm>>
    tpu.enqueue_indirect_dma source(%dma_start3A_2092 : memref<100352x64xf32, #tpu.memory_space<hbm>>) target(%dma_start3A_2086 : memref<128x64xf32, #tpu.memory_space<vmem>>) offsets(%dma_start3A_2089 : memref<128xi32, #tpu.memory_space<vmem>>) semaphore(%arg7 : memref<!tpu.dma_semaphore, #tpu.memory_space<semaphore_mem>>)
    %dma_start3A_2093 = arith.constant 2 : i32
    %dma_start3A_2094 = arith.constant 256 : i32
    %dma_start3A_2095 = arith.constant 0 : i32
    %dma_start3A_2096 = tpu.memref_slice %arg6[%dma_start3A_2094, %dma_start3A_2095] : memref<512x64xf32, #tpu.memory_space<vmem>> -> memref<128x64xf32, #tpu.memory_space<vmem>>
    %dma_start3A_2097 = arith.constant 0 : i32
    %dma_start3A_2098 = tpu.memref_slice %arg5[%dma_start3A_2093, %dma_start3A_2097] : memref<4x128xi32, #tpu.memory_space<vmem>> -> memref<1x128xi32, #tpu.memory_space<vmem>>
    %dma_start3A_2099 = tpu.memref_squeeze %dma_start3A_2098 : memref<1x128xi32, #tpu.memory_space<vmem>> -> memref<128xi32, #tpu.memory_space<vmem>>
    %dma_start3A_2100 = arith.constant 0 : i32
    %dma_start3A_2101 = arith.constant 0 : i32
    %dma_start3A_2102 = tpu.memref_slice %arg3[%dma_start3A_2100, %dma_start3A_2101] : memref<100352x64xf32, #tpu.memory_space<hbm>> -> memref<100352x64xf32, #tpu.memory_space<hbm>>
    tpu.enqueue_indirect_dma source(%dma_start3A_2102 : memref<100352x64xf32, #tpu.memory_space<hbm>>) target(%dma_start3A_2096 : memref<128x64xf32, #tpu.memory_space<vmem>>) offsets(%dma_start3A_2099 : memref<128xi32, #tpu.memory_space<vmem>>) semaphore(%arg7 : memref<!tpu.dma_semaphore, #tpu.memory_space<semaphore_mem>>)
    %dma_start3A_2103 = arith.constant 3 : i32
    %dma_start3A_2104 = arith.constant 384 : i32
    %dma_start3A_2105 = arith.constant 0 : i32
    %dma_start3A_2106 = tpu.memref_slice %arg6[%dma_start3A_2104, %dma_start3A_2105] : memref<512x64xf32, #tpu.memory_space<vmem>> -> memref<128x64xf32, #tpu.memory_space<vmem>>
    %dma_start3A_2107 = arith.constant 0 : i32
    %dma_start3A_2108 = tpu.memref_slice %arg5[%dma_start3A_2103, %dma_start3A_2107] : memref<4x128xi32, #tpu.memory_space<vmem>> -> memref<1x128xi32, #tpu.memory_space<vmem>>
    %dma_start3A_2109 = tpu.memref_squeeze %dma_start3A_2108 : memref<1x128xi32, #tpu.memory_space<vmem>> -> memref<128xi32, #tpu.memory_space<vmem>>
    %dma_start3A_2110 = arith.constant 0 : i32
    %dma_start3A_2111 = arith.constant 0 : i32
    %dma_start3A_2112 = tpu.memref_slice %arg3[%dma_start3A_2110, %dma_start3A_2111] : memref<100352x64xf32, #tpu.memory_space<hbm>> -> memref<100352x64xf32, #tpu.memory_space<hbm>>
    tpu.enqueue_indirect_dma source(%dma_start3A_2112 : memref<100352x64xf32, #tpu.memory_space<hbm>>) target(%dma_start3A_2106 : memref<128x64xf32, #tpu.memory_space<vmem>>) offsets(%dma_start3A_2109 : memref<128xi32, #tpu.memory_space<vmem>>) semaphore(%arg7 : memref<!tpu.dma_semaphore, #tpu.memory_space<semaphore_mem>>)
    %dma_wait3A = arith.constant 0 : i32
    %dma_wait3A_2113 = arith.constant 0 : i32
    %dma_wait3A_2114 = arith.constant 0 : i32
    %dma_wait3A_2115 = tpu.memref_slice %arg6[%dma_wait3A_2113, %dma_wait3A_2114] : memref<512x64xf32, #tpu.memory_space<vmem>> -> memref<128x64xf32, #tpu.memory_space<vmem>>
    %dma_wait3A_2116 = arith.constant 0 : i32
    %dma_wait3A_2117 = tpu.memref_slice %arg5[%dma_wait3A, %dma_wait3A_2116] : memref<4x128xi32, #tpu.memory_space<vmem>> -> memref<1x128xi32, #tpu.memory_space<vmem>>
    %dma_wait3A_2118 = tpu.memref_squeeze %dma_wait3A_2117 : memref<1x128xi32, #tpu.memory_space<vmem>> -> memref<128xi32, #tpu.memory_space<vmem>>
    %dma_wait3A_2119 = arith.constant 0 : i32
    %dma_wait3A_2120 = arith.constant 0 : i32
    %dma_wait3A_2121 = tpu.memref_slice %arg3[%dma_wait3A_2119, %dma_wait3A_2120] : memref<100352x64xf32, #tpu.memory_space<hbm>> -> memref<100352x64xf32, #tpu.memory_space<hbm>>
    tpu.wait_indirect_dma semaphore(%arg7 : memref<!tpu.dma_semaphore, #tpu.memory_space<semaphore_mem>>) src(%dma_wait3A_2121 : memref<100352x64xf32, #tpu.memory_space<hbm>>) dst(%dma_wait3A_2115 : memref<128x64xf32, #tpu.memory_space<vmem>>)
    %dma_wait3A_2122 = arith.constant 1 : i32
    %dma_wait3A_2123 = arith.constant 128 : i32
    %dma_wait3A_2124 = arith.constant 0 : i32
    %dma_wait3A_2125 = tpu.memref_slice %arg6[%dma_wait3A_2123, %dma_wait3A_2124] : memref<512x64xf32, #tpu.memory_space<vmem>> -> memref<128x64xf32, #tpu.memory_space<vmem>>
    %dma_wait3A_2126 = arith.constant 0 : i32
    %dma_wait3A_2127 = tpu.memref_slice %arg5[%dma_wait3A_2122, %dma_wait3A_2126] : memref<4x128xi32, #tpu.memory_space<vmem>> -> memref<1x128xi32, #tpu.memory_space<vmem>>
    %dma_wait3A_2128 = tpu.memref_squeeze %dma_wait3A_2127 : memref<1x128xi32, #tpu.memory_space<vmem>> -> memref<128xi32, #tpu.memory_space<vmem>>
    %dma_wait3A_2129 = arith.constant 0 : i32
    %dma_wait3A_2130 = arith.constant 0 : i32
    %dma_wait3A_2131 = tpu.memref_slice %arg3[%dma_wait3A_2129, %dma_wait3A_2130] : memref<100352x64xf32, #tpu.memory_space<hbm>> -> memref<100352x64xf32, #tpu.memory_space<hbm>>
    tpu.wait_indirect_dma semaphore(%arg7 : memref<!tpu.dma_semaphore, #tpu.memory_space<semaphore_mem>>) src(%dma_wait3A_2131 : memref<100352x64xf32, #tpu.memory_space<hbm>>) dst(%dma_wait3A_2125 : memref<128x64xf32, #tpu.memory_space<vmem>>)
    %dma_wait3A_2132 = arith.constant 2 : i32
    %dma_wait3A_2133 = arith.constant 256 : i32
    %dma_wait3A_2134 = arith.constant 0 : i32
    %dma_wait3A_2135 = tpu.memref_slice %arg6[%dma_wait3A_2133, %dma_wait3A_2134] : memref<512x64xf32, #tpu.memory_space<vmem>> -> memref<128x64xf32, #tpu.memory_space<vmem>>
    %dma_wait3A_2136 = arith.constant 0 : i32
    %dma_wait3A_2137 = tpu.memref_slice %arg5[%dma_wait3A_2132, %dma_wait3A_2136] : memref<4x128xi32, #tpu.memory_space<vmem>> -> memref<1x128xi32, #tpu.memory_space<vmem>>
    %dma_wait3A_2138 = tpu.memref_squeeze %dma_wait3A_2137 : memref<1x128xi32, #tpu.memory_space<vmem>> -> memref<128xi32, #tpu.memory_space<vmem>>
    %dma_wait3A_2139 = arith.constant 0 : i32
    %dma_wait3A_2140 = arith.constant 0 : i32
    %dma_wait3A_2141 = tpu.memref_slice %arg3[%dma_wait3A_2139, %dma_wait3A_2140] : memref<100352x64xf32, #tpu.memory_space<hbm>> -> memref<100352x64xf32, #tpu.memory_space<hbm>>
    tpu.wait_indirect_dma semaphore(%arg7 : memref<!tpu.dma_semaphore, #tpu.memory_space<semaphore_mem>>) src(%dma_wait3A_2141 : memref<100352x64xf32, #tpu.memory_space<hbm>>) dst(%dma_wait3A_2135 : memref<128x64xf32, #tpu.memory_space<vmem>>)
    %dma_wait3A_2142 = arith.constant 3 : i32
    %dma_wait3A_2143 = arith.constant 384 : i32
    %dma_wait3A_2144 = arith.constant 0 : i32
    %dma_wait3A_2145 = tpu.memref_slice %arg6[%dma_wait3A_2143, %dma_wait3A_2144] : memref<512x64xf32, #tpu.memory_space<vmem>> -> memref<128x64xf32, #tpu.memory_space<vmem>>
    %dma_wait3A_2146 = arith.constant 0 : i32
    %dma_wait3A_2147 = tpu.memref_slice %arg5[%dma_wait3A_2142, %dma_wait3A_2146] : memref<4x128xi32, #tpu.memory_space<vmem>> -> memref<1x128xi32, #tpu.memory_space<vmem>>
    %dma_wait3A_2148 = tpu.memref_squeeze %dma_wait3A_2147 : memref<1x128xi32, #tpu.memory_space<vmem>> -> memref<128xi32, #tpu.memory_space<vmem>>
    %dma_wait3A_2149 = arith.constant 0 : i32
    %dma_wait3A_2150 = arith.constant 0 : i32
    %dma_wait3A_2151 = tpu.memref_slice %arg3[%dma_wait3A_2149, %dma_wait3A_2150] : memref<100352x64xf32, #tpu.memory_space<hbm>> -> memref<100352x64xf32, #tpu.memory_space<hbm>>
    tpu.wait_indirect_dma semaphore(%arg7 : memref<!tpu.dma_semaphore, #tpu.memory_space<semaphore_mem>>) src(%dma_wait3A_2151 : memref<100352x64xf32, #tpu.memory_space<hbm>>) dst(%dma_wait3A_2145 : memref<128x64xf32, #tpu.memory_space<vmem>>)
    %jit3A_2152 = arith.constant 16 : i32
    %div3A = arith.divsi %add3A, %jit3A_2152 : i32
    %sign3A = arith.constant 0 : i32
    %sign3A_2153 = arith.cmpi sgt, %add3A, %sign3A : i32
    %sign3A_2154 = arith.extui %sign3A_2153 : i1 to i32
    %sign3A_2155 = arith.constant 0 : i32
    %sign3A_2156 = arith.cmpi slt, %add3A, %sign3A_2155 : i32
    %sign3A_2157 = arith.extui %sign3A_2156 : i1 to i32
    %sign3A_2158 = arith.subi %sign3A_2154, %sign3A_2157 : i32
    %sign3A_2159 = arith.constant 0 : i32
    %sign3A_2160 = arith.cmpi sgt, %jit3A_2152, %sign3A_2159 : i32
    %sign3A_2161 = arith.extui %sign3A_2160 : i1 to i32
    %sign3A_2162 = arith.constant 0 : i32
    %sign3A_2163 = arith.cmpi slt, %jit3A_2152, %sign3A_2162 : i32
    %sign3A_2164 = arith.extui %sign3A_2163 : i1 to i32
    %sign3A_2165 = arith.subi %sign3A_2161, %sign3A_2164 : i32
    %ne3A = arith.cmpi ne, %sign3A_2158, %sign3A_2165 : i32
    %rem3A = arith.remsi %add3A, %jit3A_2152 : i32
    %ne3A_2166 = arith.constant 0 : i32
    %ne3A_2167 = arith.cmpi ne, %rem3A, %ne3A_2166 : i32
    %and3A = arith.andi %ne3A, %ne3A_2167 : i1
    %sub3A_2168 = arith.constant 1 : i32
    %sub3A_2169 = arith.subi %div3A, %sub3A_2168 : i32
    %select_n3A_2170 = arith.select %and3A, %sub3A_2169, %div3A : i32
    %jit3A_2171 = arith.constant 16 : i32
    %eq3A = arith.constant 0 : i32
    %eq3A_2172 = arith.cmpi eq, %jit3A_2171, %eq3A : i32
    %jit3A_2173 = arith.constant 1 : i32
    %select_n3A_2174 = arith.select %eq3A_2172, %jit3A_2173, %jit3A_2171 : i32
    %rem3A_2175 = arith.remsi %add3A, %select_n3A_2174 : i32
    %ne3A_2176 = arith.constant 0 : i32
    %ne3A_2177 = arith.cmpi ne, %rem3A_2175, %ne3A_2176 : i32
    %lt3A = arith.constant 0 : i32
    %lt3A_2178 = arith.cmpi slt, %rem3A_2175, %lt3A : i32
    %lt3A_2179 = arith.constant 0 : i32
    %lt3A_2180 = arith.cmpi slt, %select_n3A_2174, %lt3A_2179 : i32
    %ne3A_2181 = arith.xori %lt3A_2178, %lt3A_2180 : i1
    %and3A_2182 = arith.andi %ne3A_2181, %ne3A_2177 : i1
    %add3A_2183 = arith.addi %rem3A_2175, %select_n3A_2174 : i32
    %select_n3A_2184 = arith.select %and3A_2182, %add3A_2183, %rem3A_2175 : i32
    %mul3A_2185 = arith.constant 512 : i32
    %mul3A_2186 = arith.muli %select_n3A_2184, %mul3A_2185 : i32
    %mul3A_2187 = arith.constant 64 : i32
    %mul3A_2188 = arith.muli %select_n3A_2170, %mul3A_2187 : i32
    "tpu.region"() ({
      %run_scoped3A = tpu.sem_alloc : memref<!tpu.dma_semaphore, #tpu.memory_space<semaphore_mem>>
      %dma_start3A_2189 = tpu.memref_slice %arg4[%mul3A_2186, %mul3A_2188] : memref<8192x128xf32, #tpu.memory_space<hbm>> -> memref<512x64xf32, #tpu.memory_space<hbm>>
      %dma_start3A_2190 = tpu.memref_slice %arg4[%mul3A_2186, %mul3A_2188] : memref<8192x128xf32, #tpu.memory_space<hbm>> -> memref<512x64xf32, #tpu.memory_space<hbm>>
      tpu.enqueue_dma source(%arg6 : memref<512x64xf32, #tpu.memory_space<vmem>>) target(%dma_start3A_2190 : memref<512x64xf32, #tpu.memory_space<hbm>>) target_semaphore(%run_scoped3A : memref<!tpu.dma_semaphore, #tpu.memory_space<semaphore_mem>>)
      %dma_wait3A_2191 = tpu.memref_slice %arg4[%mul3A_2186, %mul3A_2188] : memref<8192x128xf32, #tpu.memory_space<hbm>> -> memref<512x64xf32, #tpu.memory_space<hbm>>
      %dma_wait3A_2192 = tpu.memref_slice %arg4[%mul3A_2186, %mul3A_2188] : memref<8192x128xf32, #tpu.memory_space<hbm>> -> memref<512x64xf32, #tpu.memory_space<hbm>>
      tpu.wait_dma2 semaphore(%run_scoped3A : memref<!tpu.dma_semaphore, #tpu.memory_space<semaphore_mem>>) src(%arg6 : memref<512x64xf32, #tpu.memory_space<vmem>>) dst(%dma_wait3A_2192 : memref<512x64xf32, #tpu.memory_space<hbm>>)
      tpu.yield
    }) : () -> ()
    return
  }
}

module attributes {stable_mosaic.version = 14 : i64} {
  func.func @_fold_body(%arg0: i32, %arg1: memref<64x14336xf32, #tpu.memory_space<vmem>>, %arg2: memref<64x14336xf32, #tpu.memory_space<vmem>>, %arg3: memref<64x64xf32, #tpu.memory_space<vmem>>, %arg4: memref<1x64xf32, #tpu.memory_space<vmem>>, %arg5: memref<7168x128xf32, #tpu.memory_space<vmem>>) attributes {dimension_semantics = [#tpu.dimension_semantics<arbitrary>], iteration_bounds = array<i64: 7>, scalar_prefetch = 0 : i64, scratch_operands = 0 : i64, tpu.core_type = #tpu.core_type<tc>, window_params = [{transform_indices = @transform_0, window_bounds = array<i64: 64, 14336>}, {transform_indices = @transform_1, window_bounds = array<i64: 64, 14336>}, {pipeline_mode = #tpu.pipeline_mode<synchronous>, transform_indices = @transform_2, window_bounds = array<i64: 64, 64>}, {pipeline_mode = #tpu.pipeline_mode<synchronous>, transform_indices = @transform_3, window_bounds = array<i64: 1, 64>}, {transform_indices = @transform_4, window_bounds = array<i64: 7168, 128>}]} {
    %iota3A = tpu.iota {dimensions = array<i32: 0>} : vector<64x64xi32>
    %iota3A_0 = tpu.iota {dimensions = array<i32: 1>} : vector<64x64xi32>
    %eq3A = arith.cmpi eq, %iota3A, %iota3A_0 : vector<64x64xi32>
    %convert_element_type3A = arith.extui %eq3A : vector<64x64xi1> to vector<64x64xi32>
    %convert_element_type3A_1 = arith.sitofp %convert_element_type3A : vector<64x64xi32> to vector<64x64xf32>
    %get3A = arith.constant 0 : index
    %get3A_2 = arith.constant 0 : index
    %get3A_3 = vector.load %arg3[%get3A, %get3A_2] : memref<64x64xf32, #tpu.memory_space<vmem>>, vector<64x64xf32>
    %concatenate3A = tpu.concatenate %convert_element_type3A_1, %get3A_3 in 0 : vector<64x64xf32>, vector<64x64xf32> -> vector<128x64xf32>
    %get3A_4 = arith.constant 0 : index
    %get3A_5 = arith.constant 0 : index
    %get3A_6 = vector.load %arg1[%get3A_4, %get3A_5] : memref<64x14336xf32, #tpu.memory_space<vmem>>, vector<64x7168xf32>
    %get3A_7 = arith.constant 0 : index
    %get3A_8 = arith.constant 0 : index
    %get3A_9 = vector.load %arg2[%get3A_7, %get3A_8] : memref<64x14336xf32, #tpu.memory_space<vmem>>, vector<64x7168xf32>
    %concatenate3A_10 = tpu.concatenate %get3A_6, %get3A_9 in 0 : vector<64x7168xf32>, vector<64x7168xf32> -> vector<128x7168xf32>
    %get3A_11 = arith.constant 0 : index
    %get3A_12 = arith.constant 7168 : index
    %get3A_13 = vector.load %arg1[%get3A_11, %get3A_12] : memref<64x14336xf32, #tpu.memory_space<vmem>>, vector<64x7168xf32>
    %get3A_14 = arith.constant 0 : index
    %get3A_15 = arith.constant 7168 : index
    %get3A_16 = vector.load %arg2[%get3A_14, %get3A_15] : memref<64x14336xf32, #tpu.memory_space<vmem>>, vector<64x7168xf32>
    %concatenate3A_17 = tpu.concatenate %get3A_13, %get3A_16 in 0 : vector<64x7168xf32>, vector<64x7168xf32> -> vector<128x7168xf32>
    %get3A_18 = arith.constant 0 : index
    %get3A_19 = arith.constant 0 : index
    %get3A_20 = vector.load %arg4[%get3A_18, %get3A_19] : memref<1x64xf32, #tpu.memory_space<vmem>>, vector<1x64xf32>
    %dot_general3A = arith.constant dense<0.000000e+00> : vector<7168x64xf32>
    %dot_general3A_21 = tpu.matmul %concatenate3A_10, %concatenate3A, %dot_general3A {dimension_numbers = #tpu.dot_dimension_numbers<[0], [0], [1], [1], [0, 1, 1, 1], [], []>, transpose_lhs_hint = false} : vector<128x7168xf32>, vector<128x64xf32>, vector<7168x64xf32> -> vector<7168x64xf32>
    %add3A = vector.broadcast %get3A_20 : vector<1x64xf32> to vector<7168x64xf32>
    %add3A_22 = arith.addf %dot_general3A_21, %add3A : vector<7168x64xf32>
    %swap3A = arith.constant 0 : index
    %swap3A_23 = arith.constant 0 : index
    %swap3A_24 = vector.load %arg5[%swap3A, %swap3A_23] : memref<7168x128xf32, #tpu.memory_space<vmem>>, vector<7168x64xf32>
    tpu.vector_store %arg5[%swap3A, %swap3A_23], %add3A_22 {strides = array<i32>} : memref<7168x128xf32, #tpu.memory_space<vmem>>, vector<7168x64xf32>,
    %dot_general3A_25 = arith.constant dense<0.000000e+00> : vector<7168x64xf32>
    %dot_general3A_26 = tpu.matmul %concatenate3A_17, %concatenate3A, %dot_general3A_25 {dimension_numbers = #tpu.dot_dimension_numbers<[0], [0], [1], [1], [0, 1, 1, 1], [], []>, transpose_lhs_hint = false} : vector<128x7168xf32>, vector<128x64xf32>, vector<7168x64xf32> -> vector<7168x64xf32>
    %add3A_27 = vector.broadcast %get3A_20 : vector<1x64xf32> to vector<7168x64xf32>
    %add3A_28 = arith.addf %dot_general3A_26, %add3A_27 : vector<7168x64xf32>
    %swap3A_29 = arith.constant 0 : index
    %swap3A_30 = arith.constant 64 : index
    %swap3A_31 = vector.load %arg5[%swap3A_29, %swap3A_30] : memref<7168x128xf32, #tpu.memory_space<vmem>>, vector<7168x64xf32>
    tpu.vector_store %arg5[%swap3A_29, %swap3A_30], %add3A_28 {strides = array<i32>} : memref<7168x128xf32, #tpu.memory_space<vmem>>, vector<7168x64xf32>,
    return
  }
  func.func @transform_0(%arg0: i32) -> (i32, i32) {
    %c0_i32 = arith.constant 0 : i32
    %c0_i32_0 = arith.constant 0 : i32
    return %c0_i32, %arg0 : i32, i32
  }
  func.func @transform_1(%arg0: i32) -> (i32, i32) {
    %c0_i32 = arith.constant 0 : i32
    %c0_i32_0 = arith.constant 0 : i32
    return %c0_i32, %arg0 : i32, i32
  }
  func.func @transform_2(%arg0: i32) -> (i32, i32) {
    %c0_i32 = arith.constant 0 : i32
    %c0_i32_0 = arith.constant 0 : i32
    %c0_i32_1 = arith.constant 0 : i32
    return %c0_i32, %c0_i32_0 : i32, i32
  }
  func.func @transform_3(%arg0: i32) -> (i32, i32) {
    %c0_i32 = arith.constant 0 : i32
    %c0_i32_0 = arith.constant 0 : i32
    %c0_i32_1 = arith.constant 0 : i32
    return %c0_i32, %c0_i32_0 : i32, i32
  }
  func.func @transform_4(%arg0: i32) -> (i32, i32) {
    %c0_i32 = arith.constant 0 : i32
    %c0_i32_0 = arith.constant 0 : i32
    return %arg0, %c0_i32 : i32, i32
  }
}

module attributes {stable_mosaic.version = 14 : i64} {
  func.func @tr_body(%arg0: i32, %arg1: i32, %arg2: memref<8192x128xf32, #tpu.memory_space<vmem>>, %arg3: memref<64x8192xf32, #tpu.memory_space<vmem>>) attributes {dimension_semantics = [#tpu.dimension_semantics<arbitrary>, #tpu.dimension_semantics<arbitrary>], iteration_bounds = array<i64: 1, 2>, scalar_prefetch = 0 : i64, scratch_operands = 0 : i64, tpu.core_type = #tpu.core_type<tc>, window_params = [{transform_indices = @transform_0, window_bounds = array<i64: 8192, 128>}, {transform_indices = @transform_1, window_bounds = array<i64: 64, 8192>}]} {
    %get3A = arith.constant 0 : index
    %get3A_0 = arith.constant 0 : index
    %get3A_1 = vector.load %arg2[%get3A, %get3A_0] : memref<8192x128xf32, #tpu.memory_space<vmem>>, vector<8192x128xf32>
    %eq3A = arith.constant 0 : i32
    %eq3A_2 = arith.cmpi eq, %arg1, %eq3A : i32
    %slice3A = vector.extract_strided_slice %get3A_1 {offsets = [0, 0], sizes = [8192, 64], strides = [1, 1]} : vector<8192x128xf32> to vector<8192x64xf32>
    %slice3A_3 = vector.extract_strided_slice %get3A_1 {offsets = [0, 64], sizes = [8192, 64], strides = [1, 1]} : vector<8192x128xf32> to vector<8192x64xf32>
    %select_n3A = arith.select %eq3A_2, %slice3A, %slice3A_3 : vector<8192x64xf32>
    %transpose3A = tpu.transpose %select_n3A, [1, 0] : vector<8192x64xf32> -> vector<64x8192xf32>
    %swap3A = arith.constant 0 : index
    %swap3A_4 = arith.constant 0 : index
    %swap3A_5 = vector.load %arg3[%swap3A, %swap3A_4] : memref<64x8192xf32, #tpu.memory_space<vmem>>, vector<64x8192xf32>
    tpu.vector_store %arg3[%swap3A, %swap3A_4], %transpose3A {strides = array<i32>} : memref<64x8192xf32, #tpu.memory_space<vmem>>, vector<64x8192xf32>,
    return
  }
  func.func @transform_0(%arg0: i32, %arg1: i32) -> (i32, i32) {
    %c0_i32 = arith.constant 0 : i32
    %c0_i32_0 = arith.constant 0 : i32
    return %arg0, %c0_i32 : i32, i32
  }
  func.func @transform_1(%arg0: i32, %arg1: i32) -> (i32, i32) {
    %mul3A = arith.constant 1 : i32
    %mul3A_0 = arith.muli %arg1, %mul3A : i32
    %add3A = arith.addi %mul3A_0, %arg0 : i32
    %c0_i32 = arith.constant 0 : i32
    %c0_i32_1 = arith.constant 0 : i32
    return %c0_i32, %add3A : i32, i32
  }
}

</mosaic_0001>

<sc_bundles>
// kernel: kernel.5.cloned.1.call-start
scs
__scs_entry_jumppad:
0x0: {  	(pc) =	sbr.rel $0x88, $3  }
0x1: {  	(tag) =	ssettag $0x0;
	lr =	simm.s32 $0x1  }
0x2: {  	[smem:$0x3F9C] =	sst lr;
	_ =	strace $0xD0000000  }
0x3: {  	_ = 	snop  }
0x4: {  	_ = 	snop  }
0x5: {  	_ = 	snop  }
0x6: {  	_ = 	snop  }
0x7: {  	_ = 	snop  }
__scs_overlays_trampoline_lowered:
0x8: {  	[smem:$0x3FAB] =	sst s0  }
0x9: {  	[smem:$0x3FAC] =	sst s1  }
0xa: {  	[smem:$0x3FAD] =	sst s2  }
0xb: {  	[smem:$0x3FAE] =	sst s3  }
0xc: {  	[smem:$0x3FAF] =	sst s4  }
0xd: {  	[smem:$0x3FB0] =	sst s5  }
0xe: {  	[smem:$0x3FB1] =	sst s6  }
0xf: {  	[smem:$0x3FB2] =	sst s7  }
0x10: {  	[smem:$0x3FB3] =	sst s8  }
0x11: {  	[smem:$0x3FB4] =	sst s9;
	s0 =	simm.s32 @!p0 $0x0  }
0x12: {  	s1 =	sld [smem:$0x3F9A];
	s0 =	simm.s32 @p0 $0x1  }
0x13: {  	[smem:$0x3FB5] =	sst s0;
	s0 =	simm.s32 @!p1 $0x0  }
0x14: {  	s2 =	sld [smem:$0x3F99];
	s0 =	simm.s32 @p1 $0x1  }
0x15: {  	[smem:$0x3FB6] =	sst s0;
	s0 =	simm.s32 @!p2 $0x0  }
0x16: {  	s3 =	sld [smem:$0x3FDB];
	s0 =	simm.s32 @p2 $0x1  }
0x17: {  	s4 =	simm.s32 $0x1BF5;
	[smem:$0x3FB8] =	sst s0  }
0x18: {  	s0 =	sld [smem:$0x3F9B];
	_ =	swait.ge [sflag:s4], $0x0  }
0x19: {  	s7 =	sld [smem:$0x3F9C]  }
0x1a: {  	s8 =	sadd.s32 $0xFFFFE003, lr  }
0x1b: {  	s9 =	sadd.s32 $0xFFFFFEF7, lr;
	s5 =	simm.s32 $0xFFFFFFFF;
	p2 =	slt.u32 s8, $0xFFFFF086  }
0x1c: {  	p1 =	slt.u32 s9, $0xF7A;
	s5 =	simm.s32 @!p2 $0x0  }
0x1d: {  	s5 =	simm.s32 @p1 $0x1;
	p0 =	seq.s32 s7, s2  }
0x1e: {  	s7 =	smul.u32 @!p0 $0xF7A, s2;
	p2 =	seq.s32 @!p0 s5, $0x0  }
0x1f: {  	s9 =	smul.u32 $0xF7A, s1;
	s8 =	simm.s32 @!p0 $0x1BF5;
	p2 =	por !p2, p0  }
0x20: {  	[sflag:s8] =	ssyncset.s32 @!p0 $0xFFFFF086;
	s6 =	sadd.s32 @!p0 s3, s7;
	s7 =	simm.s32 @!p0 $0x108  }
0x21: {  	s3 =	sadd.s32 s3, s9;
	s6 =	sadd.s32 @!p0 $0x88, s6;
	s7 =	simm.s32 @p2 $0x1082  }
0x22: {  	[simem:s7], [sflag:s8] =	dma.local @!p0 [hbm:s6], $0xF7A  }
0x23: {  	s9 =	sor.u32 $0xD0000000, s2;
	s6 =	simm.s32 $0x108;
	_ =	swait.ge @!p0 [sflag:s8], $0x0  }
0x24: {  	s3 =	sadd.s32 $0x88, s3;
	s6 =	simm.s32 @!p1 $0x1082;
	[sflag:s4] =	ssyncset.s32 $0xFFFFF086  }
0x25: {  	[simem:s6], [sflag:s4] =	dma.local [hbm:s3], $0xF7A  }
0x26: {  	[smem:$0x3F9C] =	sst s1;
	(tag) =	ssettag s2;
	_ =	strace s9  }
0x27: {  	s1 =	sld [smem:$0x3FAC]  }
0x28: {  	s2 =	sld [smem:$0x3FAD]  }
0x29: {  	s4 =	sld [smem:$0x3FAF]  }
0x2a: {  	p0 =	seq.s32 s5, $0x0;
	s5 =	sld [smem:$0x3FB0]  }
0x2b: {  	s6 =	sld [smem:$0x3FB1]  }
0x2c: {  	s7 =	sld [smem:$0x3FB2]  }
0x2d: {  	s3 =	simm.s32 $0x108;
	s8 =	sld [smem:$0x3FB3]  }
0x2e: {  	s3 =	simm.s32 @!p0 $0x1082;
	s9 =	sld [smem:$0x3FB4]  }
0x2f: {  	lr =	sadd.s32 s0, s3;
	s0 =	sld [smem:$0x3FAB]  }
0x30: {  	s3 =	sld [smem:$0x3FAE]  }
0x31: {  	[smem:$0x3FB7] =	sst s10  }
0x32: {  	s10 =	sld [smem:$0x3FB5];
	_ =	sdelay $0x3  }
0x33: {  	p0 =	seq.s32 s10, $0x1;
	s10 =	sld [smem:$0x3FB7];
	_ =	sdelay $0x3  }
0x34: {  	[smem:$0x3FB7] =	sst s10  }
0x35: {  	s10 =	sld [smem:$0x3FB6];
	_ =	sdelay $0x3  }
0x36: {  	p1 =	seq.s32 s10, $0x1;
	s10 =	sld [smem:$0x3FB7];
	_ =	sdelay $0x3  }
0x37: {  	[smem:$0x3FB7] =	sst s10  }
0x38: {  	s10 =	sld [smem:$0x3FB8]  }
0x39: {  	_ = 	snop;
	(pc) =	sbr.ind lr, $3  }
0x3a: {  	_ = 	snop  }
0x3b: {  	_ = 	snop  }
0x3c: {  	p2 =	seq.s32 s10, $0x1;
	s10 =	sld [smem:$0x3FB7]  }
0x3d: {  	_ =	shalt  }
0x3e: {  	_ =	shalt  }
0x3f: {  	_ =	shalt  }
0x40: {  	_ =	shalt  }
0x41: {  	_ =	shalt  }
0x42: {  	_ =	shalt  }
0x43: {  	_ =	shalt  }
0x44: {  	_ =	shalt  }
0x45: {  	_ =	shalt  }
0x46: {  	_ =	shalt  }
0x47: {  	_ =	shalt  }
0x48: {  	_ =	shalt  }
0x49: {  	_ =	shalt  }
0x4a: {  	_ =	shalt  }
0x4b: {  	_ =	shalt  }
0x4c: {  	_ =	shalt  }
0x4d: {  	_ =	shalt  }
0x4e: {  	_ =	shalt  }
0x4f: {  	_ =	shalt  }
0x50: {  	_ =	shalt  }
0x51: {  	_ =	shalt  }
0x52: {  	_ =	shalt  }
0x53: {  	_ =	shalt  }
0x54: {  	_ =	shalt  }
0x55: {  	_ =	shalt  }
0x56: {  	_ =	shalt  }
0x57: {  	_ =	shalt  }
0x58: {  	_ =	shalt  }
0x59: {  	_ =	shalt  }
0x5a: {  	_ =	shalt  }
0x5b: {  	_ =	shalt  }
0x5c: {  	_ =	shalt  }
0x5d: {  	_ =	shalt  }
0x5e: {  	_ =	shalt  }
0x5f: {  	_ =	shalt  }
0x60: {  	_ =	shalt  }
0x61: {  	_ =	shalt  }
0x62: {  	_ =	shalt  }
0x63: {  	_ =	shalt  }
0x64: {  	_ =	shalt  }
0x65: {  	_ =	shalt  }
0x66: {  	_ =	shalt  }
0x67: {  	_ =	shalt  }
0x68: {  	_ =	shalt  }
0x69: {  	_ =	shalt  }
0x6a: {  	_ =	shalt  }
0x6b: {  	_ =	shalt  }
0x6c: {  	_ =	shalt  }
0x6d: {  	_ =	shalt  }
0x6e: {  	_ =	shalt  }
0x6f: {  	_ =	shalt  }
0x70: {  	_ =	shalt  }
0x71: {  	_ =	shalt  }
0x72: {  	_ =	shalt  }
0x73: {  	_ =	shalt  }
0x74: {  	_ =	shalt  }
0x75: {  	_ =	shalt  }
0x76: {  	_ =	shalt  }
0x77: {  	_ =	shalt  }
0x78: {  	_ =	shalt  }
0x79: {  	_ =	shalt  }
0x7a: {  	_ =	shalt  }
0x7b: {  	_ =	shalt  }
0x7c: {  	_ =	shalt  }
0x7d: {  	_ =	shalt  }
0x7e: {  	_ =	shalt  }
0x7f: {  	_ =	shalt  }
0x80: {  	_ =	shalt  }
0x81: {  	_ =	shalt  }
0x82: {  	_ =	shalt  }
0x83: {  	_ =	shalt  }
0x84: {  	_ =	shalt  }
0x85: {  	_ =	shalt  }
0x86: {  	_ =	shalt  }
0x87: {  	_ =	shalt  }
.Lfunc_end0:
.L_simem_size_0:
called_computation_lowered:
.L_overlay_start_0:
0x88: {  	s2 =	sld [smem:$0x3FD9]  }
0x89: {  	s3 =	sld [smem:$0x3FFE];
	_ =	sdelay $0x1  }
0x8a: {  	s1 =	srdreg.scid  }
0x8b: {  	s0 =	sand.u32 $0x1, s1  }
0x8c: {  	s17 =	sshll.u32 s0, $0xA;
	s2 =	sadd.s32 s3, s2  }
0x8d: {  	s2 =	sadd.s32 s2, s17  }
0x8e: {  	[smem:$0x3FC3] =	sst s2  }
0x8f: {  	_ = 	snop  }
0x90: {  	s2 =	sld [smem:$0x3FC9]  }
0x91: {  	s18 =	sld [smem:$0x3FD0];
	(tm) =	ssettm $0x1  }
0x92: {  	s4 =	sld [smem:$0x3FFB];
	_ =	sdelay $0x3  }
0x93: {  	_ =	strace s4  }
0x94: {  	s4 =	sld [smem:$0x3FFC];
	_ =	sdelay $0x3  }
0x95: {  	_ =	strace s4  }
0x96: {  	s4 =	sld [smem:$0x3FFD];
	_ =	sdelay $0x3  }
0x97: {  	_ =	strace s4  }
0x98: {  	_ =	strace $0x8FFFFFFF  }
0x99: {  	s19 =	sld [smem:$0x3FDB];
	_ =	sdelay $0x1  }
0x9a: {  	s5 =	simm.s32 $_scs_section_size  }
0x9b: {  	s6 =	simm.s32 $_size__tile_overlayer_lowered;
	s7 =	simm.s32 $_tile_overlayer_lowered  }
0x9c: {  	s22 =	simm.s32 $0x1BFF;
	s21 =	sshll.u32 s7, $0x1;
	s4 =	sadd.s32 s5, s19  }
0x9d: {  	s8 =	simm.s32 $0x0;
	s20 =	sshll.u32 s6, $0x1;
	s6 =	sadd.s32 s21, s4  }
0x9e: {  	[timem:s8], [sflag:s22] =	dma.local [hbm:s6], s20  }
0x9f: {  	_ =	swait.ge [sflag:s22], s20  }
0xa0: {  	s5 =	ssub.s32 $0x0, s20;
	[sflag:s22] =	ssyncset.done $0x0  }
0xa1: {  	[sflag:s22] =	ssyncadd.s32 s5;
	_ =	sdelay $0x1  }
0xa2: {  	s23 =	simm.s32 $0x1B8B  }
0xa3: {  	_ =	swait.ge [sflag:s23], $0x1  }
0xa4: {  	[sflag:s23] =	ssyncset.done $0x0  }
0xa5: {  	s25 =	simm.s32 $0x1B8E;
	s24 =	sld [smem:$0x3FFE];
	[sflag:s23] =	ssyncadd.s32 $0xFFFFFFFF  }
0xa6: {  	s26 =	simm.s32 $execute0_lowered;
	[smem:$0x3FD2] =	sst s25  }
0xa7: {  	s6 =	sshll.u32 s26, $0x1;
	_ =	strace $0x80000046;
	[dreg:$0x1] =	wrdreg $0xFFFFFFFF  }
0xa8: {  	s28 =	simm.s32 $_size_execute0_lowered;
	s4 =	sadd.s32 s4, s6;
	[dreg:$0x0] =	wrdreg $0x0  }
0xa9: {  	s6 =	sshll.u32 s28, $0x1;
	[dreg:$0x2] =	wrdreg s4  }
0xaa: {  	[dreg:$0x3] =	wrdreg s6  }
0xab: {  	[dreg:$0x4] =	wrdreg $0xC0  }
0xac: {  	_ =	task [dreg:s8], $0x5FFFF  }
0xad: {  	[dreg:$0x1] =	wrdreg $0xFFFFFFFF  }
0xae: {  	[dreg:$0x0] =	wrdreg $0x60  }
0xaf: {  	[dreg:$0x2] =	wrdreg s2  }
0xb0: {  	[dreg:$0x3] =	wrdreg s24  }
0xb1: {  	[dreg:$0x4] =	wrdreg s18  }
0xb2: {  	[dreg:$0x5] =	wrdreg $0x9  }
0xb3: {  	_ =	task.clear_ibuf [dreg:s8], $0x6FFFF;
	_ =	strace $0x90000046  }
0xb4: {  	s29 =	simm.s32 $0x9;
	_ =	strace $0x80000048  }
0xb5: {  	_ =	swait.ge [sflag:s29], $0x1  }
0xb6: {  	[sflag:s29] =	ssyncadd.s32 $0xFFFFFFFF  }
0xb7: {  	_ =	strace $0x90000048  }
0xb8: {  	_ =	sfence  }
0xb9: {  	s30 =	sld [smem:$0x0];
	_ =	sdelay $0x2  }
0xba: {  	s31 =	sshll.u32 s1, $0xD;
	s1 =	sshrl.u32 s1, $0x2  }
0xbb: {  	s3 =	sand.u32 $0x4000, s31;
	s1 =	sadd.s32 s1, s30  }
0xbc: {  	s0 =	sor.u32 s3, s0;
	s1 =	sshll.u32 s1, $0x11  }
0xbd: {  	s0 =	sor.u32 s1, s0  }
0xbe: {  	s0 =	sadd.s32 $0x8F2B, s0  }
0xbf: {  	[sflag:s0] =	ssyncadd.remote.s32 $0x1  }
0xc0: {  	_ =	sfence.sel $0xFFFF  }
0xc1: {  	[dreg:$0x0] =	wrdreg $0xFFFFFFFF;
	(pc) =	sbr.abs _section_cstart, $3  }
0xc2: {  	[dreg:$0x1] =	wrdreg $0xFFFFFFFF  }
0xc3: {  	_ =	task.clear_ibuf [dreg:s8], $0x2FFFF;
	_ =	strace $0x9FFFFFFF  }
0xc4: {  	(tm) =	ssettm $0x7FFFFFFF  }
0xc5: {  	_ =	shalt  }
tec
execute0_lowered:
.L_overlay_start_1:
0x0: {  	(tag) =	ssettag $0x1  }
0x1: {  	s4 =	rddreg [dreg:$0x0]  }
0x2: {  	s3 =	rddreg [dreg:$0x1]  }
0x3: {  	s5 =	rddreg [dreg:$0x2];
	s1 =	srdreg.scid  }
0x4: {  	s0 =	rddreg [dreg:$0x3];
	s2 =	simm.s32 $0x0;
	s10 =	simm.s32 $0x2200  }
0x5: {  	s11 =	simm.s32 $0x100;
	s12 =	simm.s32 $0x4200;
	s13 =	simm.s32 $0x180  }
0x6: {  	s14 =	simm.s32 $0x6200;
	s15 =	simm.s32 $0x1;
	s16 =	simm.s32 $0x40  }
0x7: {  	s6 =	sand.u32 $0x1, s1;
	[smem:$0x7FF] =	sst s2;
	s1 =	stileid.u32  }
0x8: {  	s3 =	sadd.s32 $0xA00, s3;
	s7 =	ssub.s32 $0x2, s6;
	_ =	strace $0x80000047  }
0x9: {  	s9 =	sshll.u32 s1, $0x1;
	s31 =	sand.u32 $0x8, s1;
	s8 =	sshrl.u32 s7, $0x1  }
0xa: {  	s6 =	sor.u32 s6, s9;
	s5 =	sadd.s32 s5, s31;
	s9 =	simm.s32 $0x200  }
0xb: {  	s7 =	ssub.s32 s7, s8;
	s30 =	sshll.u32 s6, $0x6;
	s6 =	sshll.u32 s6, $0xD  }
0xc: {  	s8 =	simm.s32 $0x80;
	s4 =	sadd.s32 s4, s30;
	s6 =	sand.u32 $0x1E000, s6  }
0xd: {  	v0 =	vimm.s32 $0x0;
	s5 =	sadd.s32 s6, s5;
	s6 =	smax.u32 s7, $0x1;
	s7 =	simm.s32 $0x2  }
.LBB2_1:
0xe: {  	[tilespmem:s2], [sflag:$0x2] =	stream.linear.gather [hbm4b:s4+s2], $0x200, $0x38;
	[tilespmem:$0x8200] =	vst v63  }
0xf: {  	_ =	swait.ge [sflag:s7], $0x200  }
0x10: {  	[sflag:s7] =	ssyncset.done $0x0  }
0x11: {  	[sflag:s7] =	ssyncadd.s32 $0xFFFFFE00  }
0x12: {  	v1 =	vld [tilespmem:$0x0]  }
0x13: {  	v2 =	vld [tilespmem:$0x10]  }
0x14: {  	v5 =	vld [tilespmem:$0x20]  }
0x15: {  	v11 =	vld [tilespmem:$0x50]  }
0x16: {  	v33 =	vld [tilespmem:$0x60]  }
0x17: {  	v36 =	vld [tilespmem:$0x70]  }
0x18: {  	v14 =	vld [tilespmem:$0x80]  }
0x19: {  	v46 =	vld [tilespmem:$0xA0];
	_ =	sdelay $0x1  }
0x1a: {  	v15 =	vld [tilespmem:$0x90];
	v3 =	vshra.s32 v1, $0xB  }
0x1b: {  	v17 =	vld [tilespmem:$0xB0];
	v4 =	vshra.s32 v2, $0xB;
	v24 =	vshra.s32 v5, $0xB;
	v32 =	vshra.s32 v11, $0xB  }
0x1c: {  	v38 =	vshra.s32 v33, $0xB;
	v3 =	vmul.u32 $0x2493, v3;
	v4 =	vmul.u32 $0x2493, v4  }
0x1d: {  	v40 =	vshra.s32 v36, $0xB;
	v44 =	vshra.s32 v14, $0xB;
	v52 =	vshra.s32 v46, $0xB  }
0x1e: {  	v18 =	vmul.u32 $0x2493, v52;
	v3 =	vshra.s32 v3, $0x10;
	v4 =	vshra.s32 v4, $0x10  }
0x1f: {  	v49 =	vshra.s32 v15, $0xB;
	v6 =	vmul.u32 $0xFFFFC800, v3;
	v7 =	vmul.u32 $0xFFFFC800, v4  }
0x20: {  	v57 =	vshra.s32 v17, $0xB;
	v55 =	vshra.s32 v18, $0x10;
	v3 =	vmul.u32 $0x1C00, v3  }
0x21: {  	v8 =	vld [tilespmem:$0x30];
	v4 =	vmul.u32 $0x1C00, v4;
	v1 =	vadd.s32 v1, v6;
	v2 =	vadd.s32 v2, v7  }
0x22: {  	v58 =	vld [tilespmem:$0xC0];
	vm0 =	vgt.s32 v1, $0x1BFF;
	v6 =	vadd.s32 $0x7FFFE400, v1;
	vm1 =	vgt.s32 v2, $0x1BFF  }
0x23: {  	v7 =	vadd.s32 $0x7FFFE400, v2;
	v1 =	vsel vm0, v6, v1;
	v6 =	vmul.u32 $0x2493, v24  }
0x24: {  	v25 =	vld [tilespmem:$0x40];
	v56 =	vmul.u32 $0xFFFFC800, v55;
	v9 =	vsel vm0, $0x1, v0;
	v2 =	vsel vm1, v7, v2  }
0x25: {  	v1 =	vadd.s32 v3, v1;
	v2 =	vadd.s32 v4, v2;
	v6 =	vshra.s32 v6, $0x10  }
0x26: {  	v4 =	vshll.u32 v2, $0x1;
	v2 =	vshra.s32 v8, $0xB;
	v3 =	vmul.u32 $0xFFFFC800, v6  }
0x27: {  	v20 =	vld [tilespmem:$0xE0];
	v10 =	vsel vm1, $0x1, v0;
	v24 =	vshra.s32 v58, $0xB;
	v2 =	vmul.u32 $0x2493, v2  }
0x28: {  	v1 =	vshll.u32 v1, $0x1;
	v6 =	vmul.u32 $0x1C00, v6;
	v3 =	vadd.s32 v5, v3  }
0x29: {  	v61 =	vld [tilespmem:$0xD0];
	v26 =	vshra.s32 v2, $0x10;
	v2 =	vshra.s32 v25, $0xB;
	vm10 =	vgt.s32 v3, $0x1BFF  }
0x2a: {  	v5 =	vadd.s32 $0x7FFFE400, v3;
	v27 =	vmul.u32 $0xFFFFC800, v26;
	v12 =	vmul.u32 $0x2493, v2  }
0x2b: {  	v2 =	vor.u32 v9, v1;
	v1 =	vor.u32 v10, v4;
	v9 =	vmul.u32 $0x2493, v32  }
0x2c: {  	v32 =	vshra.s32 v20, $0xB;
	v3 =	vsel vm10, v5, v3;
	v28 =	vsel vm10, $0x1, v0  }
0x2d: {  	v5 =	vmul.u32 $0x1C00, v26;
	v3 =	vadd.s32 v6, v3;
	v6 =	vadd.s32 v8, v27  }
0x2e: {  	v29 =	vshra.s32 v12, $0x10;
	v35 =	vshra.s32 v9, $0x10;
	v27 =	vshra.s32 v61, $0xB  }
0x2f: {  	v3 =	vshll.u32 v3, $0x1;
	vm11 =	vgt.s32 v6, $0x1BFF;
	v30 =	vadd.s32 $0x7FFFE400, v6  }
0x30: {  	v31 =	vmul.u32 $0xFFFFC800, v29;
	v8 =	vmul.u32 $0x1C00, v29;
	v37 =	vmul.u32 $0xFFFFC800, v35  }
0x31: {  	v21 =	vmul.u32 $0x2493, v27;
	v6 =	vsel vm11, v30, v6;
	v13 =	vsel vm11, $0x1, v0  }
0x32: {  	v3 =	vor.u32 v28, v3;
	v7 =	vadd.s32 v25, v31;
	v5 =	vadd.s32 v5, v6  }
0x33: {  	v6 =	vadd.s32 v11, v37;
	v30 =	vshra.s32 v21, $0x10;
	vm12 =	vgt.s32 v7, $0x1BFF  }
0x34: {  	v10 =	vadd.s32 $0x7FFFE400, v7;
	v5 =	vshll.u32 v5, $0x1;
	vm13 =	vgt.s32 v6, $0x1BFF  }
0x35: {  	v11 =	vadd.s32 $0x7FFFE400, v6;
	v31 =	vmul.u32 $0xFFFFC800, v30;
	v34 =	vsel vm12, v10, v7  }
0x36: {  	v39 =	vsel vm12, $0x1, v0;
	v7 =	vmul.u32 $0x1C00, v35;
	v6 =	vsel vm13, v11, v6  }
0x37: {  	v11 =	vmul.u32 $0x2493, v40;
	v4 =	vadd.s32 v8, v34;
	v8 =	vmul.u32 $0x2493, v38  }
0x38: {  	v5 =	vor.u32 v13, v5;
	v42 =	vsel vm13, $0x1, v0;
	v4 =	vshll.u32 v4, $0x1  }
0x39: {  	v6 =	vadd.s32 v7, v6;
	v11 =	vshra.s32 v11, $0x10;
	v8 =	vshra.s32 v8, $0x10  }
0x3a: {  	v4 =	vor.u32 v39, v4;
	v43 =	vmul.u32 $0xFFFFC800, v11;
	v41 =	vmul.u32 $0xFFFFC800, v8  }
0x3b: {  	v6 =	vshll.u32 v6, $0x1;
	v11 =	vmul.u32 $0x1C00, v11;
	v8 =	vmul.u32 $0x1C00, v8  }
0x3c: {  	v23 =	vld [tilespmem:$0x110];
	v6 =	vor.u32 v42, v6;
	v9 =	vadd.s32 v36, v43;
	v7 =	vadd.s32 v33, v41  }
0x3d: {  	vm15 =	vgt.s32 v9, $0x1BFF;
	v13 =	vadd.s32 $0x7FFFE400, v9;
	vm14 =	vgt.s32 v7, $0x1BFF  }
0x3e: {  	v36 =	vld [tilespmem:$0x100];
	v12 =	vadd.s32 $0x7FFFE400, v7;
	v9 =	vsel vm15, v13, v9;
	v50 =	vsel vm15, $0x1, v0  }
0x3f: {  	v13 =	vmul.u32 $0x1C00, v55;
	v7 =	vsel vm14, v12, v7;
	v16 =	vsel vm14, $0x1, v0  }
0x40: {  	v33 =	vld [tilespmem:$0xF0];
	v12 =	vmul.u32 $0x2493, v44;
	v47 =	vadd.s32 v11, v9;
	v7 =	vadd.s32 v8, v7  }
0x41: {  	v11 =	vshll.u32 v47, $0x1;
	v8 =	vmul.u32 $0x2493, v49;
	v47 =	vshra.s32 v23, $0xB  }
0x42: {  	v45 =	vshra.s32 v12, $0x10;
	v7 =	vshll.u32 v7, $0x1;
	v12 =	vadd.s32 v46, v56  }
0x43: {  	v42 =	vshra.s32 v36, $0xB;
	v48 =	vmul.u32 $0xFFFFC800, v45;
	v10 =	vmul.u32 $0x1C00, v45  }
0x44: {  	v51 =	vshra.s32 v8, $0x10;
	v8 =	vor.u32 v16, v7;
	v7 =	vor.u32 v50, v11  }
0x45: {  	vm6 =	vgt.s32 v12, $0x1BFF;
	v16 =	vadd.s32 $0x7FFFE400, v12;
	v39 =	vshra.s32 v33, $0xB  }
0x46: {  	v53 =	vmul.u32 $0xFFFFC800, v51;
	v59 =	vsel vm6, v16, v12;
	v25 =	vsel vm6, $0x1, v0  }
0x47: {  	v16 =	vmul.u32 $0x1C00, v30;
	v9 =	vadd.s32 v14, v48;
	v11 =	vadd.s32 v13, v59  }
0x48: {  	vm4 =	vgt.s32 v9, $0x1BFF;
	v14 =	vadd.s32 $0x7FFFE400, v9;
	v63 =	vshll.u32 v11, $0x1  }
0x49: {  	v11 =	vmul.u32 $0x2493, v24;
	v24 =	vmul.u32 $0x2493, v42;
	v9 =	vsel vm4, v14, v9  }
0x4a: {  	v48 =	vld [tilespmem:$0x120];
	v54 =	vsel vm4, $0x1, v0;
	v14 =	vmul.u32 $0x1C00, v51;
	v9 =	vadd.s32 v10, v9  }
0x4b: {  	v51 =	vld [tilespmem:$0x130];
	v10 =	vadd.s32 v15, v53;
	v26 =	vshra.s32 v11, $0x10;
	v45 =	vshra.s32 v24, $0x10  }
0x4c: {  	v9 =	vshll.u32 v9, $0x1;
	vm5 =	vgt.s32 v10, $0x1BFF;
	v15 =	vadd.s32 $0x7FFFE400, v10  }
0x4d: {  	v28 =	vmul.u32 $0xFFFFC800, v26;
	v10 =	vsel vm5, v15, v10;
	v15 =	vmul.u32 $0x2493, v57  }
0x4e: {  	v46 =	vmul.u32 $0xFFFFC800, v45;
	v19 =	vsel vm5, $0x1, v0;
	v9 =	vor.u32 v54, v9  }
0x4f: {  	v54 =	vshra.s32 v48, $0xB;
	v10 =	vadd.s32 v14, v10;
	v60 =	vshra.s32 v15, $0x10  }
0x50: {  	v10 =	vshll.u32 v10, $0x1;
	v15 =	vadd.s32 v61, v31;
	v57 =	vshra.s32 v51, $0xB  }
0x51: {  	v62 =	vmul.u32 $0xFFFFC800, v60;
	v12 =	vmul.u32 $0x1C00, v60;
	v11 =	vor.u32 v19, v10  }
0x52: {  	v10 =	vor.u32 v25, v63;
	vm9 =	vgt.s32 v15, $0x1BFF;
	v19 =	vadd.s32 $0x7FFFE400, v15  }
0x53: {  	v27 =	vmul.u32 $0x2493, v57;
	v34 =	vsel vm9, v19, v15;
	v40 =	vsel vm9, $0x1, v0  }
0x54: {  	v19 =	vmul.u32 $0x1C00, v45;
	v13 =	vadd.s32 v17, v62;
	v14 =	vadd.s32 v16, v34  }
0x55: {  	v60 =	vshra.s32 v27, $0x10;
	vm7 =	vgt.s32 v13, $0x1BFF;
	v17 =	vadd.s32 $0x7FFFE400, v13  }
0x56: {  	v38 =	vshll.u32 v14, $0x1;
	v14 =	vmul.u32 $0x2493, v39;
	v61 =	vmul.u32 $0xFFFFC800, v60  }
0x57: {  	v63 =	vld [tilespmem:$0x150];
	v13 =	vsel vm7, v17, v13;
	v29 =	vsel vm7, $0x1, v0;
	v17 =	vmul.u32 $0x1C00, v26  }
0x58: {  	v26 =	vld [tilespmem:$0x140];
	v12 =	vadd.s32 v12, v13;
	v13 =	vadd.s32 v58, v28;
	v41 =	vshra.s32 v14, $0x10  }
0x59: {  	v12 =	vshll.u32 v12, $0x1;
	vm8 =	vgt.s32 v13, $0x1BFF;
	v18 =	vadd.s32 $0x7FFFE400, v13  }
0x5a: {  	v43 =	vmul.u32 $0xFFFFC800, v41;
	v13 =	vsel vm8, v18, v13;
	v18 =	vmul.u32 $0x2493, v32  }
0x5b: {  	v22 =	vsel vm8, $0x1, v0;
	v12 =	vor.u32 v29, v12;
	v13 =	vadd.s32 v17, v13  }
0x5c: {  	v35 =	vshra.s32 v18, $0x10;
	v13 =	vshll.u32 v13, $0x1;
	v18 =	vadd.s32 v36, v46  }
0x5d: {  	v62 =	vshra.s32 v26, $0xB;
	v36 =	vshra.s32 v63, $0xB;
	v37 =	vmul.u32 $0xFFFFC800, v35  }
0x5e: {  	v14 =	vor.u32 v22, v13;
	vm12 =	vgt.s32 v18, $0x1BFF;
	v22 =	vadd.s32 $0x7FFFE400, v18  }
0x5f: {  	v15 =	vmul.u32 $0x1C00, v35;
	v13 =	vor.u32 v40, v38;
	v49 =	vsel vm12, v22, v18  }
0x60: {  	v55 =	vsel vm12, $0x1, v0;
	v22 =	vmul.u32 $0x1C00, v60;
	v16 =	vadd.s32 v20, v37  }
0x61: {  	v17 =	vadd.s32 v19, v49;
	vm10 =	vgt.s32 v16, $0x1BFF;
	v20 =	vadd.s32 $0x7FFFE400, v16  }
0x62: {  	v29 =	vld [tilespmem:$0x170];
	v53 =	vshll.u32 v17, $0x1;
	v17 =	vmul.u32 $0x2493, v54;
	v16 =	vsel vm10, v20, v16  }
0x63: {  	v44 =	vsel vm10, $0x1, v0;
	v20 =	vmul.u32 $0x1C00, v41;
	v15 =	vadd.s32 v15, v16  }
0x64: {  	v16 =	vadd.s32 v33, v43;
	v56 =	vshra.s32 v17, $0x10;
	v15 =	vshll.u32 v15, $0x1  }
0x65: {  	v45 =	vld [tilespmem:$0x180];
	vm11 =	vgt.s32 v16, $0x1BFF;
	v21 =	vadd.s32 $0x7FFFE400, v16;
	v58 =	vmul.u32 $0xFFFFC800, v56  }
0x66: {  	v33 =	vld [tilespmem:$0x160];
	v16 =	vsel vm11, v21, v16;
	v25 =	vsel vm11, $0x1, v0;
	v21 =	vmul.u32 $0x2493, v47  }
0x67: {  	v15 =	vor.u32 v44, v15;
	v44 =	vshra.s32 v29, $0xB;
	v16 =	vadd.s32 v20, v16  }
0x68: {  	v50 =	vshra.s32 v21, $0x10;
	v16 =	vshll.u32 v16, $0x1;
	v21 =	vadd.s32 v51, v61  }
0x69: {  	v52 =	vmul.u32 $0xFFFFC800, v50;
	v18 =	vmul.u32 $0x1C00, v50;
	v17 =	vor.u32 v25, v16  }
0x6a: {  	v16 =	vor.u32 v55, v53;
	vm15 =	vgt.s32 v21, $0x1BFF;
	v25 =	vadd.s32 $0x7FFFE400, v21  }
0x6b: {  	v39 =	vshra.s32 v33, $0xB;
	v50 =	vshra.s32 v45, $0xB;
	v31 =	vsel vm15, v25, v21  }
0x6c: {  	v37 =	vsel vm15, $0x1, v0;
	v30 =	vmul.u32 $0x2493, v39;
	v19 =	vadd.s32 v23, v52  }
0x6d: {  	v20 =	vadd.s32 v22, v31;
	vm13 =	vgt.s32 v19, $0x1BFF;
	v23 =	vadd.s32 $0x7FFFE400, v19  }
0x6e: {  	v35 =	vshll.u32 v20, $0x1;
	v20 =	vmul.u32 $0x2493, v36;
	v42 =	vshra.s32 v30, $0x10  }
0x6f: {  	v36 =	vld [tilespmem:$0x1D0];
	v19 =	vsel vm13, v23, v19;
	v59 =	vsel vm13, $0x1, v0;
	v23 =	vmul.u32 $0x1C00, v56  }
0x70: {  	v43 =	vmul.u32 $0xFFFFC800, v42;
	v25 =	vmul.u32 $0x1C00, v42;
	v18 =	vadd.s32 v18, v19  }
0x71: {  	v56 =	vld [tilespmem:$0x1B0];
	v19 =	vadd.s32 v48, v58;
	v38 =	vshra.s32 v20, $0x10;
	v18 =	vshll.u32 v18, $0x1  }
0x72: {  	vm14 =	vgt.s32 v19, $0x1BFF;
	v24 =	vadd.s32 $0x7FFFE400, v19;
	v40 =	vmul.u32 $0xFFFFC800, v38  }
0x73: {  	v48 =	vld [tilespmem:$0x190];
	v19 =	vsel vm14, v24, v19;
	v28 =	vsel vm14, $0x1, v0;
	v24 =	vmul.u32 $0x2493, v62  }
0x74: {  	v18 =	vor.u32 v59, v18;
	v19 =	vadd.s32 v23, v19;
	v42 =	vshra.s32 v36, $0xB  }
0x75: {  	v32 =	vshra.s32 v24, $0x10;
	v19 =	vshll.u32 v19, $0x1;
	v24 =	vadd.s32 v33, v43  }
0x76: {  	v62 =	vshra.s32 v56, $0xB;
	v43 =	vmul.u32 $0x2493, v42;
	v34 =	vmul.u32 $0xFFFFC800, v32  }
0x77: {  	v21 =	vmul.u32 $0x1C00, v32;
	v20 =	vor.u32 v28, v19;
	v19 =	vor.u32 v37, v35  }
0x78: {  	vm6 =	vgt.s32 v24, $0x1BFF;
	v28 =	vadd.s32 $0x7FFFE400, v24;
	v52 =	vshra.s32 v48, $0xB;
	v32 =	vld [tilespmem:$0x1A0]  }
0x79: {  	v46 =	vsel vm6, v28, v24;
	v51 =	vsel vm6, $0x1, v0;
	v22 =	vadd.s32 v26, v34  }
0x7a: {  	v23 =	vadd.s32 v25, v46;
	vm4 =	vgt.s32 v22, $0x1BFF;
	v26 =	vadd.s32 $0x7FFFE400, v22  }
0x7b: {  	v23 =	vshll.u32 v23, $0x1;
	v22 =	vsel vm4, v26, v22;
	v41 =	vsel vm4, $0x1, v0  }
0x7c: {  	v26 =	vmul.u32 $0x1C00, v38;
	v23 =	vor.u32 v51, v23;
	v21 =	vadd.s32 v21, v22  }
0x7d: {  	v22 =	vadd.s32 v63, v40;
	v33 =	vshra.s32 v32, $0xB;
	v21 =	vshll.u32 v21, $0x1  }
0x7e: {  	vm5 =	vgt.s32 v22, $0x1BFF;
	v27 =	vadd.s32 $0x7FFFE400, v22;
	v59 =	vmul.u32 $0x2493, v33  }
0x7f: {  	v63 =	vld [tilespmem:$0x1C0];
	v22 =	vsel vm5, v27, v22;
	v31 =	vsel vm5, $0x1, v0;
	v27 =	vmul.u32 $0x2493, v44  }
0x80: {  	v21 =	vor.u32 v41, v21;
	v22 =	vadd.s32 v26, v22;
	v26 =	vmul.u32 $0x2493, v50  }
0x81: {  	v47 =	vshra.s32 v27, $0x10;
	v22 =	vshll.u32 v22, $0x1;
	v27 =	vshra.s32 v59, $0x10  }
0x82: {  	v49 =	vmul.u32 $0xFFFFC800, v47;
	v24 =	vmul.u32 $0x1C00, v47;
	v26 =	vshra.s32 v26, $0x10  }
0x83: {  	v22 =	vor.u32 v31, v22;
	v61 =	vmul.u32 $0xFFFFC800, v27;
	v31 =	vmul.u32 $0x2493, v62  }
0x84: {  	v34 =	vmul.u32 $0x1C00, v27;
	v37 =	vshra.s32 v63, $0xB;
	v53 =	vmul.u32 $0xFFFFC800, v26  }
0x85: {  	[tilespmem:$0x30] =	vst v5;
	v26 =	vmul.u32 $0x1C00, v26;
	v5 =	vmul.u32 $0x2493, v37;
	v25 =	vadd.s32 v29, v49  }
0x86: {  	[tilespmem:$0x40] =	vst v4;
	v4 =	vshra.s32 v31, $0x10;
	vm7 =	vgt.s32 v25, $0x1BFF;
	v29 =	vadd.s32 $0x7FFFE400, v25  }
0x87: {  	v35 =	vmul.u32 $0xFFFFC800, v4;
	v4 =	vmul.u32 $0x1C00, v4;
	v5 =	vshra.s32 v5, $0x10  }
0x88: {  	v25 =	vsel vm7, v29, v25;
	v29 =	vmul.u32 $0x2493, v52;
	v54 =	vsel vm7, $0x1, v0  }
0x89: {  	[tilespmem:$0x0] =	vst v2;
	v41 =	vmul.u32 $0xFFFFC800, v5;
	v5 =	vmul.u32 $0x1C00, v5;
	v24 =	vadd.s32 v24, v25  }
0x8a: {  	[tilespmem:$0x10] =	vst v1;
	v25 =	vadd.s32 v45, v53;
	v38 =	vadd.s32 v56, v35;
	v24 =	vshll.u32 v24, $0x1  }
0x8b: {  	[tilespmem:$0x20] =	vst v3;
	v29 =	vshra.s32 v29, $0x10;
	vm8 =	vgt.s32 v25, $0x1BFF;
	v57 =	vadd.s32 $0x7FFFE400, v25  }
0x8c: {  	[tilespmem:$0x60] =	vst v8;
	vm11 =	vgt.s32 v38, $0x1BFF;
	v8 =	vadd.s32 $0x7FFFE400, v38;
	v24 =	vor.u32 v54, v24  }
0x8d: {  	[tilespmem:$0x50] =	vst v6;
	v40 =	vld [tilespmem:$0x1E0];
	v55 =	vmul.u32 $0xFFFFC800, v29;
	v2 =	vsel vm8, v57, v25;
	v60 =	vmul.u32 $0x1C00, v29  }
0x8e: {  	[tilespmem:$0x70] =	vst v7;
	v6 =	vsel vm11, v8, v38;
	v44 =	vsel vm11, $0x1, v0;
	v8 =	vadd.s32 v63, v41  }
0x8f: {  	[tilespmem:$0x80] =	vst v9;
	v1 =	vadd.s32 v26, v2;
	v2 =	vsel vm8, $0x1, v0;
	v4 =	vadd.s32 v4, v6  }
0x90: {  	[tilespmem:$0x90] =	vst v11;
	v45 =	vld [tilespmem:$0x1F0];
	vm12 =	vgt.s32 v8, $0x1BFF;
	v46 =	vadd.s32 $0x7FFFE400, v8;
	v6 =	vshra.s32 v43, $0x10  }
0x91: {  	[tilespmem:$0xA0] =	vst v10;
	v58 =	vadd.s32 v48, v55;
	v1 =	vshll.u32 v1, $0x1;
	v4 =	vshll.u32 v4, $0x1  }
0x92: {  	[tilespmem:$0xB0] =	vst v12;
	v47 =	vmul.u32 $0xFFFFC800, v6;
	v48 =	vshra.s32 v40, $0xB;
	v49 =	vsel vm12, v46, v8  }
0x93: {  	[tilespmem:$0xC0] =	vst v14;
	v51 =	vsel vm12, $0x1, v0;
	v6 =	vmul.u32 $0x1C00, v6;
	vm9 =	vgt.s32 v58, $0x1BFF  }
0x94: {  	[tilespmem:$0xD0] =	vst v13;
	v3 =	vadd.s32 $0x7FFFE400, v58;
	v1 =	vor.u32 v2, v1;
	v4 =	vor.u32 v44, v4  }
0x95: {  	[tilespmem:$0xE0] =	vst v15;
	v50 =	vmul.u32 $0x2493, v48;
	v5 =	vadd.s32 v5, v49;
	v53 =	vshra.s32 v45, $0xB  }
0x96: {  	[tilespmem:$0xF0] =	vst v17;
	v3 =	vsel vm9, v3, v58;
	v52 =	vadd.s32 v36, v47;
	v12 =	vmul.u32 $0x2493, v53  }
0x97: {  	[tilespmem:$0x100] =	vst v16;
	v5 =	vshll.u32 v5, $0x1;
	v3 =	vadd.s32 v60, v3;
	vm13 =	vgt.s32 v52, $0x1BFF  }
0x98: {  	[tilespmem:$0x180] =	vst v1;
	v8 =	vshra.s32 v50, $0x10;
	v54 =	vadd.s32 $0x7FFFE400, v52;
	v1 =	vor.u32 v51, v5  }
0x99: {  	[tilespmem:$0x110] =	vst v18;
	v2 =	vshll.u32 v3, $0x1;
	v3 =	vadd.s32 v32, v61;
	v32 =	vsel vm9, $0x1, v0  }
0x9a: {  	[tilespmem:$0x120] =	vst v20;
	v55 =	vmul.u32 $0xFFFFC800, v8;
	v11 =	vsel vm13, v54, v52;
	v56 =	vsel vm13, $0x1, v0  }
0x9b: {  	[tilespmem:$0x130] =	vst v19;
	v12 =	vshra.s32 v12, $0x10;
	vm10 =	vgt.s32 v3, $0x1BFF;
	v33 =	vadd.s32 $0x7FFFE400, v3  }
0x9c: {  	[tilespmem:$0x160] =	vst v23;
	v2 =	vor.u32 v32, v2;
	v57 =	vmul.u32 $0xFFFFC800, v12;
	v58 =	vadd.s32 v6, v11  }
0x9d: {  	[tilespmem:$0x140] =	vst v21;
	v62 =	vmul.u32 $0x1C00, v12;
	v3 =	vsel vm10, v33, v3;
	v39 =	vsel vm10, $0x1, v0  }
0x9e: {  	v9 =	vadd.s32 v40, v55;
	[tilespmem:$0x190] =	vst v2;
	v2 =	vmul.u32 $0x1C00, v8;
	v3 =	vadd.s32 v34, v3  }
0x9f: {  	[tilespmem:$0x150] =	vst v22;
	v63 =	vshll.u32 v58, $0x1;
	vm14 =	vgt.s32 v9, $0x1BFF;
	v3 =	vshll.u32 v3, $0x1  }
0xa0: {  	[tilespmem:$0x170] =	vst v24;
	v14 =	vadd.s32 $0x7FFFE400, v9;
	v60 =	vadd.s32 v45, v57;
	v3 =	vor.u32 v39, v3  }
0xa1: {  	v59 =	vsel vm14, v14, v9;
	vm15 =	vgt.s32 v60, $0x1BFF;
	[tilespmem:$0x1A0] =	vst v3;
	v3 =	vadd.s32 $0x7FFFE400, v60  }
0xa2: {  	[tilespmem:$0x1C0] =	vst v1;
	v1 =	vor.u32 v56, v63;
	v2 =	vadd.s32 v2, v59;
	v3 =	vsel vm15, v3, v60  }
0xa3: {  	[tilespmem:$0x1B0] =	vst v4;
	v61 =	vsel vm14, $0x1, v0;
	v2 =	vshll.u32 v2, $0x1;
	v3 =	vadd.s32 v62, v3  }
0xa4: {  	[tilespmem:$0x1D0] =	vst v1;
	v1 =	vor.u32 v61, v2;
	v2 =	vshll.u32 v3, $0x1;
	v3 =	vsel vm15, $0x1, v0  }
0xa5: {  	[tilespmem:$0x1E0] =	vst v1;
	v1 =	vor.u32 v3, v2  }
0xa6: {  	[tilespmem:$0x1F0] =	vst v1  }
0xa7: {  	[tilespmem:s9], [sflag:$0x1] =	stream.indirect.gather [hbm4b:s3+s8], $0x40, s2, s8, $0xb8;
	[tilespmem:$0x8200] =	vst v63  }
0xa8: {  	_ = 	snop  }
0xa9: {  	[tilespmem:s10], [sflag:$0x1] =	stream.indirect.gather [hbm4b:s3+s8], $0x40, s8, s8, $0xb8;
	[tilespmem:$0x8200] =	vst v63  }
0xaa: {  	_ = 	snop  }
0xab: {  	[tilespmem:s12], [sflag:$0x1] =	stream.indirect.gather [hbm4b:s3+s8], $0x40, s11, s8, $0xb8;
	[tilespmem:$0x8200] =	vst v63  }
0xac: {  	_ = 	snop  }
0xad: {  	[tilespmem:s14], [sflag:$0x1] =	stream.indirect.gather [hbm4b:s3+s8], $0x40, s13, s8, $0xb8;
	[tilespmem:$0x8200] =	vst v63  }
0xae: {  	_ =	swait.ge [sflag:s15], $0x2000  }
0xaf: {  	[sflag:s15] =	ssyncset.done $0x0  }
0xb0: {  	[sflag:s15] =	ssyncadd.s32 $0xFFFFE000  }
0xb1: {  	_ =	swait.ge [sflag:s15], $0x2000  }
0xb2: {  	[sflag:s15] =	ssyncset.done $0x0  }
0xb3: {  	[sflag:s15] =	ssyncadd.s32 $0xFFFFE000  }
0xb4: {  	_ =	swait.ge [sflag:s15], $0x2000  }
0xb5: {  	[sflag:s15] =	ssyncset.done $0x0  }
0xb6: {  	[sflag:s15] =	ssyncadd.s32 $0xFFFFE000  }
0xb7: {  	_ =	swait.ge [sflag:s15], $0x2000  }
0xb8: {  	p0 =	sne.s32 s6, $0x1;
	[sflag:s15] =	ssyncset.done $0x0  }
.Ltmp0:
0xb9: {  	[sflag:s15] =	ssyncadd.s32 $0xFFFFE000;
	(pc) =	sbr.rel @p0 .LBB2_1-.Ltmp0, $4  }
0xba: {  	[hbm4b:s5+s16] =	stream.strided.scatter [tilespmem:s9], [sflag:$0x2], $0x8000, s8, s16, $0x38;
	[tilespmem:$0x8200] =	vst v63  }
0xbb: {  	_ =	swait.ge [sflag:s7], $0x8000  }
0xbc: {  	[sflag:s7] =	ssyncset.done $0x0  }
0xbd: {  	s6 =	sadd.s32 $0xFFFFFFFF, s6;
	[sflag:s7] =	ssyncadd.s32 $0xFFFF8000  }
0xbe: {  	_ =	sfence.sel $0x180000  }
0xbf: {  	[bflag:$0x0] =	sbarrier.arrive $0xFFFF  }
0xc0: {  	p0 =	sne.s32 s1, $0x0;
	_ =	strace $0x90000047  }
0xc1: {  	s0 =	sadd.s32 @!p0 $0x100000, s0;
	[bflag:$0x2] =	sbarrier.arrive $0xFFFF  }
0xc2: {  	[sflag:s0] =	ssyncadd.tile.s32 @!p0 $0x1;
	_ =	shalt  }
.Lfunc_end2:
_tile_overlayer_lowered:
.L_overlay_start_2:
0xc3: {  	(tag) =	ssettag $0x2  }
0xc4: {  	s0 =	rddreg [dreg:$0x0];
	s2 =	stileid.u32  }
0xc5: {  	s1 =	rddreg [dreg:$0x1];
	p0 =	sne.s32 s2, $0x0  }
0xc6: {  	s3 =	rddreg [dreg:$0x2];
	[bflag:$0x3] =	sbarrier.arrive $0xFFFF;
	s2 =	simm.s32 @!p0 $0x1C02  }
0xc7: {  	[timem:s3], [sflag:s2] =	dma.local @!p0 [hbm:s0], s1  }
0xc8: {  	s0 =	simm.s32 @!p0 $0x2  }
0xc9: {  	_ =	swait.ge @!p0 [sflag:s0], s1  }
0xca: {  	s1 =	ssub.s32 @!p0 $0x0, s1;
	[sflag:s0] =	ssyncset.done @!p0 $0x0  }
0xcb: {  	[sflag:s0] =	ssyncadd.s32 @!p0 s1  }
0xcc: {  	[bflag:$0x3] =	sbarrier.arrive $0xFFFF  }
0xcd: {  	_ =	shalt  }

</sc_bundles>
